<compile_context>
chip_gen: v7x
topology: tpu7x:2x2x1
jax: 0.10.2.dev20260603
libtpu: 0.0.44.dev20260713+nightly
codegen_flags: <defaults>
</compile_context>

<pallas_src>
import jax
import jax.numpy as jnp
from jax import lax
from jax.experimental import pallas as pl
from jax.experimental.pallas import tpu as pltpu
from jax.experimental.pallas import tpu_sc as plsc

NSITES = 64
NTIMES = 8192
NBASE = 2016
NFRAMES = 4096

NC = 2
NS = 16
NW = NC * NS
L = 16

FPW = NFRAMES // NW
FCH = 16
NCH = FPW // FCH
RCH = 4
NRCH = FPW // RCH
GROUPS = NBASE // L
UNROLL = 6
SUBW = 32
NSUB = NTIMES * 2 * NBASE // 128
B8 = NBASE // 8
FT = NFRAMES // 128


def _tc_clip(gt_ref, out_ref):
    x = gt_ref[...]
    x = (x + jnp.pi) % (2.0 * jnp.pi) - jnp.pi
    out_ref[...] = jnp.clip(x, -jnp.pi, jnp.pi)


def _sc_body(bl_hbm, fr_hbm, fr2_hbm, cgt_hbm, gi_hbm, gj_hbm,
             idx1_v, idx2_v, cols_v, rows_v, gi_v, gj_v,
             sem_cols, sem_rows0, sem_rows1, sem_out):
    wid = lax.axis_index("s") * NC + lax.axis_index("c")
    fbase = wid * FPW

    pltpu.sync_copy(fr_hbm.at[pl.ds(fbase, FPW)], idx1_v)
    cols_cp = pltpu.async_copy(cgt_hbm.at[idx1_v], cols_v, sem_cols)
    pltpu.sync_copy(fr2_hbm.at[pl.ds(wid * NRCH, NRCH)], idx2_v)

    iota = lax.iota(jnp.int32, L)
    iota2 = iota * 2
    io8 = jax.lax.shift_right_logical(iota, 3)
    io7 = jnp.bitwise_and(iota, 7)
    zero_v = jnp.zeros((L,), jnp.int32)

    row_sems = (sem_rows0, sem_rows1)

    def start_chunk(rc, buf):
        pltpu.async_copy(
            bl_hbm.at[idx2_v.at[rc]], rows_v.at[buf], row_sems[buf])

    def wait_chunk(buf):
        pltpu.make_async_copy(
            bl_hbm.at[idx2_v.at[0]], rows_v.at[buf], row_sems[buf]).wait()

    def drain_out():
        dst0 = gi_hbm.at[
            pl.ds(0, B8), pl.ds(wid, 1), pl.ds(0, 8), pl.ds(0, FCH)]
        pltpu.make_async_copy(gi_v, dst0, sem_out).wait()
        pltpu.make_async_copy(gj_v, dst0, sem_out).wait()

    def compute(p, buf, fc):
        fw = p * 2 * RCH + buf * RCH + fc
        fl = jnp.bitwise_and(fw, FCH - 1)
        buf_vec = jnp.full((L,), buf, jnp.int32)
        fc_vec = jnp.full((L,), fc, jnp.int32)
        fl_vec = jnp.broadcast_to(fl, (L,)).astype(jnp.int32)
        fw_vec = jnp.broadcast_to(fw, (L,)).astype(jnp.int32)

        def body(g6, _):
            for u in range(UNROLL):
                g = g6 * UNROLL + u
                e = g * (2 * L) + iota2
                ivals = plsc.load_gather(rows_v, [buf_vec, fc_vec, e])
                jvals = plsc.load_gather(rows_v, [buf_vec, fc_vec, e + 1])
                gi = plsc.load_gather(cols_v, [fw_vec, ivals])
                gj = plsc.load_gather(cols_v, [fw_vec, jvals])
                i0 = 2 * g + io8
                plsc.store_scatter(gi_v, [i0, zero_v, io7, fl_vec], gi)
                plsc.store_scatter(gj_v, [i0, zero_v, io7, fl_vec], gj)
            return 0

        lax.fori_loop(0, GROUPS // UNROLL, body, 0)

    start_chunk(jnp.int32(0), 0)
    cols_cp.wait()

    def pair_body(p, _):
        start_chunk(2 * p + 1, 1)
        wait_chunk(0)

        @pl.when(jnp.logical_and(jnp.bitwise_and(p, 1) == 0, p >= 2))
        def _():
            drain_out()

        for fc in range(RCH):
            compute(p, 0, fc)

        @pl.when(2 * p + 2 < NRCH)
        def _():
            start_chunk(2 * p + 2, 0)

        wait_chunk(1)
        for fc in range(RCH):
            compute(p, 1, fc)

        @pl.when(jnp.bitwise_and(p, 1) == 1)
        def _():
            c = jax.lax.shift_right_logical(p, 1)
            dst = lambda ref: ref.at[
                pl.ds(0, B8), pl.ds(wid, 1), pl.ds(0, 8),
                pl.ds(c * FCH, FCH)]
            pltpu.async_copy(gi_v, dst(gi_hbm), sem_out)
            pltpu.async_copy(gj_v, dst(gj_hbm), sem_out)

        return 0

    lax.fori_loop(0, NRCH // 2, pair_body, 0)
    drain_out()


_sc_call = pl.kernel(
    _sc_body,
    out_type=(
        jax.ShapeDtypeStruct((B8, FT, 8, 128), jnp.float32),
        jax.ShapeDtypeStruct((B8, FT, 8, 128), jnp.float32),
    ),
    mesh=plsc.VectorSubcoreMesh(
        core_axis_name="c", subcore_axis_name="s",
        num_cores=NC, num_subcores=NS),
    compiler_params=pltpu.CompilerParams(
        needs_layout_passes=False, use_tc_tiling_on_sc=False),
    scratch_types=[
        pltpu.VMEM((FPW,), jnp.int32),
        pltpu.VMEM((NRCH, RCH), jnp.int32),
        pltpu.VMEM((FPW, NSITES), jnp.float32),
        pltpu.VMEM((2, RCH, 2 * NBASE), jnp.int32),
        pltpu.VMEM((B8, 1, 8, FCH), jnp.float32),
        pltpu.VMEM((B8, 1, 8, FCH), jnp.float32),
        pltpu.SemaphoreType.DMA,
        pltpu.SemaphoreType.DMA,
        pltpu.SemaphoreType.DMA,
        pltpu.SemaphoreType.DMA,
    ],
)


def kernel(baselines, frames, gains):
    bl_flat = baselines.reshape(NTIMES, 2 * NBASE)
    fr2 = frames.reshape(NFRAMES // RCH, RCH)
    gt = gains.T
    cgt = pl.pallas_call(
        _tc_clip,
        out_shape=jax.ShapeDtypeStruct((NTIMES, NSITES), jnp.float32),
    )(gt)
    x, y = _sc_call(bl_flat, frames, fr2, cgt)
    gi = x.transpose(1, 3, 0, 2).reshape(NFRAMES, NBASE)
    gj = y.transpose(1, 3, 0, 2).reshape(NFRAMES, NBASE)
    return gi, gj

# --- scband reference (transcript-rebuilt; emitter-appended) ---
"""Pipeline reference for scband-phase-gains-25185688224538 (READ-ONLY COPY).

The authoritative reference and input builder live on the scoring server;
editing this copy changes nothing except your own understanding.
"""

import jax, jax.numpy as jnp
import numpy as np

NSITES = 64
NTIMES = 8192
NBASE = 2016
NFRAMES = 4096

def _clipping(x):
    x = (x + jnp.pi) % (2 * jnp.pi) - jnp.pi
    return jnp.clip(x, -jnp.pi, jnp.pi)

def setup_inputs(seed: int = 0) -> dict:
    key = jax.random.key(seed)
    k1, k2, k3 = jax.random.split(key, 3)
    baselines = jax.random.randint(k1, (NTIMES, NBASE, 2), 0, NSITES, dtype=jnp.int64 if jax.config.jax_enable_x64 else jnp.int32).astype(jnp.int32)
    frames = jax.random.randint(k2, (NFRAMES,), 0, NTIMES).astype(jnp.int32)
    # learned parameter 'gains' (original init is zeros; use small randn for a non-degenerate test)
    gains = jax.random.normal(k3, (NSITES, NTIMES), dtype=jnp.float32) * 0.5
    return {"baselines": baselines, "frames": frames, "gains": gains}

def reference(baselines, frames, gains):
    i = baselines[frames, :, 0]
    j = baselines[frames, :, 1]
    gi = _clipping(gains[i, frames.reshape(-1, 1)])
    gj = _clipping(gains[j, frames.reshape(-1, 1)])
    return (gi, gj)

if __name__ == "__main__":
    import jax
    _d = setup_inputs()
    print(jax.jit(kernel)(*tuple(_d.values())))

</pallas_src>

<mosaic_0001>
#map = affine_map<(d0, d1) -> (0, 0)>
#map1 = affine_map<(d0, d1) -> (0)>
#map2 = affine_map<(d0, d1) -> (0, 0, 0, 0)>
module attributes {stable_mosaic.version = 14 : i64} {
  func.func @_sc_body(%arg0: i32, %arg1: i32, %arg2: memref<8192x4032xi32, #tpu.memory_space<hbm>>, %arg3: memref<4096xi32, #tpu.memory_space<hbm>>, %arg4: memref<1024x4xi32, #tpu.memory_space<hbm>>, %arg5: memref<8192x64xf32, #tpu.memory_space<hbm>>, %arg6: memref<252x32x8x128xf32, #tpu.memory_space<hbm>>, %arg7: memref<252x32x8x128xf32, #tpu.memory_space<hbm>>, %arg8: memref<128xi32, #tpu.memory_space<vmem>>, %arg9: memref<32x4xi32, #tpu.memory_space<vmem>>, %arg10: memref<128x64xf32, #tpu.memory_space<vmem>>, %arg11: memref<2x4x4032xi32, #tpu.memory_space<vmem>>, %arg12: memref<252x1x8x16xf32, #tpu.memory_space<vmem>>, %arg13: memref<252x1x8x16xf32, #tpu.memory_space<vmem>>, %arg14: memref<!tpu.dma_semaphore, #tpu.memory_space<semaphore_mem>>, %arg15: memref<!tpu.dma_semaphore, #tpu.memory_space<semaphore_mem>>, %arg16: memref<!tpu.dma_semaphore, #tpu.memory_space<semaphore_mem>>, %arg17: memref<!tpu.dma_semaphore, #tpu.memory_space<semaphore_mem>>) attributes {dimension_semantics = [#tpu.dimension_semantics<core_parallel>, #tpu.dimension_semantics<subcore_parallel>], iteration_bounds = array<i64: 2, 16>, scalar_prefetch = 0 : i64, scratch_operands = 10 : i64, tpu.core_type = #tpu.core_type<sc_vector_subcore>, window_params = [{transform_indices = #map}, {transform_indices = #map1}, {transform_indices = #map}, {transform_indices = #map}, {transform_indices = #map2}, {transform_indices = #map2}]} {
    %mul3A = arith.constant 2 : i32
    %mul3A_0 = arith.muli %arg1, %mul3A : i32
    %add3A = arith.addi %mul3A_0, %arg0 : i32
    %mul3A_1 = arith.constant 128 : i32
    %mul3A_2 = arith.muli %add3A, %mul3A_1 : i32
    "tpu.region"() ({
      %run_scoped3A = tpu.sem_alloc : memref<!tpu.dma_semaphore, #tpu.memory_space<semaphore_mem>>
      %dma_start3A_51 = tpu.memref_slice %arg3[%mul3A_2] : memref<4096xi32, #tpu.memory_space<hbm>> -> memref<128xi32, #tpu.memory_space<hbm>>
      %dma_start3A_52 = tpu.memref_slice %arg3[%mul3A_2] : memref<4096xi32, #tpu.memory_space<hbm>> -> memref<128xi32, #tpu.memory_space<hbm>>
      tpu.enqueue_dma source(%dma_start3A_52 : memref<128xi32, #tpu.memory_space<hbm>>) target(%arg8 : memref<128xi32, #tpu.memory_space<vmem>>) target_semaphore(%run_scoped3A : memref<!tpu.dma_semaphore, #tpu.memory_space<semaphore_mem>>)
      %dma_wait3A_53 = tpu.memref_slice %arg3[%mul3A_2] : memref<4096xi32, #tpu.memory_space<hbm>> -> memref<128xi32, #tpu.memory_space<hbm>>
      %dma_wait3A_54 = tpu.memref_slice %arg3[%mul3A_2] : memref<4096xi32, #tpu.memory_space<hbm>> -> memref<128xi32, #tpu.memory_space<hbm>>
      tpu.wait_dma2 semaphore(%run_scoped3A : memref<!tpu.dma_semaphore, #tpu.memory_space<semaphore_mem>>) src(%dma_wait3A_54 : memref<128xi32, #tpu.memory_space<hbm>>) dst(%arg8 : memref<128xi32, #tpu.memory_space<vmem>>)
      tpu.yield
    }) : () -> ()
    %dma_start3A = arith.constant 0 : i32
    %dma_start3A_3 = arith.constant 0 : i32
    %dma_start3A_4 = tpu.memref_slice %arg5[%dma_start3A, %dma_start3A_3] : memref<8192x64xf32, #tpu.memory_space<hbm>> -> memref<8192x64xf32, #tpu.memory_space<hbm>>
    tpu.enqueue_indirect_dma source(%dma_start3A_4 : memref<8192x64xf32, #tpu.memory_space<hbm>>) target(%arg10 : memref<128x64xf32, #tpu.memory_space<vmem>>) offsets(%arg8 : memref<128xi32, #tpu.memory_space<vmem>>) semaphore(%arg14 : memref<!tpu.dma_semaphore, #tpu.memory_space<semaphore_mem>>)
    %mul3A_5 = arith.constant 32 : i32
    %mul3A_6 = arith.muli %add3A, %mul3A_5 : i32
    "tpu.region"() ({
      %run_scoped3A = tpu.sem_alloc : memref<!tpu.dma_semaphore, #tpu.memory_space<semaphore_mem>>
      %dma_start3A_51 = arith.constant 0 : i32
      %dma_start3A_52 = tpu.memref_slice %arg4[%mul3A_6, %dma_start3A_51] : memref<1024x4xi32, #tpu.memory_space<hbm>> -> memref<32x4xi32, #tpu.memory_space<hbm>>
      %dma_start3A_53 = arith.constant 0 : i32
      %dma_start3A_54 = tpu.memref_slice %arg4[%mul3A_6, %dma_start3A_53] : memref<1024x4xi32, #tpu.memory_space<hbm>> -> memref<32x4xi32, #tpu.memory_space<hbm>>
      tpu.enqueue_dma source(%dma_start3A_54 : memref<32x4xi32, #tpu.memory_space<hbm>>) target(%arg9 : memref<32x4xi32, #tpu.memory_space<vmem>>) target_semaphore(%run_scoped3A : memref<!tpu.dma_semaphore, #tpu.memory_space<semaphore_mem>>)
      %dma_wait3A_55 = arith.constant 0 : i32
      %dma_wait3A_56 = tpu.memref_slice %arg4[%mul3A_6, %dma_wait3A_55] : memref<1024x4xi32, #tpu.memory_space<hbm>> -> memref<32x4xi32, #tpu.memory_space<hbm>>
      %dma_wait3A_57 = arith.constant 0 : i32
      %dma_wait3A_58 = tpu.memref_slice %arg4[%mul3A_6, %dma_wait3A_57] : memref<1024x4xi32, #tpu.memory_space<hbm>> -> memref<32x4xi32, #tpu.memory_space<hbm>>
      tpu.wait_dma2 semaphore(%run_scoped3A : memref<!tpu.dma_semaphore, #tpu.memory_space<semaphore_mem>>) src(%dma_wait3A_58 : memref<32x4xi32, #tpu.memory_space<hbm>>) dst(%arg9 : memref<32x4xi32, #tpu.memory_space<vmem>>)
      tpu.yield
    }) : () -> ()
    %iota3A = tpu.iota {dimensions = array<i32: 0>} : vector<16xi32>
    %mul3A_7 = arith.constant 2 : i32
    %mul3A_8 = vector.broadcast %mul3A_7 : i32 to vector<16xi32>
    %mul3A_9 = arith.muli %iota3A, %mul3A_8 : vector<16xi32>
    %shift_right_logical3A = arith.constant 3 : i32
    %shift_right_logical3A_10 = vector.broadcast %shift_right_logical3A : i32 to vector<16xi32>
    %shift_right_logical3A_11 = arith.shrui %iota3A, %shift_right_logical3A_10 : vector<16xi32>
    %and3A = arith.constant 7 : i32
    %and3A_12 = vector.broadcast %and3A : i32 to vector<16xi32>
    %and3A_13 = arith.andi %iota3A, %and3A_12 : vector<16xi32>
    %broadcast_in_dim3A = arith.constant 0 : i32
    %broadcast_in_dim3A_14 = vector.broadcast %broadcast_in_dim3A : i32 to vector<16xi32>
    %dma_start3A_15 = arith.constant 0 : i32
    %dma_start3A_16 = arith.constant 0 : i32
    %dma_start3A_17 = arith.constant 0 : i32
    %dma_start3A_18 = arith.constant 0 : i32
    %dma_start3A_19 = tpu.memref_slice %arg11[%dma_start3A_16, %dma_start3A_17, %dma_start3A_18] : memref<2x4x4032xi32, #tpu.memory_space<vmem>> -> memref<1x4x4032xi32, #tpu.memory_space<vmem>>
    %dma_start3A_20 = tpu.memref_squeeze %dma_start3A_19 : memref<1x4x4032xi32, #tpu.memory_space<vmem>> -> memref<4x4032xi32, #tpu.memory_space<vmem>>
    %dma_start3A_21 = arith.constant 0 : i32
    %dma_start3A_22 = tpu.memref_slice %arg9[%dma_start3A_15, %dma_start3A_21] : memref<32x4xi32, #tpu.memory_space<vmem>> -> memref<1x4xi32, #tpu.memory_space<vmem>>
    %dma_start3A_23 = tpu.memref_squeeze %dma_start3A_22 : memref<1x4xi32, #tpu.memory_space<vmem>> -> memref<4xi32, #tpu.memory_space<vmem>>
    %dma_start3A_24 = arith.constant 0 : i32
    %dma_start3A_25 = arith.constant 0 : i32
    %dma_start3A_26 = tpu.memref_slice %arg2[%dma_start3A_24, %dma_start3A_25] : memref<8192x4032xi32, #tpu.memory_space<hbm>> -> memref<8192x4032xi32, #tpu.memory_space<hbm>>
    tpu.enqueue_indirect_dma source(%dma_start3A_26 : memref<8192x4032xi32, #tpu.memory_space<hbm>>) target(%dma_start3A_20 : memref<4x4032xi32, #tpu.memory_space<vmem>>) offsets(%dma_start3A_23 : memref<4xi32, #tpu.memory_space<vmem>>) semaphore(%arg15 : memref<!tpu.dma_semaphore, #tpu.memory_space<semaphore_mem>>)
    %dma_wait3A = arith.constant 0 : i32
    %dma_wait3A_27 = arith.constant 0 : i32
    %dma_wait3A_28 = tpu.memref_slice %arg5[%dma_wait3A, %dma_wait3A_27] : memref<8192x64xf32, #tpu.memory_space<hbm>> -> memref<8192x64xf32, #tpu.memory_space<hbm>>
    tpu.wait_indirect_dma semaphore(%arg14 : memref<!tpu.dma_semaphore, #tpu.memory_space<semaphore_mem>>) src(%dma_wait3A_28 : memref<8192x64xf32, #tpu.memory_space<hbm>>) dst(%arg10 : memref<128x64xf32, #tpu.memory_space<vmem>>)
    %scan3A = arith.constant 0 : i32
    %scan3A_29 = arith.constant 0 : i32
    %scan3A_30 = arith.constant 16 : i32
    %scan3A_31 = arith.addi %scan3A_29, %scan3A_30 : i32
    %scan3A_32 = arith.constant 1 : i32
    %scan3A_33 = scf.for %scan3A_51 = %scan3A_29 to %scan3A_31 step %scan3A_32 iter_args(%scan3A_52 = %scan3A) -> (i32)  : i32 {
      %mul3A_53 = arith.constant 2 : i32
      %mul3A_54 = arith.muli %mul3A_53, %scan3A_51 : i32
      %add3A_55 = arith.constant 1 : i32
      %add3A_56 = arith.addi %mul3A_54, %add3A_55 : i32
      %dma_start3A_57 = arith.constant 1 : i32
      %dma_start3A_58 = arith.constant 0 : i32
      %dma_start3A_59 = arith.constant 0 : i32
      %dma_start3A_60 = tpu.memref_slice %arg11[%dma_start3A_57, %dma_start3A_58, %dma_start3A_59] : memref<2x4x4032xi32, #tpu.memory_space<vmem>> -> memref<1x4x4032xi32, #tpu.memory_space<vmem>>
      %dma_start3A_61 = tpu.memref_squeeze %dma_start3A_60 : memref<1x4x4032xi32, #tpu.memory_space<vmem>> -> memref<4x4032xi32, #tpu.memory_space<vmem>>
      %dma_start3A_62 = arith.constant 0 : i32
      %dma_start3A_63 = tpu.memref_slice %arg9[%add3A_56, %dma_start3A_62] : memref<32x4xi32, #tpu.memory_space<vmem>> -> memref<1x4xi32, #tpu.memory_space<vmem>>
      %dma_start3A_64 = tpu.memref_squeeze %dma_start3A_63 : memref<1x4xi32, #tpu.memory_space<vmem>> -> memref<4xi32, #tpu.memory_space<vmem>>
      %dma_start3A_65 = arith.constant 0 : i32
      %dma_start3A_66 = arith.constant 0 : i32
      %dma_start3A_67 = tpu.memref_slice %arg2[%dma_start3A_65, %dma_start3A_66] : memref<8192x4032xi32, #tpu.memory_space<hbm>> -> memref<8192x4032xi32, #tpu.memory_space<hbm>>
      tpu.enqueue_indirect_dma source(%dma_start3A_67 : memref<8192x4032xi32, #tpu.memory_space<hbm>>) target(%dma_start3A_61 : memref<4x4032xi32, #tpu.memory_space<vmem>>) offsets(%dma_start3A_64 : memref<4xi32, #tpu.memory_space<vmem>>) semaphore(%arg16 : memref<!tpu.dma_semaphore, #tpu.memory_space<semaphore_mem>>)
      %dma_wait3A_68 = arith.constant 0 : i32
      %dma_wait3A_69 = arith.constant 0 : i32
      %dma_wait3A_70 = arith.constant 0 : i32
      %dma_wait3A_71 = arith.constant 0 : i32
      %dma_wait3A_72 = tpu.memref_slice %arg11[%dma_wait3A_69, %dma_wait3A_70, %dma_wait3A_71] : memref<2x4x4032xi32, #tpu.memory_space<vmem>> -> memref<1x4x4032xi32, #tpu.memory_space<vmem>>
      %dma_wait3A_73 = tpu.memref_squeeze %dma_wait3A_72 : memref<1x4x4032xi32, #tpu.memory_space<vmem>> -> memref<4x4032xi32, #tpu.memory_space<vmem>>
      %dma_wait3A_74 = arith.constant 0 : i32
      %dma_wait3A_75 = tpu.memref_slice %arg9[%dma_wait3A_68, %dma_wait3A_74] : memref<32x4xi32, #tpu.memory_space<vmem>> -> memref<1x4xi32, #tpu.memory_space<vmem>>
      %dma_wait3A_76 = tpu.memref_squeeze %dma_wait3A_75 : memref<1x4xi32, #tpu.memory_space<vmem>> -> memref<4xi32, #tpu.memory_space<vmem>>
      %dma_wait3A_77 = arith.constant 0 : i32
      %dma_wait3A_78 = arith.constant 0 : i32
      %dma_wait3A_79 = tpu.memref_slice %arg2[%dma_wait3A_77, %dma_wait3A_78] : memref<8192x4032xi32, #tpu.memory_space<hbm>> -> memref<8192x4032xi32, #tpu.memory_space<hbm>>
      tpu.wait_indirect_dma semaphore(%arg15 : memref<!tpu.dma_semaphore, #tpu.memory_space<semaphore_mem>>) src(%dma_wait3A_79 : memref<8192x4032xi32, #tpu.memory_space<hbm>>) dst(%dma_wait3A_73 : memref<4x4032xi32, #tpu.memory_space<vmem>>)
      %and3A_80 = arith.constant 1 : i32
      %and3A_81 = arith.andi %scan3A_51, %and3A_80 : i32
      %eq3A = arith.constant 0 : i32
      %eq3A_82 = arith.cmpi eq, %and3A_81, %eq3A : i32
      %ge3A = arith.constant 2 : i32
      %ge3A_83 = arith.cmpi sge, %scan3A_51, %ge3A : i32
      %and3A_84 = arith.andi %eq3A_82, %ge3A_83 : i1
      %convert_element_type3A = arith.extui %and3A_84 : i1 to i32
      %cond3A = arith.constant 0 : i32
      %cond3A_85 = arith.cmpi ne, %convert_element_type3A, %cond3A : i32
      scf.if %cond3A_85 {
        %dma_wait3A_298 = arith.constant 0 : i32
        %dma_wait3A_299 = arith.constant 0 : i32
        %dma_wait3A_300 = arith.constant 0 : i32
        %dma_wait3A_301 = tpu.memref_slice %arg6[%dma_wait3A_298, %add3A, %dma_wait3A_299, %dma_wait3A_300] : memref<252x32x8x128xf32, #tpu.memory_space<hbm>> -> memref<252x1x8x16xf32, #tpu.memory_space<hbm>>
        %dma_wait3A_302 = arith.constant 0 : i32
        %dma_wait3A_303 = arith.constant 0 : i32
        %dma_wait3A_304 = arith.constant 0 : i32
        %dma_wait3A_305 = tpu.memref_slice %arg6[%dma_wait3A_302, %add3A, %dma_wait3A_303, %dma_wait3A_304] : memref<252x32x8x128xf32, #tpu.memory_space<hbm>> -> memref<252x1x8x16xf32, #tpu.memory_space<hbm>>
        tpu.wait_dma2 semaphore(%arg17 : memref<!tpu.dma_semaphore, #tpu.memory_space<semaphore_mem>>) src(%arg12 : memref<252x1x8x16xf32, #tpu.memory_space<vmem>>) dst(%dma_wait3A_305 : memref<252x1x8x16xf32, #tpu.memory_space<hbm>>)
        %dma_wait3A_306 = arith.constant 0 : i32
        %dma_wait3A_307 = arith.constant 0 : i32
        %dma_wait3A_308 = arith.constant 0 : i32
        %dma_wait3A_309 = tpu.memref_slice %arg6[%dma_wait3A_306, %add3A, %dma_wait3A_307, %dma_wait3A_308] : memref<252x32x8x128xf32, #tpu.memory_space<hbm>> -> memref<252x1x8x16xf32, #tpu.memory_space<hbm>>
        %dma_wait3A_310 = arith.constant 0 : i32
        %dma_wait3A_311 = arith.constant 0 : i32
        %dma_wait3A_312 = arith.constant 0 : i32
        %dma_wait3A_313 = tpu.memref_slice %arg6[%dma_wait3A_310, %add3A, %dma_wait3A_311, %dma_wait3A_312] : memref<252x32x8x128xf32, #tpu.memory_space<hbm>> -> memref<252x1x8x16xf32, #tpu.memory_space<hbm>>
        tpu.wait_dma2 semaphore(%arg17 : memref<!tpu.dma_semaphore, #tpu.memory_space<semaphore_mem>>) src(%arg13 : memref<252x1x8x16xf32, #tpu.memory_space<vmem>>) dst(%dma_wait3A_313 : memref<252x1x8x16xf32, #tpu.memory_space<hbm>>)
      } else {
      }
      %mul3A_86 = arith.constant 2 : i32
      %mul3A_87 = arith.muli %scan3A_51, %mul3A_86 : i32
      %mul3A_88 = arith.constant 4 : i32
      %mul3A_89 = arith.muli %mul3A_87, %mul3A_88 : i32
      %add3A_90 = arith.constant 0 : i32
      %add3A_91 = arith.addi %mul3A_89, %add3A_90 : i32
      %add3A_92 = arith.constant 0 : i32
      %add3A_93 = arith.addi %add3A_91, %add3A_92 : i32
      %and3A_94 = arith.constant 15 : i32
      %and3A_95 = arith.andi %add3A_93, %and3A_94 : i32
      %broadcast_in_dim3A_96 = arith.constant 0 : i32
      %broadcast_in_dim3A_97 = vector.broadcast %broadcast_in_dim3A_96 : i32 to vector<16xi32>
      %broadcast_in_dim3A_98 = arith.constant 0 : i32
      %broadcast_in_dim3A_99 = vector.broadcast %broadcast_in_dim3A_98 : i32 to vector<16xi32>
      %broadcast_in_dim3A_100 = vector.broadcast %and3A_95 : i32 to vector<16xi32>
      %broadcast_in_dim3A_101 = vector.broadcast %add3A_93 : i32 to vector<16xi32>
      %scan3A_102 = arith.constant 0 : i32
      %scan3A_103 = arith.constant 0 : i32
      %scan3A_104 = arith.constant 21 : i32
      %scan3A_105 = arith.addi %scan3A_103, %scan3A_104 : i32
      %scan3A_106 = arith.constant 1 : i32
      %scan3A_107 = scf.for %scan3A_298 = %scan3A_103 to %scan3A_105 step %scan3A_106 iter_args(%scan3A_299 = %scan3A_102) -> (i32)  : i32 {
        %mul3A_300 = arith.constant 6 : i32
        %mul3A_301 = arith.muli %scan3A_298, %mul3A_300 : i32
        %add3A_302 = arith.constant 0 : i32
        %add3A_303 = arith.addi %mul3A_301, %add3A_302 : i32
        %mul3A_304 = arith.constant 32 : i32
        %mul3A_305 = arith.muli %add3A_303, %mul3A_304 : i32
        %add3A_306 = vector.broadcast %mul3A_305 : i32 to vector<16xi32>
        %add3A_307 = arith.addi %add3A_306, %mul3A_9 : vector<16xi32>
        %gather3A = tpu.vector_load_idx %arg11[%broadcast_in_dim3A_97, %broadcast_in_dim3A_99, %add3A_307] : memref<2x4x4032xi32, #tpu.memory_space<vmem>>[vector<16xi32>, vector<16xi32>, vector<16xi32>], vector<16xi32>,
        %add3A_308 = arith.constant 1 : i32
        %add3A_309 = vector.broadcast %add3A_308 : i32 to vector<16xi32>
        %add3A_310 = arith.addi %add3A_307, %add3A_309 : vector<16xi32>
        %gather3A_311 = tpu.vector_load_idx %arg11[%broadcast_in_dim3A_97, %broadcast_in_dim3A_99, %add3A_310] : memref<2x4x4032xi32, #tpu.memory_space<vmem>>[vector<16xi32>, vector<16xi32>, vector<16xi32>], vector<16xi32>,
        %gather3A_312 = tpu.vector_load_idx %arg10[%broadcast_in_dim3A_101, %gather3A] : memref<128x64xf32, #tpu.memory_space<vmem>>[vector<16xi32>, vector<16xi32>], vector<16xf32>,
        %gather3A_313 = tpu.vector_load_idx %arg10[%broadcast_in_dim3A_101, %gather3A_311] : memref<128x64xf32, #tpu.memory_space<vmem>>[vector<16xi32>, vector<16xi32>], vector<16xf32>,
        %mul3A_314 = arith.constant 2 : i32
        %mul3A_315 = arith.muli %mul3A_314, %add3A_303 : i32
        %add3A_316 = vector.broadcast %mul3A_315 : i32 to vector<16xi32>
        %add3A_317 = arith.addi %add3A_316, %shift_right_logical3A_11 : vector<16xi32>
        tpu.vector_store_idx %arg12[%add3A_317, %broadcast_in_dim3A_14, %and3A_13, %broadcast_in_dim3A_100], %gather3A_312 : memref<252x1x8x16xf32, #tpu.memory_space<vmem>>[vector<16xi32>, vector<16xi32>, vector<16xi32>, vector<16xi32>], vector<16xf32>,
        tpu.vector_store_idx %arg13[%add3A_317, %broadcast_in_dim3A_14, %and3A_13, %broadcast_in_dim3A_100], %gather3A_313 : memref<252x1x8x16xf32, #tpu.memory_space<vmem>>[vector<16xi32>, vector<16xi32>, vector<16xi32>, vector<16xi32>], vector<16xf32>,
        %mul3A_318 = arith.constant 6 : i32
        %mul3A_319 = arith.muli %scan3A_298, %mul3A_318 : i32
        %add3A_320 = arith.constant 1 : i32
        %add3A_321 = arith.addi %mul3A_319, %add3A_320 : i32
        %mul3A_322 = arith.constant 32 : i32
        %mul3A_323 = arith.muli %add3A_321, %mul3A_322 : i32
        %add3A_324 = vector.broadcast %mul3A_323 : i32 to vector<16xi32>
        %add3A_325 = arith.addi %add3A_324, %mul3A_9 : vector<16xi32>
        %gather3A_326 = tpu.vector_load_idx %arg11[%broadcast_in_dim3A_97, %broadcast_in_dim3A_99, %add3A_325] : memref<2x4x4032xi32, #tpu.memory_space<vmem>>[vector<16xi32>, vector<16xi32>, vector<16xi32>], vector<16xi32>,
        %add3A_327 = arith.constant 1 : i32
        %add3A_328 = vector.broadcast %add3A_327 : i32 to vector<16xi32>
        %add3A_329 = arith.addi %add3A_325, %add3A_328 : vector<16xi32>
        %gather3A_330 = tpu.vector_load_idx %arg11[%broadcast_in_dim3A_97, %broadcast_in_dim3A_99, %add3A_329] : memref<2x4x4032xi32, #tpu.memory_space<vmem>>[vector<16xi32>, vector<16xi32>, vector<16xi32>], vector<16xi32>,
        %gather3A_331 = tpu.vector_load_idx %arg10[%broadcast_in_dim3A_101, %gather3A_326] : memref<128x64xf32, #tpu.memory_space<vmem>>[vector<16xi32>, vector<16xi32>], vector<16xf32>,
        %gather3A_332 = tpu.vector_load_idx %arg10[%broadcast_in_dim3A_101, %gather3A_330] : memref<128x64xf32, #tpu.memory_space<vmem>>[vector<16xi32>, vector<16xi32>], vector<16xf32>,
        %mul3A_333 = arith.constant 2 : i32
        %mul3A_334 = arith.muli %mul3A_333, %add3A_321 : i32
        %add3A_335 = vector.broadcast %mul3A_334 : i32 to vector<16xi32>
        %add3A_336 = arith.addi %add3A_335, %shift_right_logical3A_11 : vector<16xi32>
        tpu.vector_store_idx %arg12[%add3A_336, %broadcast_in_dim3A_14, %and3A_13, %broadcast_in_dim3A_100], %gather3A_331 : memref<252x1x8x16xf32, #tpu.memory_space<vmem>>[vector<16xi32>, vector<16xi32>, vector<16xi32>, vector<16xi32>], vector<16xf32>,
        tpu.vector_store_idx %arg13[%add3A_336, %broadcast_in_dim3A_14, %and3A_13, %broadcast_in_dim3A_100], %gather3A_332 : memref<252x1x8x16xf32, #tpu.memory_space<vmem>>[vector<16xi32>, vector<16xi32>, vector<16xi32>, vector<16xi32>], vector<16xf32>,
        %mul3A_337 = arith.constant 6 : i32
        %mul3A_338 = arith.muli %scan3A_298, %mul3A_337 : i32
        %add3A_339 = arith.constant 2 : i32
        %add3A_340 = arith.addi %mul3A_338, %add3A_339 : i32
        %mul3A_341 = arith.constant 32 : i32
        %mul3A_342 = arith.muli %add3A_340, %mul3A_341 : i32
        %add3A_343 = vector.broadcast %mul3A_342 : i32 to vector<16xi32>
        %add3A_344 = arith.addi %add3A_343, %mul3A_9 : vector<16xi32>
        %gather3A_345 = tpu.vector_load_idx %arg11[%broadcast_in_dim3A_97, %broadcast_in_dim3A_99, %add3A_344] : memref<2x4x4032xi32, #tpu.memory_space<vmem>>[vector<16xi32>, vector<16xi32>, vector<16xi32>], vector<16xi32>,
        %add3A_346 = arith.constant 1 : i32
        %add3A_347 = vector.broadcast %add3A_346 : i32 to vector<16xi32>
        %add3A_348 = arith.addi %add3A_344, %add3A_347 : vector<16xi32>
        %gather3A_349 = tpu.vector_load_idx %arg11[%broadcast_in_dim3A_97, %broadcast_in_dim3A_99, %add3A_348] : memref<2x4x4032xi32, #tpu.memory_space<vmem>>[vector<16xi32>, vector<16xi32>, vector<16xi32>], vector<16xi32>,
        %gather3A_350 = tpu.vector_load_idx %arg10[%broadcast_in_dim3A_101, %gather3A_345] : memref<128x64xf32, #tpu.memory_space<vmem>>[vector<16xi32>, vector<16xi32>], vector<16xf32>,
        %gather3A_351 = tpu.vector_load_idx %arg10[%broadcast_in_dim3A_101, %gather3A_349] : memref<128x64xf32, #tpu.memory_space<vmem>>[vector<16xi32>, vector<16xi32>], vector<16xf32>,
        %mul3A_352 = arith.constant 2 : i32
        %mul3A_353 = arith.muli %mul3A_352, %add3A_340 : i32
        %add3A_354 = vector.broadcast %mul3A_353 : i32 to vector<16xi32>
        %add3A_355 = arith.addi %add3A_354, %shift_right_logical3A_11 : vector<16xi32>
        tpu.vector_store_idx %arg12[%add3A_355, %broadcast_in_dim3A_14, %and3A_13, %broadcast_in_dim3A_100], %gather3A_350 : memref<252x1x8x16xf32, #tpu.memory_space<vmem>>[vector<16xi32>, vector<16xi32>, vector<16xi32>, vector<16xi32>], vector<16xf32>,
        tpu.vector_store_idx %arg13[%add3A_355, %broadcast_in_dim3A_14, %and3A_13, %broadcast_in_dim3A_100], %gather3A_351 : memref<252x1x8x16xf32, #tpu.memory_space<vmem>>[vector<16xi32>, vector<16xi32>, vector<16xi32>, vector<16xi32>], vector<16xf32>,
        %mul3A_356 = arith.constant 6 : i32
        %mul3A_357 = arith.muli %scan3A_298, %mul3A_356 : i32
        %add3A_358 = arith.constant 3 : i32
        %add3A_359 = arith.addi %mul3A_357, %add3A_358 : i32
        %mul3A_360 = arith.constant 32 : i32
        %mul3A_361 = arith.muli %add3A_359, %mul3A_360 : i32
        %add3A_362 = vector.broadcast %mul3A_361 : i32 to vector<16xi32>
        %add3A_363 = arith.addi %add3A_362, %mul3A_9 : vector<16xi32>
        %gather3A_364 = tpu.vector_load_idx %arg11[%broadcast_in_dim3A_97, %broadcast_in_dim3A_99, %add3A_363] : memref<2x4x4032xi32, #tpu.memory_space<vmem>>[vector<16xi32>, vector<16xi32>, vector<16xi32>], vector<16xi32>,
        %add3A_365 = arith.constant 1 : i32
        %add3A_366 = vector.broadcast %add3A_365 : i32 to vector<16xi32>
        %add3A_367 = arith.addi %add3A_363, %add3A_366 : vector<16xi32>
        %gather3A_368 = tpu.vector_load_idx %arg11[%broadcast_in_dim3A_97, %broadcast_in_dim3A_99, %add3A_367] : memref<2x4x4032xi32, #tpu.memory_space<vmem>>[vector<16xi32>, vector<16xi32>, vector<16xi32>], vector<16xi32>,
        %gather3A_369 = tpu.vector_load_idx %arg10[%broadcast_in_dim3A_101, %gather3A_364] : memref<128x64xf32, #tpu.memory_space<vmem>>[vector<16xi32>, vector<16xi32>], vector<16xf32>,
        %gather3A_370 = tpu.vector_load_idx %arg10[%broadcast_in_dim3A_101, %gather3A_368] : memref<128x64xf32, #tpu.memory_space<vmem>>[vector<16xi32>, vector<16xi32>], vector<16xf32>,
        %mul3A_371 = arith.constant 2 : i32
        %mul3A_372 = arith.muli %mul3A_371, %add3A_359 : i32
        %add3A_373 = vector.broadcast %mul3A_372 : i32 to vector<16xi32>
        %add3A_374 = arith.addi %add3A_373, %shift_right_logical3A_11 : vector<16xi32>
        tpu.vector_store_idx %arg12[%add3A_374, %broadcast_in_dim3A_14, %and3A_13, %broadcast_in_dim3A_100], %gather3A_369 : memref<252x1x8x16xf32, #tpu.memory_space<vmem>>[vector<16xi32>, vector<16xi32>, vector<16xi32>, vector<16xi32>], vector<16xf32>,
        tpu.vector_store_idx %arg13[%add3A_374, %broadcast_in_dim3A_14, %and3A_13, %broadcast_in_dim3A_100], %gather3A_370 : memref<252x1x8x16xf32, #tpu.memory_space<vmem>>[vector<16xi32>, vector<16xi32>, vector<16xi32>, vector<16xi32>], vector<16xf32>,
        %mul3A_375 = arith.constant 6 : i32
        %mul3A_376 = arith.muli %scan3A_298, %mul3A_375 : i32
        %add3A_377 = arith.constant 4 : i32
        %add3A_378 = arith.addi %mul3A_376, %add3A_377 : i32
        %mul3A_379 = arith.constant 32 : i32
        %mul3A_380 = arith.muli %add3A_378, %mul3A_379 : i32
        %add3A_381 = vector.broadcast %mul3A_380 : i32 to vector<16xi32>
        %add3A_382 = arith.addi %add3A_381, %mul3A_9 : vector<16xi32>
        %gather3A_383 = tpu.vector_load_idx %arg11[%broadcast_in_dim3A_97, %broadcast_in_dim3A_99, %add3A_382] : memref<2x4x4032xi32, #tpu.memory_space<vmem>>[vector<16xi32>, vector<16xi32>, vector<16xi32>], vector<16xi32>,
        %add3A_384 = arith.constant 1 : i32
        %add3A_385 = vector.broadcast %add3A_384 : i32 to vector<16xi32>
        %add3A_386 = arith.addi %add3A_382, %add3A_385 : vector<16xi32>
        %gather3A_387 = tpu.vector_load_idx %arg11[%broadcast_in_dim3A_97, %broadcast_in_dim3A_99, %add3A_386] : memref<2x4x4032xi32, #tpu.memory_space<vmem>>[vector<16xi32>, vector<16xi32>, vector<16xi32>], vector<16xi32>,
        %gather3A_388 = tpu.vector_load_idx %arg10[%broadcast_in_dim3A_101, %gather3A_383] : memref<128x64xf32, #tpu.memory_space<vmem>>[vector<16xi32>, vector<16xi32>], vector<16xf32>,
        %gather3A_389 = tpu.vector_load_idx %arg10[%broadcast_in_dim3A_101, %gather3A_387] : memref<128x64xf32, #tpu.memory_space<vmem>>[vector<16xi32>, vector<16xi32>], vector<16xf32>,
        %mul3A_390 = arith.constant 2 : i32
        %mul3A_391 = arith.muli %mul3A_390, %add3A_378 : i32
        %add3A_392 = vector.broadcast %mul3A_391 : i32 to vector<16xi32>
        %add3A_393 = arith.addi %add3A_392, %shift_right_logical3A_11 : vector<16xi32>
        tpu.vector_store_idx %arg12[%add3A_393, %broadcast_in_dim3A_14, %and3A_13, %broadcast_in_dim3A_100], %gather3A_388 : memref<252x1x8x16xf32, #tpu.memory_space<vmem>>[vector<16xi32>, vector<16xi32>, vector<16xi32>, vector<16xi32>], vector<16xf32>,
        tpu.vector_store_idx %arg13[%add3A_393, %broadcast_in_dim3A_14, %and3A_13, %broadcast_in_dim3A_100], %gather3A_389 : memref<252x1x8x16xf32, #tpu.memory_space<vmem>>[vector<16xi32>, vector<16xi32>, vector<16xi32>, vector<16xi32>], vector<16xf32>,
        %mul3A_394 = arith.constant 6 : i32
        %mul3A_395 = arith.muli %scan3A_298, %mul3A_394 : i32
        %add3A_396 = arith.constant 5 : i32
        %add3A_397 = arith.addi %mul3A_395, %add3A_396 : i32
        %mul3A_398 = arith.constant 32 : i32
        %mul3A_399 = arith.muli %add3A_397, %mul3A_398 : i32
        %add3A_400 = vector.broadcast %mul3A_399 : i32 to vector<16xi32>
        %add3A_401 = arith.addi %add3A_400, %mul3A_9 : vector<16xi32>
        %gather3A_402 = tpu.vector_load_idx %arg11[%broadcast_in_dim3A_97, %broadcast_in_dim3A_99, %add3A_401] : memref<2x4x4032xi32, #tpu.memory_space<vmem>>[vector<16xi32>, vector<16xi32>, vector<16xi32>], vector<16xi32>,
        %add3A_403 = arith.constant 1 : i32
        %add3A_404 = vector.broadcast %add3A_403 : i32 to vector<16xi32>
        %add3A_405 = arith.addi %add3A_401, %add3A_404 : vector<16xi32>
        %gather3A_406 = tpu.vector_load_idx %arg11[%broadcast_in_dim3A_97, %broadcast_in_dim3A_99, %add3A_405] : memref<2x4x4032xi32, #tpu.memory_space<vmem>>[vector<16xi32>, vector<16xi32>, vector<16xi32>], vector<16xi32>,
        %gather3A_407 = tpu.vector_load_idx %arg10[%broadcast_in_dim3A_101, %gather3A_402] : memref<128x64xf32, #tpu.memory_space<vmem>>[vector<16xi32>, vector<16xi32>], vector<16xf32>,
        %gather3A_408 = tpu.vector_load_idx %arg10[%broadcast_in_dim3A_101, %gather3A_406] : memref<128x64xf32, #tpu.memory_space<vmem>>[vector<16xi32>, vector<16xi32>], vector<16xf32>,
        %mul3A_409 = arith.constant 2 : i32
        %mul3A_410 = arith.muli %mul3A_409, %add3A_397 : i32
        %add3A_411 = vector.broadcast %mul3A_410 : i32 to vector<16xi32>
        %add3A_412 = arith.addi %add3A_411, %shift_right_logical3A_11 : vector<16xi32>
        tpu.vector_store_idx %arg12[%add3A_412, %broadcast_in_dim3A_14, %and3A_13, %broadcast_in_dim3A_100], %gather3A_407 : memref<252x1x8x16xf32, #tpu.memory_space<vmem>>[vector<16xi32>, vector<16xi32>, vector<16xi32>, vector<16xi32>], vector<16xf32>,
        tpu.vector_store_idx %arg13[%add3A_412, %broadcast_in_dim3A_14, %and3A_13, %broadcast_in_dim3A_100], %gather3A_408 : memref<252x1x8x16xf32, #tpu.memory_space<vmem>>[vector<16xi32>, vector<16xi32>, vector<16xi32>, vector<16xi32>], vector<16xf32>,
        %scan3A_413 = arith.constant 0 : i32
        scf.yield %scan3A_413 : i32
      }
      %scan3A_108 = arith.constant 21 : i32
      %mul3A_109 = arith.constant 2 : i32
      %mul3A_110 = arith.muli %scan3A_51, %mul3A_109 : i32
      %mul3A_111 = arith.constant 4 : i32
      %mul3A_112 = arith.muli %mul3A_110, %mul3A_111 : i32
      %add3A_113 = arith.constant 0 : i32
      %add3A_114 = arith.addi %mul3A_112, %add3A_113 : i32
      %add3A_115 = arith.constant 1 : i32
      %add3A_116 = arith.addi %add3A_114, %add3A_115 : i32
      %and3A_117 = arith.constant 15 : i32
      %and3A_118 = arith.andi %add3A_116, %and3A_117 : i32
      %broadcast_in_dim3A_119 = arith.constant 0 : i32
      %broadcast_in_dim3A_120 = vector.broadcast %broadcast_in_dim3A_119 : i32 to vector<16xi32>
      %broadcast_in_dim3A_121 = arith.constant 1 : i32
      %broadcast_in_dim3A_122 = vector.broadcast %broadcast_in_dim3A_121 : i32 to vector<16xi32>
      %broadcast_in_dim3A_123 = vector.broadcast %and3A_118 : i32 to vector<16xi32>
      %broadcast_in_dim3A_124 = vector.broadcast %add3A_116 : i32 to vector<16xi32>
      %scan3A_125 = arith.constant 0 : i32
      %scan3A_126 = arith.constant 0 : i32
      %scan3A_127 = arith.constant 21 : i32
      %scan3A_128 = arith.addi %scan3A_126, %scan3A_127 : i32
      %scan3A_129 = arith.constant 1 : i32
      %scan3A_130 = scf.for %scan3A_298 = %scan3A_126 to %scan3A_128 step %scan3A_129 iter_args(%scan3A_299 = %scan3A_125) -> (i32)  : i32 {
        %mul3A_300 = arith.constant 6 : i32
        %mul3A_301 = arith.muli %scan3A_298, %mul3A_300 : i32
        %add3A_302 = arith.constant 0 : i32
        %add3A_303 = arith.addi %mul3A_301, %add3A_302 : i32
        %mul3A_304 = arith.constant 32 : i32
        %mul3A_305 = arith.muli %add3A_303, %mul3A_304 : i32
        %add3A_306 = vector.broadcast %mul3A_305 : i32 to vector<16xi32>
        %add3A_307 = arith.addi %add3A_306, %mul3A_9 : vector<16xi32>
        %gather3A = tpu.vector_load_idx %arg11[%broadcast_in_dim3A_120, %broadcast_in_dim3A_122, %add3A_307] : memref<2x4x4032xi32, #tpu.memory_space<vmem>>[vector<16xi32>, vector<16xi32>, vector<16xi32>], vector<16xi32>,
        %add3A_308 = arith.constant 1 : i32
        %add3A_309 = vector.broadcast %add3A_308 : i32 to vector<16xi32>
        %add3A_310 = arith.addi %add3A_307, %add3A_309 : vector<16xi32>
        %gather3A_311 = tpu.vector_load_idx %arg11[%broadcast_in_dim3A_120, %broadcast_in_dim3A_122, %add3A_310] : memref<2x4x4032xi32, #tpu.memory_space<vmem>>[vector<16xi32>, vector<16xi32>, vector<16xi32>], vector<16xi32>,
        %gather3A_312 = tpu.vector_load_idx %arg10[%broadcast_in_dim3A_124, %gather3A] : memref<128x64xf32, #tpu.memory_space<vmem>>[vector<16xi32>, vector<16xi32>], vector<16xf32>,
        %gather3A_313 = tpu.vector_load_idx %arg10[%broadcast_in_dim3A_124, %gather3A_311] : memref<128x64xf32, #tpu.memory_space<vmem>>[vector<16xi32>, vector<16xi32>], vector<16xf32>,
        %mul3A_314 = arith.constant 2 : i32
        %mul3A_315 = arith.muli %mul3A_314, %add3A_303 : i32
        %add3A_316 = vector.broadcast %mul3A_315 : i32 to vector<16xi32>
        %add3A_317 = arith.addi %add3A_316, %shift_right_logical3A_11 : vector<16xi32>
        tpu.vector_store_idx %arg12[%add3A_317, %broadcast_in_dim3A_14, %and3A_13, %broadcast_in_dim3A_123], %gather3A_312 : memref<252x1x8x16xf32, #tpu.memory_space<vmem>>[vector<16xi32>, vector<16xi32>, vector<16xi32>, vector<16xi32>], vector<16xf32>,
        tpu.vector_store_idx %arg13[%add3A_317, %broadcast_in_dim3A_14, %and3A_13, %broadcast_in_dim3A_123], %gather3A_313 : memref<252x1x8x16xf32, #tpu.memory_space<vmem>>[vector<16xi32>, vector<16xi32>, vector<16xi32>, vector<16xi32>], vector<16xf32>,
        %mul3A_318 = arith.constant 6 : i32
        %mul3A_319 = arith.muli %scan3A_298, %mul3A_318 : i32
        %add3A_320 = arith.constant 1 : i32
        %add3A_321 = arith.addi %mul3A_319, %add3A_320 : i32
        %mul3A_322 = arith.constant 32 : i32
        %mul3A_323 = arith.muli %add3A_321, %mul3A_322 : i32
        %add3A_324 = vector.broadcast %mul3A_323 : i32 to vector<16xi32>
        %add3A_325 = arith.addi %add3A_324, %mul3A_9 : vector<16xi32>
        %gather3A_326 = tpu.vector_load_idx %arg11[%broadcast_in_dim3A_120, %broadcast_in_dim3A_122, %add3A_325] : memref<2x4x4032xi32, #tpu.memory_space<vmem>>[vector<16xi32>, vector<16xi32>, vector<16xi32>], vector<16xi32>,
        %add3A_327 = arith.constant 1 : i32
        %add3A_328 = vector.broadcast %add3A_327 : i32 to vector<16xi32>
        %add3A_329 = arith.addi %add3A_325, %add3A_328 : vector<16xi32>
        %gather3A_330 = tpu.vector_load_idx %arg11[%broadcast_in_dim3A_120, %broadcast_in_dim3A_122, %add3A_329] : memref<2x4x4032xi32, #tpu.memory_space<vmem>>[vector<16xi32>, vector<16xi32>, vector<16xi32>], vector<16xi32>,
        %gather3A_331 = tpu.vector_load_idx %arg10[%broadcast_in_dim3A_124, %gather3A_326] : memref<128x64xf32, #tpu.memory_space<vmem>>[vector<16xi32>, vector<16xi32>], vector<16xf32>,
        %gather3A_332 = tpu.vector_load_idx %arg10[%broadcast_in_dim3A_124, %gather3A_330] : memref<128x64xf32, #tpu.memory_space<vmem>>[vector<16xi32>, vector<16xi32>], vector<16xf32>,
        %mul3A_333 = arith.constant 2 : i32
        %mul3A_334 = arith.muli %mul3A_333, %add3A_321 : i32
        %add3A_335 = vector.broadcast %mul3A_334 : i32 to vector<16xi32>
        %add3A_336 = arith.addi %add3A_335, %shift_right_logical3A_11 : vector<16xi32>
        tpu.vector_store_idx %arg12[%add3A_336, %broadcast_in_dim3A_14, %and3A_13, %broadcast_in_dim3A_123], %gather3A_331 : memref<252x1x8x16xf32, #tpu.memory_space<vmem>>[vector<16xi32>, vector<16xi32>, vector<16xi32>, vector<16xi32>], vector<16xf32>,
        tpu.vector_store_idx %arg13[%add3A_336, %broadcast_in_dim3A_14, %and3A_13, %broadcast_in_dim3A_123], %gather3A_332 : memref<252x1x8x16xf32, #tpu.memory_space<vmem>>[vector<16xi32>, vector<16xi32>, vector<16xi32>, vector<16xi32>], vector<16xf32>,
        %mul3A_337 = arith.constant 6 : i32
        %mul3A_338 = arith.muli %scan3A_298, %mul3A_337 : i32
        %add3A_339 = arith.constant 2 : i32
        %add3A_340 = arith.addi %mul3A_338, %add3A_339 : i32
        %mul3A_341 = arith.constant 32 : i32
        %mul3A_342 = arith.muli %add3A_340, %mul3A_341 : i32
        %add3A_343 = vector.broadcast %mul3A_342 : i32 to vector<16xi32>
        %add3A_344 = arith.addi %add3A_343, %mul3A_9 : vector<16xi32>
        %gather3A_345 = tpu.vector_load_idx %arg11[%broadcast_in_dim3A_120, %broadcast_in_dim3A_122, %add3A_344] : memref<2x4x4032xi32, #tpu.memory_space<vmem>>[vector<16xi32>, vector<16xi32>, vector<16xi32>], vector<16xi32>,
        %add3A_346 = arith.constant 1 : i32
        %add3A_347 = vector.broadcast %add3A_346 : i32 to vector<16xi32>
        %add3A_348 = arith.addi %add3A_344, %add3A_347 : vector<16xi32>
        %gather3A_349 = tpu.vector_load_idx %arg11[%broadcast_in_dim3A_120, %broadcast_in_dim3A_122, %add3A_348] : memref<2x4x4032xi32, #tpu.memory_space<vmem>>[vector<16xi32>, vector<16xi32>, vector<16xi32>], vector<16xi32>,
        %gather3A_350 = tpu.vector_load_idx %arg10[%broadcast_in_dim3A_124, %gather3A_345] : memref<128x64xf32, #tpu.memory_space<vmem>>[vector<16xi32>, vector<16xi32>], vector<16xf32>,
        %gather3A_351 = tpu.vector_load_idx %arg10[%broadcast_in_dim3A_124, %gather3A_349] : memref<128x64xf32, #tpu.memory_space<vmem>>[vector<16xi32>, vector<16xi32>], vector<16xf32>,
        %mul3A_352 = arith.constant 2 : i32
        %mul3A_353 = arith.muli %mul3A_352, %add3A_340 : i32
        %add3A_354 = vector.broadcast %mul3A_353 : i32 to vector<16xi32>
        %add3A_355 = arith.addi %add3A_354, %shift_right_logical3A_11 : vector<16xi32>
        tpu.vector_store_idx %arg12[%add3A_355, %broadcast_in_dim3A_14, %and3A_13, %broadcast_in_dim3A_123], %gather3A_350 : memref<252x1x8x16xf32, #tpu.memory_space<vmem>>[vector<16xi32>, vector<16xi32>, vector<16xi32>, vector<16xi32>], vector<16xf32>,
        tpu.vector_store_idx %arg13[%add3A_355, %broadcast_in_dim3A_14, %and3A_13, %broadcast_in_dim3A_123], %gather3A_351 : memref<252x1x8x16xf32, #tpu.memory_space<vmem>>[vector<16xi32>, vector<16xi32>, vector<16xi32>, vector<16xi32>], vector<16xf32>,
        %mul3A_356 = arith.constant 6 : i32
        %mul3A_357 = arith.muli %scan3A_298, %mul3A_356 : i32
        %add3A_358 = arith.constant 3 : i32
        %add3A_359 = arith.addi %mul3A_357, %add3A_358 : i32
        %mul3A_360 = arith.constant 32 : i32
        %mul3A_361 = arith.muli %add3A_359, %mul3A_360 : i32
        %add3A_362 = vector.broadcast %mul3A_361 : i32 to vector<16xi32>
        %add3A_363 = arith.addi %add3A_362, %mul3A_9 : vector<16xi32>
        %gather3A_364 = tpu.vector_load_idx %arg11[%broadcast_in_dim3A_120, %broadcast_in_dim3A_122, %add3A_363] : memref<2x4x4032xi32, #tpu.memory_space<vmem>>[vector<16xi32>, vector<16xi32>, vector<16xi32>], vector<16xi32>,
        %add3A_365 = arith.constant 1 : i32
        %add3A_366 = vector.broadcast %add3A_365 : i32 to vector<16xi32>
        %add3A_367 = arith.addi %add3A_363, %add3A_366 : vector<16xi32>
        %gather3A_368 = tpu.vector_load_idx %arg11[%broadcast_in_dim3A_120, %broadcast_in_dim3A_122, %add3A_367] : memref<2x4x4032xi32, #tpu.memory_space<vmem>>[vector<16xi32>, vector<16xi32>, vector<16xi32>], vector<16xi32>,
        %gather3A_369 = tpu.vector_load_idx %arg10[%broadcast_in_dim3A_124, %gather3A_364] : memref<128x64xf32, #tpu.memory_space<vmem>>[vector<16xi32>, vector<16xi32>], vector<16xf32>,
        %gather3A_370 = tpu.vector_load_idx %arg10[%broadcast_in_dim3A_124, %gather3A_368] : memref<128x64xf32, #tpu.memory_space<vmem>>[vector<16xi32>, vector<16xi32>], vector<16xf32>,
        %mul3A_371 = arith.constant 2 : i32
        %mul3A_372 = arith.muli %mul3A_371, %add3A_359 : i32
        %add3A_373 = vector.broadcast %mul3A_372 : i32 to vector<16xi32>
        %add3A_374 = arith.addi %add3A_373, %shift_right_logical3A_11 : vector<16xi32>
        tpu.vector_store_idx %arg12[%add3A_374, %broadcast_in_dim3A_14, %and3A_13, %broadcast_in_dim3A_123], %gather3A_369 : memref<252x1x8x16xf32, #tpu.memory_space<vmem>>[vector<16xi32>, vector<16xi32>, vector<16xi32>, vector<16xi32>], vector<16xf32>,
        tpu.vector_store_idx %arg13[%add3A_374, %broadcast_in_dim3A_14, %and3A_13, %broadcast_in_dim3A_123], %gather3A_370 : memref<252x1x8x16xf32, #tpu.memory_space<vmem>>[vector<16xi32>, vector<16xi32>, vector<16xi32>, vector<16xi32>], vector<16xf32>,
        %mul3A_375 = arith.constant 6 : i32
        %mul3A_376 = arith.muli %scan3A_298, %mul3A_375 : i32
        %add3A_377 = arith.constant 4 : i32
        %add3A_378 = arith.addi %mul3A_376, %add3A_377 : i32
        %mul3A_379 = arith.constant 32 : i32
        %mul3A_380 = arith.muli %add3A_378, %mul3A_379 : i32
        %add3A_381 = vector.broadcast %mul3A_380 : i32 to vector<16xi32>
        %add3A_382 = arith.addi %add3A_381, %mul3A_9 : vector<16xi32>
        %gather3A_383 = tpu.vector_load_idx %arg11[%broadcast_in_dim3A_120, %broadcast_in_dim3A_122, %add3A_382] : memref<2x4x4032xi32, #tpu.memory_space<vmem>>[vector<16xi32>, vector<16xi32>, vector<16xi32>], vector<16xi32>,
        %add3A_384 = arith.constant 1 : i32
        %add3A_385 = vector.broadcast %add3A_384 : i32 to vector<16xi32>
        %add3A_386 = arith.addi %add3A_382, %add3A_385 : vector<16xi32>
        %gather3A_387 = tpu.vector_load_idx %arg11[%broadcast_in_dim3A_120, %broadcast_in_dim3A_122, %add3A_386] : memref<2x4x4032xi32, #tpu.memory_space<vmem>>[vector<16xi32>, vector<16xi32>, vector<16xi32>], vector<16xi32>,
        %gather3A_388 = tpu.vector_load_idx %arg10[%broadcast_in_dim3A_124, %gather3A_383] : memref<128x64xf32, #tpu.memory_space<vmem>>[vector<16xi32>, vector<16xi32>], vector<16xf32>,
        %gather3A_389 = tpu.vector_load_idx %arg10[%broadcast_in_dim3A_124, %gather3A_387] : memref<128x64xf32, #tpu.memory_space<vmem>>[vector<16xi32>, vector<16xi32>], vector<16xf32>,
        %mul3A_390 = arith.constant 2 : i32
        %mul3A_391 = arith.muli %mul3A_390, %add3A_378 : i32
        %add3A_392 = vector.broadcast %mul3A_391 : i32 to vector<16xi32>
        %add3A_393 = arith.addi %add3A_392, %shift_right_logical3A_11 : vector<16xi32>
        tpu.vector_store_idx %arg12[%add3A_393, %broadcast_in_dim3A_14, %and3A_13, %broadcast_in_dim3A_123], %gather3A_388 : memref<252x1x8x16xf32, #tpu.memory_space<vmem>>[vector<16xi32>, vector<16xi32>, vector<16xi32>, vector<16xi32>], vector<16xf32>,
        tpu.vector_store_idx %arg13[%add3A_393, %broadcast_in_dim3A_14, %and3A_13, %broadcast_in_dim3A_123], %gather3A_389 : memref<252x1x8x16xf32, #tpu.memory_space<vmem>>[vector<16xi32>, vector<16xi32>, vector<16xi32>, vector<16xi32>], vector<16xf32>,
        %mul3A_394 = arith.constant 6 : i32
        %mul3A_395 = arith.muli %scan3A_298, %mul3A_394 : i32
        %add3A_396 = arith.constant 5 : i32
        %add3A_397 = arith.addi %mul3A_395, %add3A_396 : i32
        %mul3A_398 = arith.constant 32 : i32
        %mul3A_399 = arith.muli %add3A_397, %mul3A_398 : i32
        %add3A_400 = vector.broadcast %mul3A_399 : i32 to vector<16xi32>
        %add3A_401 = arith.addi %add3A_400, %mul3A_9 : vector<16xi32>
        %gather3A_402 = tpu.vector_load_idx %arg11[%broadcast_in_dim3A_120, %broadcast_in_dim3A_122, %add3A_401] : memref<2x4x4032xi32, #tpu.memory_space<vmem>>[vector<16xi32>, vector<16xi32>, vector<16xi32>], vector<16xi32>,
        %add3A_403 = arith.constant 1 : i32
        %add3A_404 = vector.broadcast %add3A_403 : i32 to vector<16xi32>
        %add3A_405 = arith.addi %add3A_401, %add3A_404 : vector<16xi32>
        %gather3A_406 = tpu.vector_load_idx %arg11[%broadcast_in_dim3A_120, %broadcast_in_dim3A_122, %add3A_405] : memref<2x4x4032xi32, #tpu.memory_space<vmem>>[vector<16xi32>, vector<16xi32>, vector<16xi32>], vector<16xi32>,
        %gather3A_407 = tpu.vector_load_idx %arg10[%broadcast_in_dim3A_124, %gather3A_402] : memref<128x64xf32, #tpu.memory_space<vmem>>[vector<16xi32>, vector<16xi32>], vector<16xf32>,
        %gather3A_408 = tpu.vector_load_idx %arg10[%broadcast_in_dim3A_124, %gather3A_406] : memref<128x64xf32, #tpu.memory_space<vmem>>[vector<16xi32>, vector<16xi32>], vector<16xf32>,
        %mul3A_409 = arith.constant 2 : i32
        %mul3A_410 = arith.muli %mul3A_409, %add3A_397 : i32
        %add3A_411 = vector.broadcast %mul3A_410 : i32 to vector<16xi32>
        %add3A_412 = arith.addi %add3A_411, %shift_right_logical3A_11 : vector<16xi32>
        tpu.vector_store_idx %arg12[%add3A_412, %broadcast_in_dim3A_14, %and3A_13, %broadcast_in_dim3A_123], %gather3A_407 : memref<252x1x8x16xf32, #tpu.memory_space<vmem>>[vector<16xi32>, vector<16xi32>, vector<16xi32>, vector<16xi32>], vector<16xf32>,
        tpu.vector_store_idx %arg13[%add3A_412, %broadcast_in_dim3A_14, %and3A_13, %broadcast_in_dim3A_123], %gather3A_408 : memref<252x1x8x16xf32, #tpu.memory_space<vmem>>[vector<16xi32>, vector<16xi32>, vector<16xi32>, vector<16xi32>], vector<16xf32>,
        %scan3A_413 = arith.constant 0 : i32
        scf.yield %scan3A_413 : i32
      }
      %scan3A_131 = arith.constant 21 : i32
      %mul3A_132 = arith.constant 2 : i32
      %mul3A_133 = arith.muli %scan3A_51, %mul3A_132 : i32
      %mul3A_134 = arith.constant 4 : i32
      %mul3A_135 = arith.muli %mul3A_133, %mul3A_134 : i32
      %add3A_136 = arith.constant 0 : i32
      %add3A_137 = arith.addi %mul3A_135, %add3A_136 : i32
      %add3A_138 = arith.constant 2 : i32
      %add3A_139 = arith.addi %add3A_137, %add3A_138 : i32
      %and3A_140 = arith.constant 15 : i32
      %and3A_141 = arith.andi %add3A_139, %and3A_140 : i32
      %broadcast_in_dim3A_142 = arith.constant 0 : i32
      %broadcast_in_dim3A_143 = vector.broadcast %broadcast_in_dim3A_142 : i32 to vector<16xi32>
      %broadcast_in_dim3A_144 = arith.constant 2 : i32
      %broadcast_in_dim3A_145 = vector.broadcast %broadcast_in_dim3A_144 : i32 to vector<16xi32>
      %broadcast_in_dim3A_146 = vector.broadcast %and3A_141 : i32 to vector<16xi32>
      %broadcast_in_dim3A_147 = vector.broadcast %add3A_139 : i32 to vector<16xi32>
      %scan3A_148 = arith.constant 0 : i32
      %scan3A_149 = arith.constant 0 : i32
      %scan3A_150 = arith.constant 21 : i32
      %scan3A_151 = arith.addi %scan3A_149, %scan3A_150 : i32
      %scan3A_152 = arith.constant 1 : i32
      %scan3A_153 = scf.for %scan3A_298 = %scan3A_149 to %scan3A_151 step %scan3A_152 iter_args(%scan3A_299 = %scan3A_148) -> (i32)  : i32 {
        %mul3A_300 = arith.constant 6 : i32
        %mul3A_301 = arith.muli %scan3A_298, %mul3A_300 : i32
        %add3A_302 = arith.constant 0 : i32
        %add3A_303 = arith.addi %mul3A_301, %add3A_302 : i32
        %mul3A_304 = arith.constant 32 : i32
        %mul3A_305 = arith.muli %add3A_303, %mul3A_304 : i32
        %add3A_306 = vector.broadcast %mul3A_305 : i32 to vector<16xi32>
        %add3A_307 = arith.addi %add3A_306, %mul3A_9 : vector<16xi32>
        %gather3A = tpu.vector_load_idx %arg11[%broadcast_in_dim3A_143, %broadcast_in_dim3A_145, %add3A_307] : memref<2x4x4032xi32, #tpu.memory_space<vmem>>[vector<16xi32>, vector<16xi32>, vector<16xi32>], vector<16xi32>,
        %add3A_308 = arith.constant 1 : i32
        %add3A_309 = vector.broadcast %add3A_308 : i32 to vector<16xi32>
        %add3A_310 = arith.addi %add3A_307, %add3A_309 : vector<16xi32>
        %gather3A_311 = tpu.vector_load_idx %arg11[%broadcast_in_dim3A_143, %broadcast_in_dim3A_145, %add3A_310] : memref<2x4x4032xi32, #tpu.memory_space<vmem>>[vector<16xi32>, vector<16xi32>, vector<16xi32>], vector<16xi32>,
        %gather3A_312 = tpu.vector_load_idx %arg10[%broadcast_in_dim3A_147, %gather3A] : memref<128x64xf32, #tpu.memory_space<vmem>>[vector<16xi32>, vector<16xi32>], vector<16xf32>,
        %gather3A_313 = tpu.vector_load_idx %arg10[%broadcast_in_dim3A_147, %gather3A_311] : memref<128x64xf32, #tpu.memory_space<vmem>>[vector<16xi32>, vector<16xi32>], vector<16xf32>,
        %mul3A_314 = arith.constant 2 : i32
        %mul3A_315 = arith.muli %mul3A_314, %add3A_303 : i32
        %add3A_316 = vector.broadcast %mul3A_315 : i32 to vector<16xi32>
        %add3A_317 = arith.addi %add3A_316, %shift_right_logical3A_11 : vector<16xi32>
        tpu.vector_store_idx %arg12[%add3A_317, %broadcast_in_dim3A_14, %and3A_13, %broadcast_in_dim3A_146], %gather3A_312 : memref<252x1x8x16xf32, #tpu.memory_space<vmem>>[vector<16xi32>, vector<16xi32>, vector<16xi32>, vector<16xi32>], vector<16xf32>,
        tpu.vector_store_idx %arg13[%add3A_317, %broadcast_in_dim3A_14, %and3A_13, %broadcast_in_dim3A_146], %gather3A_313 : memref<252x1x8x16xf32, #tpu.memory_space<vmem>>[vector<16xi32>, vector<16xi32>, vector<16xi32>, vector<16xi32>], vector<16xf32>,
        %mul3A_318 = arith.constant 6 : i32
        %mul3A_319 = arith.muli %scan3A_298, %mul3A_318 : i32
        %add3A_320 = arith.constant 1 : i32
        %add3A_321 = arith.addi %mul3A_319, %add3A_320 : i32
        %mul3A_322 = arith.constant 32 : i32
        %mul3A_323 = arith.muli %add3A_321, %mul3A_322 : i32
        %add3A_324 = vector.broadcast %mul3A_323 : i32 to vector<16xi32>
        %add3A_325 = arith.addi %add3A_324, %mul3A_9 : vector<16xi32>
        %gather3A_326 = tpu.vector_load_idx %arg11[%broadcast_in_dim3A_143, %broadcast_in_dim3A_145, %add3A_325] : memref<2x4x4032xi32, #tpu.memory_space<vmem>>[vector<16xi32>, vector<16xi32>, vector<16xi32>], vector<16xi32>,
        %add3A_327 = arith.constant 1 : i32
        %add3A_328 = vector.broadcast %add3A_327 : i32 to vector<16xi32>
        %add3A_329 = arith.addi %add3A_325, %add3A_328 : vector<16xi32>
        %gather3A_330 = tpu.vector_load_idx %arg11[%broadcast_in_dim3A_143, %broadcast_in_dim3A_145, %add3A_329] : memref<2x4x4032xi32, #tpu.memory_space<vmem>>[vector<16xi32>, vector<16xi32>, vector<16xi32>], vector<16xi32>,
        %gather3A_331 = tpu.vector_load_idx %arg10[%broadcast_in_dim3A_147, %gather3A_326] : memref<128x64xf32, #tpu.memory_space<vmem>>[vector<16xi32>, vector<16xi32>], vector<16xf32>,
        %gather3A_332 = tpu.vector_load_idx %arg10[%broadcast_in_dim3A_147, %gather3A_330] : memref<128x64xf32, #tpu.memory_space<vmem>>[vector<16xi32>, vector<16xi32>], vector<16xf32>,
        %mul3A_333 = arith.constant 2 : i32
        %mul3A_334 = arith.muli %mul3A_333, %add3A_321 : i32
        %add3A_335 = vector.broadcast %mul3A_334 : i32 to vector<16xi32>
        %add3A_336 = arith.addi %add3A_335, %shift_right_logical3A_11 : vector<16xi32>
        tpu.vector_store_idx %arg12[%add3A_336, %broadcast_in_dim3A_14, %and3A_13, %broadcast_in_dim3A_146], %gather3A_331 : memref<252x1x8x16xf32, #tpu.memory_space<vmem>>[vector<16xi32>, vector<16xi32>, vector<16xi32>, vector<16xi32>], vector<16xf32>,
        tpu.vector_store_idx %arg13[%add3A_336, %broadcast_in_dim3A_14, %and3A_13, %broadcast_in_dim3A_146], %gather3A_332 : memref<252x1x8x16xf32, #tpu.memory_space<vmem>>[vector<16xi32>, vector<16xi32>, vector<16xi32>, vector<16xi32>], vector<16xf32>,
        %mul3A_337 = arith.constant 6 : i32
        %mul3A_338 = arith.muli %scan3A_298, %mul3A_337 : i32
        %add3A_339 = arith.constant 2 : i32
        %add3A_340 = arith.addi %mul3A_338, %add3A_339 : i32
        %mul3A_341 = arith.constant 32 : i32
        %mul3A_342 = arith.muli %add3A_340, %mul3A_341 : i32
        %add3A_343 = vector.broadcast %mul3A_342 : i32 to vector<16xi32>
        %add3A_344 = arith.addi %add3A_343, %mul3A_9 : vector<16xi32>
        %gather3A_345 = tpu.vector_load_idx %arg11[%broadcast_in_dim3A_143, %broadcast_in_dim3A_145, %add3A_344] : memref<2x4x4032xi32, #tpu.memory_space<vmem>>[vector<16xi32>, vector<16xi32>, vector<16xi32>], vector<16xi32>,
        %add3A_346 = arith.constant 1 : i32
        %add3A_347 = vector.broadcast %add3A_346 : i32 to vector<16xi32>
        %add3A_348 = arith.addi %add3A_344, %add3A_347 : vector<16xi32>
        %gather3A_349 = tpu.vector_load_idx %arg11[%broadcast_in_dim3A_143, %broadcast_in_dim3A_145, %add3A_348] : memref<2x4x4032xi32, #tpu.memory_space<vmem>>[vector<16xi32>, vector<16xi32>, vector<16xi32>], vector<16xi32>,
        %gather3A_350 = tpu.vector_load_idx %arg10[%broadcast_in_dim3A_147, %gather3A_345] : memref<128x64xf32, #tpu.memory_space<vmem>>[vector<16xi32>, vector<16xi32>], vector<16xf32>,
        %gather3A_351 = tpu.vector_load_idx %arg10[%broadcast_in_dim3A_147, %gather3A_349] : memref<128x64xf32, #tpu.memory_space<vmem>>[vector<16xi32>, vector<16xi32>], vector<16xf32>,
        %mul3A_352 = arith.constant 2 : i32
        %mul3A_353 = arith.muli %mul3A_352, %add3A_340 : i32
        %add3A_354 = vector.broadcast %mul3A_353 : i32 to vector<16xi32>
        %add3A_355 = arith.addi %add3A_354, %shift_right_logical3A_11 : vector<16xi32>
        tpu.vector_store_idx %arg12[%add3A_355, %broadcast_in_dim3A_14, %and3A_13, %broadcast_in_dim3A_146], %gather3A_350 : memref<252x1x8x16xf32, #tpu.memory_space<vmem>>[vector<16xi32>, vector<16xi32>, vector<16xi32>, vector<16xi32>], vector<16xf32>,
        tpu.vector_store_idx %arg13[%add3A_355, %broadcast_in_dim3A_14, %and3A_13, %broadcast_in_dim3A_146], %gather3A_351 : memref<252x1x8x16xf32, #tpu.memory_space<vmem>>[vector<16xi32>, vector<16xi32>, vector<16xi32>, vector<16xi32>], vector<16xf32>,
        %mul3A_356 = arith.constant 6 : i32
        %mul3A_357 = arith.muli %scan3A_298, %mul3A_356 : i32
        %add3A_358 = arith.constant 3 : i32
        %add3A_359 = arith.addi %mul3A_357, %add3A_358 : i32
        %mul3A_360 = arith.constant 32 : i32
        %mul3A_361 = arith.muli %add3A_359, %mul3A_360 : i32
        %add3A_362 = vector.broadcast %mul3A_361 : i32 to vector<16xi32>
        %add3A_363 = arith.addi %add3A_362, %mul3A_9 : vector<16xi32>
        %gather3A_364 = tpu.vector_load_idx %arg11[%broadcast_in_dim3A_143, %broadcast_in_dim3A_145, %add3A_363] : memref<2x4x4032xi32, #tpu.memory_space<vmem>>[vector<16xi32>, vector<16xi32>, vector<16xi32>], vector<16xi32>,
        %add3A_365 = arith.constant 1 : i32
        %add3A_366 = vector.broadcast %add3A_365 : i32 to vector<16xi32>
        %add3A_367 = arith.addi %add3A_363, %add3A_366 : vector<16xi32>
        %gather3A_368 = tpu.vector_load_idx %arg11[%broadcast_in_dim3A_143, %broadcast_in_dim3A_145, %add3A_367] : memref<2x4x4032xi32, #tpu.memory_space<vmem>>[vector<16xi32>, vector<16xi32>, vector<16xi32>], vector<16xi32>,
        %gather3A_369 = tpu.vector_load_idx %arg10[%broadcast_in_dim3A_147, %gather3A_364] : memref<128x64xf32, #tpu.memory_space<vmem>>[vector<16xi32>, vector<16xi32>], vector<16xf32>,
        %gather3A_370 = tpu.vector_load_idx %arg10[%broadcast_in_dim3A_147, %gather3A_368] : memref<128x64xf32, #tpu.memory_space<vmem>>[vector<16xi32>, vector<16xi32>], vector<16xf32>,
        %mul3A_371 = arith.constant 2 : i32
        %mul3A_372 = arith.muli %mul3A_371, %add3A_359 : i32
        %add3A_373 = vector.broadcast %mul3A_372 : i32 to vector<16xi32>
        %add3A_374 = arith.addi %add3A_373, %shift_right_logical3A_11 : vector<16xi32>
        tpu.vector_store_idx %arg12[%add3A_374, %broadcast_in_dim3A_14, %and3A_13, %broadcast_in_dim3A_146], %gather3A_369 : memref<252x1x8x16xf32, #tpu.memory_space<vmem>>[vector<16xi32>, vector<16xi32>, vector<16xi32>, vector<16xi32>], vector<16xf32>,
        tpu.vector_store_idx %arg13[%add3A_374, %broadcast_in_dim3A_14, %and3A_13, %broadcast_in_dim3A_146], %gather3A_370 : memref<252x1x8x16xf32, #tpu.memory_space<vmem>>[vector<16xi32>, vector<16xi32>, vector<16xi32>, vector<16xi32>], vector<16xf32>,
        %mul3A_375 = arith.constant 6 : i32
        %mul3A_376 = arith.muli %scan3A_298, %mul3A_375 : i32
        %add3A_377 = arith.constant 4 : i32
        %add3A_378 = arith.addi %mul3A_376, %add3A_377 : i32
        %mul3A_379 = arith.constant 32 : i32
        %mul3A_380 = arith.muli %add3A_378, %mul3A_379 : i32
        %add3A_381 = vector.broadcast %mul3A_380 : i32 to vector<16xi32>
        %add3A_382 = arith.addi %add3A_381, %mul3A_9 : vector<16xi32>
        %gather3A_383 = tpu.vector_load_idx %arg11[%broadcast_in_dim3A_143, %broadcast_in_dim3A_145, %add3A_382] : memref<2x4x4032xi32, #tpu.memory_space<vmem>>[vector<16xi32>, vector<16xi32>, vector<16xi32>], vector<16xi32>,
        %add3A_384 = arith.constant 1 : i32
        %add3A_385 = vector.broadcast %add3A_384 : i32 to vector<16xi32>
        %add3A_386 = arith.addi %add3A_382, %add3A_385 : vector<16xi32>
        %gather3A_387 = tpu.vector_load_idx %arg11[%broadcast_in_dim3A_143, %broadcast_in_dim3A_145, %add3A_386] : memref<2x4x4032xi32, #tpu.memory_space<vmem>>[vector<16xi32>, vector<16xi32>, vector<16xi32>], vector<16xi32>,
        %gather3A_388 = tpu.vector_load_idx %arg10[%broadcast_in_dim3A_147, %gather3A_383] : memref<128x64xf32, #tpu.memory_space<vmem>>[vector<16xi32>, vector<16xi32>], vector<16xf32>,
        %gather3A_389 = tpu.vector_load_idx %arg10[%broadcast_in_dim3A_147, %gather3A_387] : memref<128x64xf32, #tpu.memory_space<vmem>>[vector<16xi32>, vector<16xi32>], vector<16xf32>,
        %mul3A_390 = arith.constant 2 : i32
        %mul3A_391 = arith.muli %mul3A_390, %add3A_378 : i32
        %add3A_392 = vector.broadcast %mul3A_391 : i32 to vector<16xi32>
        %add3A_393 = arith.addi %add3A_392, %shift_right_logical3A_11 : vector<16xi32>
        tpu.vector_store_idx %arg12[%add3A_393, %broadcast_in_dim3A_14, %and3A_13, %broadcast_in_dim3A_146], %gather3A_388 : memref<252x1x8x16xf32, #tpu.memory_space<vmem>>[vector<16xi32>, vector<16xi32>, vector<16xi32>, vector<16xi32>], vector<16xf32>,
        tpu.vector_store_idx %arg13[%add3A_393, %broadcast_in_dim3A_14, %and3A_13, %broadcast_in_dim3A_146], %gather3A_389 : memref<252x1x8x16xf32, #tpu.memory_space<vmem>>[vector<16xi32>, vector<16xi32>, vector<16xi32>, vector<16xi32>], vector<16xf32>,
        %mul3A_394 = arith.constant 6 : i32
        %mul3A_395 = arith.muli %scan3A_298, %mul3A_394 : i32
        %add3A_396 = arith.constant 5 : i32
        %add3A_397 = arith.addi %mul3A_395, %add3A_396 : i32
        %mul3A_398 = arith.constant 32 : i32
        %mul3A_399 = arith.muli %add3A_397, %mul3A_398 : i32
        %add3A_400 = vector.broadcast %mul3A_399 : i32 to vector<16xi32>
        %add3A_401 = arith.addi %add3A_400, %mul3A_9 : vector<16xi32>
        %gather3A_402 = tpu.vector_load_idx %arg11[%broadcast_in_dim3A_143, %broadcast_in_dim3A_145, %add3A_401] : memref<2x4x4032xi32, #tpu.memory_space<vmem>>[vector<16xi32>, vector<16xi32>, vector<16xi32>], vector<16xi32>,
        %add3A_403 = arith.constant 1 : i32
        %add3A_404 = vector.broadcast %add3A_403 : i32 to vector<16xi32>
        %add3A_405 = arith.addi %add3A_401, %add3A_404 : vector<16xi32>
        %gather3A_406 = tpu.vector_load_idx %arg11[%broadcast_in_dim3A_143, %broadcast_in_dim3A_145, %add3A_405] : memref<2x4x4032xi32, #tpu.memory_space<vmem>>[vector<16xi32>, vector<16xi32>, vector<16xi32>], vector<16xi32>,
        %gather3A_407 = tpu.vector_load_idx %arg10[%broadcast_in_dim3A_147, %gather3A_402] : memref<128x64xf32, #tpu.memory_space<vmem>>[vector<16xi32>, vector<16xi32>], vector<16xf32>,
        %gather3A_408 = tpu.vector_load_idx %arg10[%broadcast_in_dim3A_147, %gather3A_406] : memref<128x64xf32, #tpu.memory_space<vmem>>[vector<16xi32>, vector<16xi32>], vector<16xf32>,
        %mul3A_409 = arith.constant 2 : i32
        %mul3A_410 = arith.muli %mul3A_409, %add3A_397 : i32
        %add3A_411 = vector.broadcast %mul3A_410 : i32 to vector<16xi32>
        %add3A_412 = arith.addi %add3A_411, %shift_right_logical3A_11 : vector<16xi32>
        tpu.vector_store_idx %arg12[%add3A_412, %broadcast_in_dim3A_14, %and3A_13, %broadcast_in_dim3A_146], %gather3A_407 : memref<252x1x8x16xf32, #tpu.memory_space<vmem>>[vector<16xi32>, vector<16xi32>, vector<16xi32>, vector<16xi32>], vector<16xf32>,
        tpu.vector_store_idx %arg13[%add3A_412, %broadcast_in_dim3A_14, %and3A_13, %broadcast_in_dim3A_146], %gather3A_408 : memref<252x1x8x16xf32, #tpu.memory_space<vmem>>[vector<16xi32>, vector<16xi32>, vector<16xi32>, vector<16xi32>], vector<16xf32>,
        %scan3A_413 = arith.constant 0 : i32
        scf.yield %scan3A_413 : i32
      }
      %scan3A_154 = arith.constant 21 : i32
      %mul3A_155 = arith.constant 2 : i32
      %mul3A_156 = arith.muli %scan3A_51, %mul3A_155 : i32
      %mul3A_157 = arith.constant 4 : i32
      %mul3A_158 = arith.muli %mul3A_156, %mul3A_157 : i32
      %add3A_159 = arith.constant 0 : i32
      %add3A_160 = arith.addi %mul3A_158, %add3A_159 : i32
      %add3A_161 = arith.constant 3 : i32
      %add3A_162 = arith.addi %add3A_160, %add3A_161 : i32
      %and3A_163 = arith.constant 15 : i32
      %and3A_164 = arith.andi %add3A_162, %and3A_163 : i32
      %broadcast_in_dim3A_165 = arith.constant 0 : i32
      %broadcast_in_dim3A_166 = vector.broadcast %broadcast_in_dim3A_165 : i32 to vector<16xi32>
      %broadcast_in_dim3A_167 = arith.constant 3 : i32
      %broadcast_in_dim3A_168 = vector.broadcast %broadcast_in_dim3A_167 : i32 to vector<16xi32>
      %broadcast_in_dim3A_169 = vector.broadcast %and3A_164 : i32 to vector<16xi32>
      %broadcast_in_dim3A_170 = vector.broadcast %add3A_162 : i32 to vector<16xi32>
      %scan3A_171 = arith.constant 0 : i32
      %scan3A_172 = arith.constant 0 : i32
      %scan3A_173 = arith.constant 21 : i32
      %scan3A_174 = arith.addi %scan3A_172, %scan3A_173 : i32
      %scan3A_175 = arith.constant 1 : i32
      %scan3A_176 = scf.for %scan3A_298 = %scan3A_172 to %scan3A_174 step %scan3A_175 iter_args(%scan3A_299 = %scan3A_171) -> (i32)  : i32 {
        %mul3A_300 = arith.constant 6 : i32
        %mul3A_301 = arith.muli %scan3A_298, %mul3A_300 : i32
        %add3A_302 = arith.constant 0 : i32
        %add3A_303 = arith.addi %mul3A_301, %add3A_302 : i32
        %mul3A_304 = arith.constant 32 : i32
        %mul3A_305 = arith.muli %add3A_303, %mul3A_304 : i32
        %add3A_306 = vector.broadcast %mul3A_305 : i32 to vector<16xi32>
        %add3A_307 = arith.addi %add3A_306, %mul3A_9 : vector<16xi32>
        %gather3A = tpu.vector_load_idx %arg11[%broadcast_in_dim3A_166, %broadcast_in_dim3A_168, %add3A_307] : memref<2x4x4032xi32, #tpu.memory_space<vmem>>[vector<16xi32>, vector<16xi32>, vector<16xi32>], vector<16xi32>,
        %add3A_308 = arith.constant 1 : i32
        %add3A_309 = vector.broadcast %add3A_308 : i32 to vector<16xi32>
        %add3A_310 = arith.addi %add3A_307, %add3A_309 : vector<16xi32>
        %gather3A_311 = tpu.vector_load_idx %arg11[%broadcast_in_dim3A_166, %broadcast_in_dim3A_168, %add3A_310] : memref<2x4x4032xi32, #tpu.memory_space<vmem>>[vector<16xi32>, vector<16xi32>, vector<16xi32>], vector<16xi32>,
        %gather3A_312 = tpu.vector_load_idx %arg10[%broadcast_in_dim3A_170, %gather3A] : memref<128x64xf32, #tpu.memory_space<vmem>>[vector<16xi32>, vector<16xi32>], vector<16xf32>,
        %gather3A_313 = tpu.vector_load_idx %arg10[%broadcast_in_dim3A_170, %gather3A_311] : memref<128x64xf32, #tpu.memory_space<vmem>>[vector<16xi32>, vector<16xi32>], vector<16xf32>,
        %mul3A_314 = arith.constant 2 : i32
        %mul3A_315 = arith.muli %mul3A_314, %add3A_303 : i32
        %add3A_316 = vector.broadcast %mul3A_315 : i32 to vector<16xi32>
        %add3A_317 = arith.addi %add3A_316, %shift_right_logical3A_11 : vector<16xi32>
        tpu.vector_store_idx %arg12[%add3A_317, %broadcast_in_dim3A_14, %and3A_13, %broadcast_in_dim3A_169], %gather3A_312 : memref<252x1x8x16xf32, #tpu.memory_space<vmem>>[vector<16xi32>, vector<16xi32>, vector<16xi32>, vector<16xi32>], vector<16xf32>,
        tpu.vector_store_idx %arg13[%add3A_317, %broadcast_in_dim3A_14, %and3A_13, %broadcast_in_dim3A_169], %gather3A_313 : memref<252x1x8x16xf32, #tpu.memory_space<vmem>>[vector<16xi32>, vector<16xi32>, vector<16xi32>, vector<16xi32>], vector<16xf32>,
        %mul3A_318 = arith.constant 6 : i32
        %mul3A_319 = arith.muli %scan3A_298, %mul3A_318 : i32
        %add3A_320 = arith.constant 1 : i32
        %add3A_321 = arith.addi %mul3A_319, %add3A_320 : i32
        %mul3A_322 = arith.constant 32 : i32
        %mul3A_323 = arith.muli %add3A_321, %mul3A_322 : i32
        %add3A_324 = vector.broadcast %mul3A_323 : i32 to vector<16xi32>
        %add3A_325 = arith.addi %add3A_324, %mul3A_9 : vector<16xi32>
        %gather3A_326 = tpu.vector_load_idx %arg11[%broadcast_in_dim3A_166, %broadcast_in_dim3A_168, %add3A_325] : memref<2x4x4032xi32, #tpu.memory_space<vmem>>[vector<16xi32>, vector<16xi32>, vector<16xi32>], vector<16xi32>,
        %add3A_327 = arith.constant 1 : i32
        %add3A_328 = vector.broadcast %add3A_327 : i32 to vector<16xi32>
        %add3A_329 = arith.addi %add3A_325, %add3A_328 : vector<16xi32>
        %gather3A_330 = tpu.vector_load_idx %arg11[%broadcast_in_dim3A_166, %broadcast_in_dim3A_168, %add3A_329] : memref<2x4x4032xi32, #tpu.memory_space<vmem>>[vector<16xi32>, vector<16xi32>, vector<16xi32>], vector<16xi32>,
        %gather3A_331 = tpu.vector_load_idx %arg10[%broadcast_in_dim3A_170, %gather3A_326] : memref<128x64xf32, #tpu.memory_space<vmem>>[vector<16xi32>, vector<16xi32>], vector<16xf32>,
        %gather3A_332 = tpu.vector_load_idx %arg10[%broadcast_in_dim3A_170, %gather3A_330] : memref<128x64xf32, #tpu.memory_space<vmem>>[vector<16xi32>, vector<16xi32>], vector<16xf32>,
        %mul3A_333 = arith.constant 2 : i32
        %mul3A_334 = arith.muli %mul3A_333, %add3A_321 : i32
        %add3A_335 = vector.broadcast %mul3A_334 : i32 to vector<16xi32>
        %add3A_336 = arith.addi %add3A_335, %shift_right_logical3A_11 : vector<16xi32>
        tpu.vector_store_idx %arg12[%add3A_336, %broadcast_in_dim3A_14, %and3A_13, %broadcast_in_dim3A_169], %gather3A_331 : memref<252x1x8x16xf32, #tpu.memory_space<vmem>>[vector<16xi32>, vector<16xi32>, vector<16xi32>, vector<16xi32>], vector<16xf32>,
        tpu.vector_store_idx %arg13[%add3A_336, %broadcast_in_dim3A_14, %and3A_13, %broadcast_in_dim3A_169], %gather3A_332 : memref<252x1x8x16xf32, #tpu.memory_space<vmem>>[vector<16xi32>, vector<16xi32>, vector<16xi32>, vector<16xi32>], vector<16xf32>,
        %mul3A_337 = arith.constant 6 : i32
        %mul3A_338 = arith.muli %scan3A_298, %mul3A_337 : i32
        %add3A_339 = arith.constant 2 : i32
        %add3A_340 = arith.addi %mul3A_338, %add3A_339 : i32
        %mul3A_341 = arith.constant 32 : i32
        %mul3A_342 = arith.muli %add3A_340, %mul3A_341 : i32
        %add3A_343 = vector.broadcast %mul3A_342 : i32 to vector<16xi32>
        %add3A_344 = arith.addi %add3A_343, %mul3A_9 : vector<16xi32>
        %gather3A_345 = tpu.vector_load_idx %arg11[%broadcast_in_dim3A_166, %broadcast_in_dim3A_168, %add3A_344] : memref<2x4x4032xi32, #tpu.memory_space<vmem>>[vector<16xi32>, vector<16xi32>, vector<16xi32>], vector<16xi32>,
        %add3A_346 = arith.constant 1 : i32
        %add3A_347 = vector.broadcast %add3A_346 : i32 to vector<16xi32>
        %add3A_348 = arith.addi %add3A_344, %add3A_347 : vector<16xi32>
        %gather3A_349 = tpu.vector_load_idx %arg11[%broadcast_in_dim3A_166, %broadcast_in_dim3A_168, %add3A_348] : memref<2x4x4032xi32, #tpu.memory_space<vmem>>[vector<16xi32>, vector<16xi32>, vector<16xi32>], vector<16xi32>,
        %gather3A_350 = tpu.vector_load_idx %arg10[%broadcast_in_dim3A_170, %gather3A_345] : memref<128x64xf32, #tpu.memory_space<vmem>>[vector<16xi32>, vector<16xi32>], vector<16xf32>,
        %gather3A_351 = tpu.vector_load_idx %arg10[%broadcast_in_dim3A_170, %gather3A_349] : memref<128x64xf32, #tpu.memory_space<vmem>>[vector<16xi32>, vector<16xi32>], vector<16xf32>,
        %mul3A_352 = arith.constant 2 : i32
        %mul3A_353 = arith.muli %mul3A_352, %add3A_340 : i32
        %add3A_354 = vector.broadcast %mul3A_353 : i32 to vector<16xi32>
        %add3A_355 = arith.addi %add3A_354, %shift_right_logical3A_11 : vector<16xi32>
        tpu.vector_store_idx %arg12[%add3A_355, %broadcast_in_dim3A_14, %and3A_13, %broadcast_in_dim3A_169], %gather3A_350 : memref<252x1x8x16xf32, #tpu.memory_space<vmem>>[vector<16xi32>, vector<16xi32>, vector<16xi32>, vector<16xi32>], vector<16xf32>,
        tpu.vector_store_idx %arg13[%add3A_355, %broadcast_in_dim3A_14, %and3A_13, %broadcast_in_dim3A_169], %gather3A_351 : memref<252x1x8x16xf32, #tpu.memory_space<vmem>>[vector<16xi32>, vector<16xi32>, vector<16xi32>, vector<16xi32>], vector<16xf32>,
        %mul3A_356 = arith.constant 6 : i32
        %mul3A_357 = arith.muli %scan3A_298, %mul3A_356 : i32
        %add3A_358 = arith.constant 3 : i32
        %add3A_359 = arith.addi %mul3A_357, %add3A_358 : i32
        %mul3A_360 = arith.constant 32 : i32
        %mul3A_361 = arith.muli %add3A_359, %mul3A_360 : i32
        %add3A_362 = vector.broadcast %mul3A_361 : i32 to vector<16xi32>
        %add3A_363 = arith.addi %add3A_362, %mul3A_9 : vector<16xi32>
        %gather3A_364 = tpu.vector_load_idx %arg11[%broadcast_in_dim3A_166, %broadcast_in_dim3A_168, %add3A_363] : memref<2x4x4032xi32, #tpu.memory_space<vmem>>[vector<16xi32>, vector<16xi32>, vector<16xi32>], vector<16xi32>,
        %add3A_365 = arith.constant 1 : i32
        %add3A_366 = vector.broadcast %add3A_365 : i32 to vector<16xi32>
        %add3A_367 = arith.addi %add3A_363, %add3A_366 : vector<16xi32>
        %gather3A_368 = tpu.vector_load_idx %arg11[%broadcast_in_dim3A_166, %broadcast_in_dim3A_168, %add3A_367] : memref<2x4x4032xi32, #tpu.memory_space<vmem>>[vector<16xi32>, vector<16xi32>, vector<16xi32>], vector<16xi32>,
        %gather3A_369 = tpu.vector_load_idx %arg10[%broadcast_in_dim3A_170, %gather3A_364] : memref<128x64xf32, #tpu.memory_space<vmem>>[vector<16xi32>, vector<16xi32>], vector<16xf32>,
        %gather3A_370 = tpu.vector_load_idx %arg10[%broadcast_in_dim3A_170, %gather3A_368] : memref<128x64xf32, #tpu.memory_space<vmem>>[vector<16xi32>, vector<16xi32>], vector<16xf32>,
        %mul3A_371 = arith.constant 2 : i32
        %mul3A_372 = arith.muli %mul3A_371, %add3A_359 : i32
        %add3A_373 = vector.broadcast %mul3A_372 : i32 to vector<16xi32>
        %add3A_374 = arith.addi %add3A_373, %shift_right_logical3A_11 : vector<16xi32>
        tpu.vector_store_idx %arg12[%add3A_374, %broadcast_in_dim3A_14, %and3A_13, %broadcast_in_dim3A_169], %gather3A_369 : memref<252x1x8x16xf32, #tpu.memory_space<vmem>>[vector<16xi32>, vector<16xi32>, vector<16xi32>, vector<16xi32>], vector<16xf32>,
        tpu.vector_store_idx %arg13[%add3A_374, %broadcast_in_dim3A_14, %and3A_13, %broadcast_in_dim3A_169], %gather3A_370 : memref<252x1x8x16xf32, #tpu.memory_space<vmem>>[vector<16xi32>, vector<16xi32>, vector<16xi32>, vector<16xi32>], vector<16xf32>,
        %mul3A_375 = arith.constant 6 : i32
        %mul3A_376 = arith.muli %scan3A_298, %mul3A_375 : i32
        %add3A_377 = arith.constant 4 : i32
        %add3A_378 = arith.addi %mul3A_376, %add3A_377 : i32
        %mul3A_379 = arith.constant 32 : i32
        %mul3A_380 = arith.muli %add3A_378, %mul3A_379 : i32
        %add3A_381 = vector.broadcast %mul3A_380 : i32 to vector<16xi32>
        %add3A_382 = arith.addi %add3A_381, %mul3A_9 : vector<16xi32>
        %gather3A_383 = tpu.vector_load_idx %arg11[%broadcast_in_dim3A_166, %broadcast_in_dim3A_168, %add3A_382] : memref<2x4x4032xi32, #tpu.memory_space<vmem>>[vector<16xi32>, vector<16xi32>, vector<16xi32>], vector<16xi32>,
        %add3A_384 = arith.constant 1 : i32
        %add3A_385 = vector.broadcast %add3A_384 : i32 to vector<16xi32>
        %add3A_386 = arith.addi %add3A_382, %add3A_385 : vector<16xi32>
        %gather3A_387 = tpu.vector_load_idx %arg11[%broadcast_in_dim3A_166, %broadcast_in_dim3A_168, %add3A_386] : memref<2x4x4032xi32, #tpu.memory_space<vmem>>[vector<16xi32>, vector<16xi32>, vector<16xi32>], vector<16xi32>,
        %gather3A_388 = tpu.vector_load_idx %arg10[%broadcast_in_dim3A_170, %gather3A_383] : memref<128x64xf32, #tpu.memory_space<vmem>>[vector<16xi32>, vector<16xi32>], vector<16xf32>,
        %gather3A_389 = tpu.vector_load_idx %arg10[%broadcast_in_dim3A_170, %gather3A_387] : memref<128x64xf32, #tpu.memory_space<vmem>>[vector<16xi32>, vector<16xi32>], vector<16xf32>,
        %mul3A_390 = arith.constant 2 : i32
        %mul3A_391 = arith.muli %mul3A_390, %add3A_378 : i32
        %add3A_392 = vector.broadcast %mul3A_391 : i32 to vector<16xi32>
        %add3A_393 = arith.addi %add3A_392, %shift_right_logical3A_11 : vector<16xi32>
        tpu.vector_store_idx %arg12[%add3A_393, %broadcast_in_dim3A_14, %and3A_13, %broadcast_in_dim3A_169], %gather3A_388 : memref<252x1x8x16xf32, #tpu.memory_space<vmem>>[vector<16xi32>, vector<16xi32>, vector<16xi32>, vector<16xi32>], vector<16xf32>,
        tpu.vector_store_idx %arg13[%add3A_393, %broadcast_in_dim3A_14, %and3A_13, %broadcast_in_dim3A_169], %gather3A_389 : memref<252x1x8x16xf32, #tpu.memory_space<vmem>>[vector<16xi32>, vector<16xi32>, vector<16xi32>, vector<16xi32>], vector<16xf32>,
        %mul3A_394 = arith.constant 6 : i32
        %mul3A_395 = arith.muli %scan3A_298, %mul3A_394 : i32
        %add3A_396 = arith.constant 5 : i32
        %add3A_397 = arith.addi %mul3A_395, %add3A_396 : i32
        %mul3A_398 = arith.constant 32 : i32
        %mul3A_399 = arith.muli %add3A_397, %mul3A_398 : i32
        %add3A_400 = vector.broadcast %mul3A_399 : i32 to vector<16xi32>
        %add3A_401 = arith.addi %add3A_400, %mul3A_9 : vector<16xi32>
        %gather3A_402 = tpu.vector_load_idx %arg11[%broadcast_in_dim3A_166, %broadcast_in_dim3A_168, %add3A_401] : memref<2x4x4032xi32, #tpu.memory_space<vmem>>[vector<16xi32>, vector<16xi32>, vector<16xi32>], vector<16xi32>,
        %add3A_403 = arith.constant 1 : i32
        %add3A_404 = vector.broadcast %add3A_403 : i32 to vector<16xi32>
        %add3A_405 = arith.addi %add3A_401, %add3A_404 : vector<16xi32>
        %gather3A_406 = tpu.vector_load_idx %arg11[%broadcast_in_dim3A_166, %broadcast_in_dim3A_168, %add3A_405] : memref<2x4x4032xi32, #tpu.memory_space<vmem>>[vector<16xi32>, vector<16xi32>, vector<16xi32>], vector<16xi32>,
        %gather3A_407 = tpu.vector_load_idx %arg10[%broadcast_in_dim3A_170, %gather3A_402] : memref<128x64xf32, #tpu.memory_space<vmem>>[vector<16xi32>, vector<16xi32>], vector<16xf32>,
        %gather3A_408 = tpu.vector_load_idx %arg10[%broadcast_in_dim3A_170, %gather3A_406] : memref<128x64xf32, #tpu.memory_space<vmem>>[vector<16xi32>, vector<16xi32>], vector<16xf32>,
        %mul3A_409 = arith.constant 2 : i32
        %mul3A_410 = arith.muli %mul3A_409, %add3A_397 : i32
        %add3A_411 = vector.broadcast %mul3A_410 : i32 to vector<16xi32>
        %add3A_412 = arith.addi %add3A_411, %shift_right_logical3A_11 : vector<16xi32>
        tpu.vector_store_idx %arg12[%add3A_412, %broadcast_in_dim3A_14, %and3A_13, %broadcast_in_dim3A_169], %gather3A_407 : memref<252x1x8x16xf32, #tpu.memory_space<vmem>>[vector<16xi32>, vector<16xi32>, vector<16xi32>, vector<16xi32>], vector<16xf32>,
        tpu.vector_store_idx %arg13[%add3A_412, %broadcast_in_dim3A_14, %and3A_13, %broadcast_in_dim3A_169], %gather3A_408 : memref<252x1x8x16xf32, #tpu.memory_space<vmem>>[vector<16xi32>, vector<16xi32>, vector<16xi32>, vector<16xi32>], vector<16xf32>,
        %scan3A_413 = arith.constant 0 : i32
        scf.yield %scan3A_413 : i32
      }
      %scan3A_177 = arith.constant 21 : i32
      %mul3A_178 = arith.constant 2 : i32
      %mul3A_179 = arith.muli %mul3A_178, %scan3A_51 : i32
      %add3A_180 = arith.constant 2 : i32
      %add3A_181 = arith.addi %mul3A_179, %add3A_180 : i32
      %lt3A = arith.constant 32 : i32
      %lt3A_182 = arith.cmpi slt, %add3A_181, %lt3A : i32
      %convert_element_type3A_183 = arith.extui %lt3A_182 : i1 to i32
      %cond3A_184 = arith.constant 0 : i32
      %cond3A_185 = arith.cmpi ne, %convert_element_type3A_183, %cond3A_184 : i32
      scf.if %cond3A_185 {
        %mul3A_298 = arith.constant 2 : i32
        %mul3A_299 = arith.muli %mul3A_298, %scan3A_51 : i32
        %add3A_300 = arith.constant 2 : i32
        %add3A_301 = arith.addi %mul3A_299, %add3A_300 : i32
        %dma_start3A_302 = arith.constant 0 : i32
        %dma_start3A_303 = arith.constant 0 : i32
        %dma_start3A_304 = arith.constant 0 : i32
        %dma_start3A_305 = tpu.memref_slice %arg11[%dma_start3A_302, %dma_start3A_303, %dma_start3A_304] : memref<2x4x4032xi32, #tpu.memory_space<vmem>> -> memref<1x4x4032xi32, #tpu.memory_space<vmem>>
        %dma_start3A_306 = tpu.memref_squeeze %dma_start3A_305 : memref<1x4x4032xi32, #tpu.memory_space<vmem>> -> memref<4x4032xi32, #tpu.memory_space<vmem>>
        %dma_start3A_307 = arith.constant 0 : i32
        %dma_start3A_308 = tpu.memref_slice %arg9[%add3A_301, %dma_start3A_307] : memref<32x4xi32, #tpu.memory_space<vmem>> -> memref<1x4xi32, #tpu.memory_space<vmem>>
        %dma_start3A_309 = tpu.memref_squeeze %dma_start3A_308 : memref<1x4xi32, #tpu.memory_space<vmem>> -> memref<4xi32, #tpu.memory_space<vmem>>
        %dma_start3A_310 = arith.constant 0 : i32
        %dma_start3A_311 = arith.constant 0 : i32
        %dma_start3A_312 = tpu.memref_slice %arg2[%dma_start3A_310, %dma_start3A_311] : memref<8192x4032xi32, #tpu.memory_space<hbm>> -> memref<8192x4032xi32, #tpu.memory_space<hbm>>
        tpu.enqueue_indirect_dma source(%dma_start3A_312 : memref<8192x4032xi32, #tpu.memory_space<hbm>>) target(%dma_start3A_306 : memref<4x4032xi32, #tpu.memory_space<vmem>>) offsets(%dma_start3A_309 : memref<4xi32, #tpu.memory_space<vmem>>) semaphore(%arg15 : memref<!tpu.dma_semaphore, #tpu.memory_space<semaphore_mem>>)
      } else {
      }
      %dma_wait3A_186 = arith.constant 0 : i32
      %dma_wait3A_187 = arith.constant 1 : i32
      %dma_wait3A_188 = arith.constant 0 : i32
      %dma_wait3A_189 = arith.constant 0 : i32
      %dma_wait3A_190 = tpu.memref_slice %arg11[%dma_wait3A_187, %dma_wait3A_188, %dma_wait3A_189] : memref<2x4x4032xi32, #tpu.memory_space<vmem>> -> memref<1x4x4032xi32, #tpu.memory_space<vmem>>
      %dma_wait3A_191 = tpu.memref_squeeze %dma_wait3A_190 : memref<1x4x4032xi32, #tpu.memory_space<vmem>> -> memref<4x4032xi32, #tpu.memory_space<vmem>>
      %dma_wait3A_192 = arith.constant 0 : i32
      %dma_wait3A_193 = tpu.memref_slice %arg9[%dma_wait3A_186, %dma_wait3A_192] : memref<32x4xi32, #tpu.memory_space<vmem>> -> memref<1x4xi32, #tpu.memory_space<vmem>>
      %dma_wait3A_194 = tpu.memref_squeeze %dma_wait3A_193 : memref<1x4xi32, #tpu.memory_space<vmem>> -> memref<4xi32, #tpu.memory_space<vmem>>
      %dma_wait3A_195 = arith.constant 0 : i32
      %dma_wait3A_196 = arith.constant 0 : i32
      %dma_wait3A_197 = tpu.memref_slice %arg2[%dma_wait3A_195, %dma_wait3A_196] : memref<8192x4032xi32, #tpu.memory_space<hbm>> -> memref<8192x4032xi32, #tpu.memory_space<hbm>>
      tpu.wait_indirect_dma semaphore(%arg16 : memref<!tpu.dma_semaphore, #tpu.memory_space<semaphore_mem>>) src(%dma_wait3A_197 : memref<8192x4032xi32, #tpu.memory_space<hbm>>) dst(%dma_wait3A_191 : memref<4x4032xi32, #tpu.memory_space<vmem>>)
      %mul3A_198 = arith.constant 2 : i32
      %mul3A_199 = arith.muli %scan3A_51, %mul3A_198 : i32
      %mul3A_200 = arith.constant 4 : i32
      %mul3A_201 = arith.muli %mul3A_199, %mul3A_200 : i32
      %add3A_202 = arith.constant 4 : i32
      %add3A_203 = arith.addi %mul3A_201, %add3A_202 : i32
      %add3A_204 = arith.constant 0 : i32
      %add3A_205 = arith.addi %add3A_203, %add3A_204 : i32
      %and3A_206 = arith.constant 15 : i32
      %and3A_207 = arith.andi %add3A_205, %and3A_206 : i32
      %broadcast_in_dim3A_208 = arith.constant 1 : i32
      %broadcast_in_dim3A_209 = vector.broadcast %broadcast_in_dim3A_208 : i32 to vector<16xi32>
      %broadcast_in_dim3A_210 = arith.constant 0 : i32
      %broadcast_in_dim3A_211 = vector.broadcast %broadcast_in_dim3A_210 : i32 to vector<16xi32>
      %broadcast_in_dim3A_212 = vector.broadcast %and3A_207 : i32 to vector<16xi32>
      %broadcast_in_dim3A_213 = vector.broadcast %add3A_205 : i32 to vector<16xi32>
      %scan3A_214 = arith.constant 0 : i32
      %scan3A_215 = arith.constant 0 : i32
      %scan3A_216 = arith.constant 21 : i32
      %scan3A_217 = arith.addi %scan3A_215, %scan3A_216 : i32
      %scan3A_218 = arith.constant 1 : i32
      %scan3A_219 = scf.for %scan3A_298 = %scan3A_215 to %scan3A_217 step %scan3A_218 iter_args(%scan3A_299 = %scan3A_214) -> (i32)  : i32 {
        %mul3A_300 = arith.constant 6 : i32
        %mul3A_301 = arith.muli %scan3A_298, %mul3A_300 : i32
        %add3A_302 = arith.constant 0 : i32
        %add3A_303 = arith.addi %mul3A_301, %add3A_302 : i32
        %mul3A_304 = arith.constant 32 : i32
        %mul3A_305 = arith.muli %add3A_303, %mul3A_304 : i32
        %add3A_306 = vector.broadcast %mul3A_305 : i32 to vector<16xi32>
        %add3A_307 = arith.addi %add3A_306, %mul3A_9 : vector<16xi32>
        %gather3A = tpu.vector_load_idx %arg11[%broadcast_in_dim3A_209, %broadcast_in_dim3A_211, %add3A_307] : memref<2x4x4032xi32, #tpu.memory_space<vmem>>[vector<16xi32>, vector<16xi32>, vector<16xi32>], vector<16xi32>,
        %add3A_308 = arith.constant 1 : i32
        %add3A_309 = vector.broadcast %add3A_308 : i32 to vector<16xi32>
        %add3A_310 = arith.addi %add3A_307, %add3A_309 : vector<16xi32>
        %gather3A_311 = tpu.vector_load_idx %arg11[%broadcast_in_dim3A_209, %broadcast_in_dim3A_211, %add3A_310] : memref<2x4x4032xi32, #tpu.memory_space<vmem>>[vector<16xi32>, vector<16xi32>, vector<16xi32>], vector<16xi32>,
        %gather3A_312 = tpu.vector_load_idx %arg10[%broadcast_in_dim3A_213, %gather3A] : memref<128x64xf32, #tpu.memory_space<vmem>>[vector<16xi32>, vector<16xi32>], vector<16xf32>,
        %gather3A_313 = tpu.vector_load_idx %arg10[%broadcast_in_dim3A_213, %gather3A_311] : memref<128x64xf32, #tpu.memory_space<vmem>>[vector<16xi32>, vector<16xi32>], vector<16xf32>,
        %mul3A_314 = arith.constant 2 : i32
        %mul3A_315 = arith.muli %mul3A_314, %add3A_303 : i32
        %add3A_316 = vector.broadcast %mul3A_315 : i32 to vector<16xi32>
        %add3A_317 = arith.addi %add3A_316, %shift_right_logical3A_11 : vector<16xi32>
        tpu.vector_store_idx %arg12[%add3A_317, %broadcast_in_dim3A_14, %and3A_13, %broadcast_in_dim3A_212], %gather3A_312 : memref<252x1x8x16xf32, #tpu.memory_space<vmem>>[vector<16xi32>, vector<16xi32>, vector<16xi32>, vector<16xi32>], vector<16xf32>,
        tpu.vector_store_idx %arg13[%add3A_317, %broadcast_in_dim3A_14, %and3A_13, %broadcast_in_dim3A_212], %gather3A_313 : memref<252x1x8x16xf32, #tpu.memory_space<vmem>>[vector<16xi32>, vector<16xi32>, vector<16xi32>, vector<16xi32>], vector<16xf32>,
        %mul3A_318 = arith.constant 6 : i32
        %mul3A_319 = arith.muli %scan3A_298, %mul3A_318 : i32
        %add3A_320 = arith.constant 1 : i32
        %add3A_321 = arith.addi %mul3A_319, %add3A_320 : i32
        %mul3A_322 = arith.constant 32 : i32
        %mul3A_323 = arith.muli %add3A_321, %mul3A_322 : i32
        %add3A_324 = vector.broadcast %mul3A_323 : i32 to vector<16xi32>
        %add3A_325 = arith.addi %add3A_324, %mul3A_9 : vector<16xi32>
        %gather3A_326 = tpu.vector_load_idx %arg11[%broadcast_in_dim3A_209, %broadcast_in_dim3A_211, %add3A_325] : memref<2x4x4032xi32, #tpu.memory_space<vmem>>[vector<16xi32>, vector<16xi32>, vector<16xi32>], vector<16xi32>,
        %add3A_327 = arith.constant 1 : i32
        %add3A_328 = vector.broadcast %add3A_327 : i32 to vector<16xi32>
        %add3A_329 = arith.addi %add3A_325, %add3A_328 : vector<16xi32>
        %gather3A_330 = tpu.vector_load_idx %arg11[%broadcast_in_dim3A_209, %broadcast_in_dim3A_211, %add3A_329] : memref<2x4x4032xi32, #tpu.memory_space<vmem>>[vector<16xi32>, vector<16xi32>, vector<16xi32>], vector<16xi32>,
        %gather3A_331 = tpu.vector_load_idx %arg10[%broadcast_in_dim3A_213, %gather3A_326] : memref<128x64xf32, #tpu.memory_space<vmem>>[vector<16xi32>, vector<16xi32>], vector<16xf32>,
        %gather3A_332 = tpu.vector_load_idx %arg10[%broadcast_in_dim3A_213, %gather3A_330] : memref<128x64xf32, #tpu.memory_space<vmem>>[vector<16xi32>, vector<16xi32>], vector<16xf32>,
        %mul3A_333 = arith.constant 2 : i32
        %mul3A_334 = arith.muli %mul3A_333, %add3A_321 : i32
        %add3A_335 = vector.broadcast %mul3A_334 : i32 to vector<16xi32>
        %add3A_336 = arith.addi %add3A_335, %shift_right_logical3A_11 : vector<16xi32>
        tpu.vector_store_idx %arg12[%add3A_336, %broadcast_in_dim3A_14, %and3A_13, %broadcast_in_dim3A_212], %gather3A_331 : memref<252x1x8x16xf32, #tpu.memory_space<vmem>>[vector<16xi32>, vector<16xi32>, vector<16xi32>, vector<16xi32>], vector<16xf32>,
        tpu.vector_store_idx %arg13[%add3A_336, %broadcast_in_dim3A_14, %and3A_13, %broadcast_in_dim3A_212], %gather3A_332 : memref<252x1x8x16xf32, #tpu.memory_space<vmem>>[vector<16xi32>, vector<16xi32>, vector<16xi32>, vector<16xi32>], vector<16xf32>,
        %mul3A_337 = arith.constant 6 : i32
        %mul3A_338 = arith.muli %scan3A_298, %mul3A_337 : i32
        %add3A_339 = arith.constant 2 : i32
        %add3A_340 = arith.addi %mul3A_338, %add3A_339 : i32
        %mul3A_341 = arith.constant 32 : i32
        %mul3A_342 = arith.muli %add3A_340, %mul3A_341 : i32
        %add3A_343 = vector.broadcast %mul3A_342 : i32 to vector<16xi32>
        %add3A_344 = arith.addi %add3A_343, %mul3A_9 : vector<16xi32>
        %gather3A_345 = tpu.vector_load_idx %arg11[%broadcast_in_dim3A_209, %broadcast_in_dim3A_211, %add3A_344] : memref<2x4x4032xi32, #tpu.memory_space<vmem>>[vector<16xi32>, vector<16xi32>, vector<16xi32>], vector<16xi32>,
        %add3A_346 = arith.constant 1 : i32
        %add3A_347 = vector.broadcast %add3A_346 : i32 to vector<16xi32>
        %add3A_348 = arith.addi %add3A_344, %add3A_347 : vector<16xi32>
        %gather3A_349 = tpu.vector_load_idx %arg11[%broadcast_in_dim3A_209, %broadcast_in_dim3A_211, %add3A_348] : memref<2x4x4032xi32, #tpu.memory_space<vmem>>[vector<16xi32>, vector<16xi32>, vector<16xi32>], vector<16xi32>,
        %gather3A_350 = tpu.vector_load_idx %arg10[%broadcast_in_dim3A_213, %gather3A_345] : memref<128x64xf32, #tpu.memory_space<vmem>>[vector<16xi32>, vector<16xi32>], vector<16xf32>,
        %gather3A_351 = tpu.vector_load_idx %arg10[%broadcast_in_dim3A_213, %gather3A_349] : memref<128x64xf32, #tpu.memory_space<vmem>>[vector<16xi32>, vector<16xi32>], vector<16xf32>,
        %mul3A_352 = arith.constant 2 : i32
        %mul3A_353 = arith.muli %mul3A_352, %add3A_340 : i32
        %add3A_354 = vector.broadcast %mul3A_353 : i32 to vector<16xi32>
        %add3A_355 = arith.addi %add3A_354, %shift_right_logical3A_11 : vector<16xi32>
        tpu.vector_store_idx %arg12[%add3A_355, %broadcast_in_dim3A_14, %and3A_13, %broadcast_in_dim3A_212], %gather3A_350 : memref<252x1x8x16xf32, #tpu.memory_space<vmem>>[vector<16xi32>, vector<16xi32>, vector<16xi32>, vector<16xi32>], vector<16xf32>,
        tpu.vector_store_idx %arg13[%add3A_355, %broadcast_in_dim3A_14, %and3A_13, %broadcast_in_dim3A_212], %gather3A_351 : memref<252x1x8x16xf32, #tpu.memory_space<vmem>>[vector<16xi32>, vector<16xi32>, vector<16xi32>, vector<16xi32>], vector<16xf32>,
        %mul3A_356 = arith.constant 6 : i32
        %mul3A_357 = arith.muli %scan3A_298, %mul3A_356 : i32
        %add3A_358 = arith.constant 3 : i32
        %add3A_359 = arith.addi %mul3A_357, %add3A_358 : i32
        %mul3A_360 = arith.constant 32 : i32
        %mul3A_361 = arith.muli %add3A_359, %mul3A_360 : i32
        %add3A_362 = vector.broadcast %mul3A_361 : i32 to vector<16xi32>
        %add3A_363 = arith.addi %add3A_362, %mul3A_9 : vector<16xi32>
        %gather3A_364 = tpu.vector_load_idx %arg11[%broadcast_in_dim3A_209, %broadcast_in_dim3A_211, %add3A_363] : memref<2x4x4032xi32, #tpu.memory_space<vmem>>[vector<16xi32>, vector<16xi32>, vector<16xi32>], vector<16xi32>,
        %add3A_365 = arith.constant 1 : i32
        %add3A_366 = vector.broadcast %add3A_365 : i32 to vector<16xi32>
        %add3A_367 = arith.addi %add3A_363, %add3A_366 : vector<16xi32>
        %gather3A_368 = tpu.vector_load_idx %arg11[%broadcast_in_dim3A_209, %broadcast_in_dim3A_211, %add3A_367] : memref<2x4x4032xi32, #tpu.memory_space<vmem>>[vector<16xi32>, vector<16xi32>, vector<16xi32>], vector<16xi32>,
        %gather3A_369 = tpu.vector_load_idx %arg10[%broadcast_in_dim3A_213, %gather3A_364] : memref<128x64xf32, #tpu.memory_space<vmem>>[vector<16xi32>, vector<16xi32>], vector<16xf32>,
        %gather3A_370 = tpu.vector_load_idx %arg10[%broadcast_in_dim3A_213, %gather3A_368] : memref<128x64xf32, #tpu.memory_space<vmem>>[vector<16xi32>, vector<16xi32>], vector<16xf32>,
        %mul3A_371 = arith.constant 2 : i32
        %mul3A_372 = arith.muli %mul3A_371, %add3A_359 : i32
        %add3A_373 = vector.broadcast %mul3A_372 : i32 to vector<16xi32>
        %add3A_374 = arith.addi %add3A_373, %shift_right_logical3A_11 : vector<16xi32>
        tpu.vector_store_idx %arg12[%add3A_374, %broadcast_in_dim3A_14, %and3A_13, %broadcast_in_dim3A_212], %gather3A_369 : memref<252x1x8x16xf32, #tpu.memory_space<vmem>>[vector<16xi32>, vector<16xi32>, vector<16xi32>, vector<16xi32>], vector<16xf32>,
        tpu.vector_store_idx %arg13[%add3A_374, %broadcast_in_dim3A_14, %and3A_13, %broadcast_in_dim3A_212], %gather3A_370 : memref<252x1x8x16xf32, #tpu.memory_space<vmem>>[vector<16xi32>, vector<16xi32>, vector<16xi32>, vector<16xi32>], vector<16xf32>,
        %mul3A_375 = arith.constant 6 : i32
        %mul3A_376 = arith.muli %scan3A_298, %mul3A_375 : i32
        %add3A_377 = arith.constant 4 : i32
        %add3A_378 = arith.addi %mul3A_376, %add3A_377 : i32
        %mul3A_379 = arith.constant 32 : i32
        %mul3A_380 = arith.muli %add3A_378, %mul3A_379 : i32
        %add3A_381 = vector.broadcast %mul3A_380 : i32 to vector<16xi32>
        %add3A_382 = arith.addi %add3A_381, %mul3A_9 : vector<16xi32>
        %gather3A_383 = tpu.vector_load_idx %arg11[%broadcast_in_dim3A_209, %broadcast_in_dim3A_211, %add3A_382] : memref<2x4x4032xi32, #tpu.memory_space<vmem>>[vector<16xi32>, vector<16xi32>, vector<16xi32>], vector<16xi32>,
        %add3A_384 = arith.constant 1 : i32
        %add3A_385 = vector.broadcast %add3A_384 : i32 to vector<16xi32>
        %add3A_386 = arith.addi %add3A_382, %add3A_385 : vector<16xi32>
        %gather3A_387 = tpu.vector_load_idx %arg11[%broadcast_in_dim3A_209, %broadcast_in_dim3A_211, %add3A_386] : memref<2x4x4032xi32, #tpu.memory_space<vmem>>[vector<16xi32>, vector<16xi32>, vector<16xi32>], vector<16xi32>,
        %gather3A_388 = tpu.vector_load_idx %arg10[%broadcast_in_dim3A_213, %gather3A_383] : memref<128x64xf32, #tpu.memory_space<vmem>>[vector<16xi32>, vector<16xi32>], vector<16xf32>,
        %gather3A_389 = tpu.vector_load_idx %arg10[%broadcast_in_dim3A_213, %gather3A_387] : memref<128x64xf32, #tpu.memory_space<vmem>>[vector<16xi32>, vector<16xi32>], vector<16xf32>,
        %mul3A_390 = arith.constant 2 : i32
        %mul3A_391 = arith.muli %mul3A_390, %add3A_378 : i32
        %add3A_392 = vector.broadcast %mul3A_391 : i32 to vector<16xi32>
        %add3A_393 = arith.addi %add3A_392, %shift_right_logical3A_11 : vector<16xi32>
        tpu.vector_store_idx %arg12[%add3A_393, %broadcast_in_dim3A_14, %and3A_13, %broadcast_in_dim3A_212], %gather3A_388 : memref<252x1x8x16xf32, #tpu.memory_space<vmem>>[vector<16xi32>, vector<16xi32>, vector<16xi32>, vector<16xi32>], vector<16xf32>,
        tpu.vector_store_idx %arg13[%add3A_393, %broadcast_in_dim3A_14, %and3A_13, %broadcast_in_dim3A_212], %gather3A_389 : memref<252x1x8x16xf32, #tpu.memory_space<vmem>>[vector<16xi32>, vector<16xi32>, vector<16xi32>, vector<16xi32>], vector<16xf32>,
        %mul3A_394 = arith.constant 6 : i32
        %mul3A_395 = arith.muli %scan3A_298, %mul3A_394 : i32
        %add3A_396 = arith.constant 5 : i32
        %add3A_397 = arith.addi %mul3A_395, %add3A_396 : i32
        %mul3A_398 = arith.constant 32 : i32
        %mul3A_399 = arith.muli %add3A_397, %mul3A_398 : i32
        %add3A_400 = vector.broadcast %mul3A_399 : i32 to vector<16xi32>
        %add3A_401 = arith.addi %add3A_400, %mul3A_9 : vector<16xi32>
        %gather3A_402 = tpu.vector_load_idx %arg11[%broadcast_in_dim3A_209, %broadcast_in_dim3A_211, %add3A_401] : memref<2x4x4032xi32, #tpu.memory_space<vmem>>[vector<16xi32>, vector<16xi32>, vector<16xi32>], vector<16xi32>,
        %add3A_403 = arith.constant 1 : i32
        %add3A_404 = vector.broadcast %add3A_403 : i32 to vector<16xi32>
        %add3A_405 = arith.addi %add3A_401, %add3A_404 : vector<16xi32>
        %gather3A_406 = tpu.vector_load_idx %arg11[%broadcast_in_dim3A_209, %broadcast_in_dim3A_211, %add3A_405] : memref<2x4x4032xi32, #tpu.memory_space<vmem>>[vector<16xi32>, vector<16xi32>, vector<16xi32>], vector<16xi32>,
        %gather3A_407 = tpu.vector_load_idx %arg10[%broadcast_in_dim3A_213, %gather3A_402] : memref<128x64xf32, #tpu.memory_space<vmem>>[vector<16xi32>, vector<16xi32>], vector<16xf32>,
        %gather3A_408 = tpu.vector_load_idx %arg10[%broadcast_in_dim3A_213, %gather3A_406] : memref<128x64xf32, #tpu.memory_space<vmem>>[vector<16xi32>, vector<16xi32>], vector<16xf32>,
        %mul3A_409 = arith.constant 2 : i32
        %mul3A_410 = arith.muli %mul3A_409, %add3A_397 : i32
        %add3A_411 = vector.broadcast %mul3A_410 : i32 to vector<16xi32>
        %add3A_412 = arith.addi %add3A_411, %shift_right_logical3A_11 : vector<16xi32>
        tpu.vector_store_idx %arg12[%add3A_412, %broadcast_in_dim3A_14, %and3A_13, %broadcast_in_dim3A_212], %gather3A_407 : memref<252x1x8x16xf32, #tpu.memory_space<vmem>>[vector<16xi32>, vector<16xi32>, vector<16xi32>, vector<16xi32>], vector<16xf32>,
        tpu.vector_store_idx %arg13[%add3A_412, %broadcast_in_dim3A_14, %and3A_13, %broadcast_in_dim3A_212], %gather3A_408 : memref<252x1x8x16xf32, #tpu.memory_space<vmem>>[vector<16xi32>, vector<16xi32>, vector<16xi32>, vector<16xi32>], vector<16xf32>,
        %scan3A_413 = arith.constant 0 : i32
        scf.yield %scan3A_413 : i32
      }
      %scan3A_220 = arith.constant 21 : i32
      %mul3A_221 = arith.constant 2 : i32
      %mul3A_222 = arith.muli %scan3A_51, %mul3A_221 : i32
      %mul3A_223 = arith.constant 4 : i32
      %mul3A_224 = arith.muli %mul3A_222, %mul3A_223 : i32
      %add3A_225 = arith.constant 4 : i32
      %add3A_226 = arith.addi %mul3A_224, %add3A_225 : i32
      %add3A_227 = arith.constant 1 : i32
      %add3A_228 = arith.addi %add3A_226, %add3A_227 : i32
      %and3A_229 = arith.constant 15 : i32
      %and3A_230 = arith.andi %add3A_228, %and3A_229 : i32
      %broadcast_in_dim3A_231 = arith.constant 1 : i32
      %broadcast_in_dim3A_232 = vector.broadcast %broadcast_in_dim3A_231 : i32 to vector<16xi32>
      %broadcast_in_dim3A_233 = arith.constant 1 : i32
      %broadcast_in_dim3A_234 = vector.broadcast %broadcast_in_dim3A_233 : i32 to vector<16xi32>
      %broadcast_in_dim3A_235 = vector.broadcast %and3A_230 : i32 to vector<16xi32>
      %broadcast_in_dim3A_236 = vector.broadcast %add3A_228 : i32 to vector<16xi32>
      %scan3A_237 = arith.constant 0 : i32
      %scan3A_238 = arith.constant 0 : i32
      %scan3A_239 = arith.constant 21 : i32
      %scan3A_240 = arith.addi %scan3A_238, %scan3A_239 : i32
      %scan3A_241 = arith.constant 1 : i32
      %scan3A_242 = scf.for %scan3A_298 = %scan3A_238 to %scan3A_240 step %scan3A_241 iter_args(%scan3A_299 = %scan3A_237) -> (i32)  : i32 {
        %mul3A_300 = arith.constant 6 : i32
        %mul3A_301 = arith.muli %scan3A_298, %mul3A_300 : i32
        %add3A_302 = arith.constant 0 : i32
        %add3A_303 = arith.addi %mul3A_301, %add3A_302 : i32
        %mul3A_304 = arith.constant 32 : i32
        %mul3A_305 = arith.muli %add3A_303, %mul3A_304 : i32
        %add3A_306 = vector.broadcast %mul3A_305 : i32 to vector<16xi32>
        %add3A_307 = arith.addi %add3A_306, %mul3A_9 : vector<16xi32>
        %gather3A = tpu.vector_load_idx %arg11[%broadcast_in_dim3A_232, %broadcast_in_dim3A_234, %add3A_307] : memref<2x4x4032xi32, #tpu.memory_space<vmem>>[vector<16xi32>, vector<16xi32>, vector<16xi32>], vector<16xi32>,
        %add3A_308 = arith.constant 1 : i32
        %add3A_309 = vector.broadcast %add3A_308 : i32 to vector<16xi32>
        %add3A_310 = arith.addi %add3A_307, %add3A_309 : vector<16xi32>
        %gather3A_311 = tpu.vector_load_idx %arg11[%broadcast_in_dim3A_232, %broadcast_in_dim3A_234, %add3A_310] : memref<2x4x4032xi32, #tpu.memory_space<vmem>>[vector<16xi32>, vector<16xi32>, vector<16xi32>], vector<16xi32>,
        %gather3A_312 = tpu.vector_load_idx %arg10[%broadcast_in_dim3A_236, %gather3A] : memref<128x64xf32, #tpu.memory_space<vmem>>[vector<16xi32>, vector<16xi32>], vector<16xf32>,
        %gather3A_313 = tpu.vector_load_idx %arg10[%broadcast_in_dim3A_236, %gather3A_311] : memref<128x64xf32, #tpu.memory_space<vmem>>[vector<16xi32>, vector<16xi32>], vector<16xf32>,
        %mul3A_314 = arith.constant 2 : i32
        %mul3A_315 = arith.muli %mul3A_314, %add3A_303 : i32
        %add3A_316 = vector.broadcast %mul3A_315 : i32 to vector<16xi32>
        %add3A_317 = arith.addi %add3A_316, %shift_right_logical3A_11 : vector<16xi32>
        tpu.vector_store_idx %arg12[%add3A_317, %broadcast_in_dim3A_14, %and3A_13, %broadcast_in_dim3A_235], %gather3A_312 : memref<252x1x8x16xf32, #tpu.memory_space<vmem>>[vector<16xi32>, vector<16xi32>, vector<16xi32>, vector<16xi32>], vector<16xf32>,
        tpu.vector_store_idx %arg13[%add3A_317, %broadcast_in_dim3A_14, %and3A_13, %broadcast_in_dim3A_235], %gather3A_313 : memref<252x1x8x16xf32, #tpu.memory_space<vmem>>[vector<16xi32>, vector<16xi32>, vector<16xi32>, vector<16xi32>], vector<16xf32>,
        %mul3A_318 = arith.constant 6 : i32
        %mul3A_319 = arith.muli %scan3A_298, %mul3A_318 : i32
        %add3A_320 = arith.constant 1 : i32
        %add3A_321 = arith.addi %mul3A_319, %add3A_320 : i32
        %mul3A_322 = arith.constant 32 : i32
        %mul3A_323 = arith.muli %add3A_321, %mul3A_322 : i32
        %add3A_324 = vector.broadcast %mul3A_323 : i32 to vector<16xi32>
        %add3A_325 = arith.addi %add3A_324, %mul3A_9 : vector<16xi32>
        %gather3A_326 = tpu.vector_load_idx %arg11[%broadcast_in_dim3A_232, %broadcast_in_dim3A_234, %add3A_325] : memref<2x4x4032xi32, #tpu.memory_space<vmem>>[vector<16xi32>, vector<16xi32>, vector<16xi32>], vector<16xi32>,
        %add3A_327 = arith.constant 1 : i32
        %add3A_328 = vector.broadcast %add3A_327 : i32 to vector<16xi32>
        %add3A_329 = arith.addi %add3A_325, %add3A_328 : vector<16xi32>
        %gather3A_330 = tpu.vector_load_idx %arg11[%broadcast_in_dim3A_232, %broadcast_in_dim3A_234, %add3A_329] : memref<2x4x4032xi32, #tpu.memory_space<vmem>>[vector<16xi32>, vector<16xi32>, vector<16xi32>], vector<16xi32>,
        %gather3A_331 = tpu.vector_load_idx %arg10[%broadcast_in_dim3A_236, %gather3A_326] : memref<128x64xf32, #tpu.memory_space<vmem>>[vector<16xi32>, vector<16xi32>], vector<16xf32>,
        %gather3A_332 = tpu.vector_load_idx %arg10[%broadcast_in_dim3A_236, %gather3A_330] : memref<128x64xf32, #tpu.memory_space<vmem>>[vector<16xi32>, vector<16xi32>], vector<16xf32>,
        %mul3A_333 = arith.constant 2 : i32
        %mul3A_334 = arith.muli %mul3A_333, %add3A_321 : i32
        %add3A_335 = vector.broadcast %mul3A_334 : i32 to vector<16xi32>
        %add3A_336 = arith.addi %add3A_335, %shift_right_logical3A_11 : vector<16xi32>
        tpu.vector_store_idx %arg12[%add3A_336, %broadcast_in_dim3A_14, %and3A_13, %broadcast_in_dim3A_235], %gather3A_331 : memref<252x1x8x16xf32, #tpu.memory_space<vmem>>[vector<16xi32>, vector<16xi32>, vector<16xi32>, vector<16xi32>], vector<16xf32>,
        tpu.vector_store_idx %arg13[%add3A_336, %broadcast_in_dim3A_14, %and3A_13, %broadcast_in_dim3A_235], %gather3A_332 : memref<252x1x8x16xf32, #tpu.memory_space<vmem>>[vector<16xi32>, vector<16xi32>, vector<16xi32>, vector<16xi32>], vector<16xf32>,
        %mul3A_337 = arith.constant 6 : i32
        %mul3A_338 = arith.muli %scan3A_298, %mul3A_337 : i32
        %add3A_339 = arith.constant 2 : i32
        %add3A_340 = arith.addi %mul3A_338, %add3A_339 : i32
        %mul3A_341 = arith.constant 32 : i32
        %mul3A_342 = arith.muli %add3A_340, %mul3A_341 : i32
        %add3A_343 = vector.broadcast %mul3A_342 : i32 to vector<16xi32>
        %add3A_344 = arith.addi %add3A_343, %mul3A_9 : vector<16xi32>
        %gather3A_345 = tpu.vector_load_idx %arg11[%broadcast_in_dim3A_232, %broadcast_in_dim3A_234, %add3A_344] : memref<2x4x4032xi32, #tpu.memory_space<vmem>>[vector<16xi32>, vector<16xi32>, vector<16xi32>], vector<16xi32>,
        %add3A_346 = arith.constant 1 : i32
        %add3A_347 = vector.broadcast %add3A_346 : i32 to vector<16xi32>
        %add3A_348 = arith.addi %add3A_344, %add3A_347 : vector<16xi32>
        %gather3A_349 = tpu.vector_load_idx %arg11[%broadcast_in_dim3A_232, %broadcast_in_dim3A_234, %add3A_348] : memref<2x4x4032xi32, #tpu.memory_space<vmem>>[vector<16xi32>, vector<16xi32>, vector<16xi32>], vector<16xi32>,
        %gather3A_350 = tpu.vector_load_idx %arg10[%broadcast_in_dim3A_236, %gather3A_345] : memref<128x64xf32, #tpu.memory_space<vmem>>[vector<16xi32>, vector<16xi32>], vector<16xf32>,
        %gather3A_351 = tpu.vector_load_idx %arg10[%broadcast_in_dim3A_236, %gather3A_349] : memref<128x64xf32, #tpu.memory_space<vmem>>[vector<16xi32>, vector<16xi32>], vector<16xf32>,
        %mul3A_352 = arith.constant 2 : i32
        %mul3A_353 = arith.muli %mul3A_352, %add3A_340 : i32
        %add3A_354 = vector.broadcast %mul3A_353 : i32 to vector<16xi32>
        %add3A_355 = arith.addi %add3A_354, %shift_right_logical3A_11 : vector<16xi32>
        tpu.vector_store_idx %arg12[%add3A_355, %broadcast_in_dim3A_14, %and3A_13, %broadcast_in_dim3A_235], %gather3A_350 : memref<252x1x8x16xf32, #tpu.memory_space<vmem>>[vector<16xi32>, vector<16xi32>, vector<16xi32>, vector<16xi32>], vector<16xf32>,
        tpu.vector_store_idx %arg13[%add3A_355, %broadcast_in_dim3A_14, %and3A_13, %broadcast_in_dim3A_235], %gather3A_351 : memref<252x1x8x16xf32, #tpu.memory_space<vmem>>[vector<16xi32>, vector<16xi32>, vector<16xi32>, vector<16xi32>], vector<16xf32>,
        %mul3A_356 = arith.constant 6 : i32
        %mul3A_357 = arith.muli %scan3A_298, %mul3A_356 : i32
        %add3A_358 = arith.constant 3 : i32
        %add3A_359 = arith.addi %mul3A_357, %add3A_358 : i32
        %mul3A_360 = arith.constant 32 : i32
        %mul3A_361 = arith.muli %add3A_359, %mul3A_360 : i32
        %add3A_362 = vector.broadcast %mul3A_361 : i32 to vector<16xi32>
        %add3A_363 = arith.addi %add3A_362, %mul3A_9 : vector<16xi32>
        %gather3A_364 = tpu.vector_load_idx %arg11[%broadcast_in_dim3A_232, %broadcast_in_dim3A_234, %add3A_363] : memref<2x4x4032xi32, #tpu.memory_space<vmem>>[vector<16xi32>, vector<16xi32>, vector<16xi32>], vector<16xi32>,
        %add3A_365 = arith.constant 1 : i32
        %add3A_366 = vector.broadcast %add3A_365 : i32 to vector<16xi32>
        %add3A_367 = arith.addi %add3A_363, %add3A_366 : vector<16xi32>
        %gather3A_368 = tpu.vector_load_idx %arg11[%broadcast_in_dim3A_232, %broadcast_in_dim3A_234, %add3A_367] : memref<2x4x4032xi32, #tpu.memory_space<vmem>>[vector<16xi32>, vector<16xi32>, vector<16xi32>], vector<16xi32>,
        %gather3A_369 = tpu.vector_load_idx %arg10[%broadcast_in_dim3A_236, %gather3A_364] : memref<128x64xf32, #tpu.memory_space<vmem>>[vector<16xi32>, vector<16xi32>], vector<16xf32>,
        %gather3A_370 = tpu.vector_load_idx %arg10[%broadcast_in_dim3A_236, %gather3A_368] : memref<128x64xf32, #tpu.memory_space<vmem>>[vector<16xi32>, vector<16xi32>], vector<16xf32>,
        %mul3A_371 = arith.constant 2 : i32
        %mul3A_372 = arith.muli %mul3A_371, %add3A_359 : i32
        %add3A_373 = vector.broadcast %mul3A_372 : i32 to vector<16xi32>
        %add3A_374 = arith.addi %add3A_373, %shift_right_logical3A_11 : vector<16xi32>
        tpu.vector_store_idx %arg12[%add3A_374, %broadcast_in_dim3A_14, %and3A_13, %broadcast_in_dim3A_235], %gather3A_369 : memref<252x1x8x16xf32, #tpu.memory_space<vmem>>[vector<16xi32>, vector<16xi32>, vector<16xi32>, vector<16xi32>], vector<16xf32>,
        tpu.vector_store_idx %arg13[%add3A_374, %broadcast_in_dim3A_14, %and3A_13, %broadcast_in_dim3A_235], %gather3A_370 : memref<252x1x8x16xf32, #tpu.memory_space<vmem>>[vector<16xi32>, vector<16xi32>, vector<16xi32>, vector<16xi32>], vector<16xf32>,
        %mul3A_375 = arith.constant 6 : i32
        %mul3A_376 = arith.muli %scan3A_298, %mul3A_375 : i32
        %add3A_377 = arith.constant 4 : i32
        %add3A_378 = arith.addi %mul3A_376, %add3A_377 : i32
        %mul3A_379 = arith.constant 32 : i32
        %mul3A_380 = arith.muli %add3A_378, %mul3A_379 : i32
        %add3A_381 = vector.broadcast %mul3A_380 : i32 to vector<16xi32>
        %add3A_382 = arith.addi %add3A_381, %mul3A_9 : vector<16xi32>
        %gather3A_383 = tpu.vector_load_idx %arg11[%broadcast_in_dim3A_232, %broadcast_in_dim3A_234, %add3A_382] : memref<2x4x4032xi32, #tpu.memory_space<vmem>>[vector<16xi32>, vector<16xi32>, vector<16xi32>], vector<16xi32>,
        %add3A_384 = arith.constant 1 : i32
        %add3A_385 = vector.broadcast %add3A_384 : i32 to vector<16xi32>
        %add3A_386 = arith.addi %add3A_382, %add3A_385 : vector<16xi32>
        %gather3A_387 = tpu.vector_load_idx %arg11[%broadcast_in_dim3A_232, %broadcast_in_dim3A_234, %add3A_386] : memref<2x4x4032xi32, #tpu.memory_space<vmem>>[vector<16xi32>, vector<16xi32>, vector<16xi32>], vector<16xi32>,
        %gather3A_388 = tpu.vector_load_idx %arg10[%broadcast_in_dim3A_236, %gather3A_383] : memref<128x64xf32, #tpu.memory_space<vmem>>[vector<16xi32>, vector<16xi32>], vector<16xf32>,
        %gather3A_389 = tpu.vector_load_idx %arg10[%broadcast_in_dim3A_236, %gather3A_387] : memref<128x64xf32, #tpu.memory_space<vmem>>[vector<16xi32>, vector<16xi32>], vector<16xf32>,
        %mul3A_390 = arith.constant 2 : i32
        %mul3A_391 = arith.muli %mul3A_390, %add3A_378 : i32
        %add3A_392 = vector.broadcast %mul3A_391 : i32 to vector<16xi32>
        %add3A_393 = arith.addi %add3A_392, %shift_right_logical3A_11 : vector<16xi32>
        tpu.vector_store_idx %arg12[%add3A_393, %broadcast_in_dim3A_14, %and3A_13, %broadcast_in_dim3A_235], %gather3A_388 : memref<252x1x8x16xf32, #tpu.memory_space<vmem>>[vector<16xi32>, vector<16xi32>, vector<16xi32>, vector<16xi32>], vector<16xf32>,
        tpu.vector_store_idx %arg13[%add3A_393, %broadcast_in_dim3A_14, %and3A_13, %broadcast_in_dim3A_235], %gather3A_389 : memref<252x1x8x16xf32, #tpu.memory_space<vmem>>[vector<16xi32>, vector<16xi32>, vector<16xi32>, vector<16xi32>], vector<16xf32>,
        %mul3A_394 = arith.constant 6 : i32
        %mul3A_395 = arith.muli %scan3A_298, %mul3A_394 : i32
        %add3A_396 = arith.constant 5 : i32
        %add3A_397 = arith.addi %mul3A_395, %add3A_396 : i32
        %mul3A_398 = arith.constant 32 : i32
        %mul3A_399 = arith.muli %add3A_397, %mul3A_398 : i32
        %add3A_400 = vector.broadcast %mul3A_399 : i32 to vector<16xi32>
        %add3A_401 = arith.addi %add3A_400, %mul3A_9 : vector<16xi32>
        %gather3A_402 = tpu.vector_load_idx %arg11[%broadcast_in_dim3A_232, %broadcast_in_dim3A_234, %add3A_401] : memref<2x4x4032xi32, #tpu.memory_space<vmem>>[vector<16xi32>, vector<16xi32>, vector<16xi32>], vector<16xi32>,
        %add3A_403 = arith.constant 1 : i32
        %add3A_404 = vector.broadcast %add3A_403 : i32 to vector<16xi32>
        %add3A_405 = arith.addi %add3A_401, %add3A_404 : vector<16xi32>
        %gather3A_406 = tpu.vector_load_idx %arg11[%broadcast_in_dim3A_232, %broadcast_in_dim3A_234, %add3A_405] : memref<2x4x4032xi32, #tpu.memory_space<vmem>>[vector<16xi32>, vector<16xi32>, vector<16xi32>], vector<16xi32>,
        %gather3A_407 = tpu.vector_load_idx %arg10[%broadcast_in_dim3A_236, %gather3A_402] : memref<128x64xf32, #tpu.memory_space<vmem>>[vector<16xi32>, vector<16xi32>], vector<16xf32>,
        %gather3A_408 = tpu.vector_load_idx %arg10[%broadcast_in_dim3A_236, %gather3A_406] : memref<128x64xf32, #tpu.memory_space<vmem>>[vector<16xi32>, vector<16xi32>], vector<16xf32>,
        %mul3A_409 = arith.constant 2 : i32
        %mul3A_410 = arith.muli %mul3A_409, %add3A_397 : i32
        %add3A_411 = vector.broadcast %mul3A_410 : i32 to vector<16xi32>
        %add3A_412 = arith.addi %add3A_411, %shift_right_logical3A_11 : vector<16xi32>
        tpu.vector_store_idx %arg12[%add3A_412, %broadcast_in_dim3A_14, %and3A_13, %broadcast_in_dim3A_235], %gather3A_407 : memref<252x1x8x16xf32, #tpu.memory_space<vmem>>[vector<16xi32>, vector<16xi32>, vector<16xi32>, vector<16xi32>], vector<16xf32>,
        tpu.vector_store_idx %arg13[%add3A_412, %broadcast_in_dim3A_14, %and3A_13, %broadcast_in_dim3A_235], %gather3A_408 : memref<252x1x8x16xf32, #tpu.memory_space<vmem>>[vector<16xi32>, vector<16xi32>, vector<16xi32>, vector<16xi32>], vector<16xf32>,
        %scan3A_413 = arith.constant 0 : i32
        scf.yield %scan3A_413 : i32
      }
      %scan3A_243 = arith.constant 21 : i32
      %mul3A_244 = arith.constant 2 : i32
      %mul3A_245 = arith.muli %scan3A_51, %mul3A_244 : i32
      %mul3A_246 = arith.constant 4 : i32
      %mul3A_247 = arith.muli %mul3A_245, %mul3A_246 : i32
      %add3A_248 = arith.constant 4 : i32
      %add3A_249 = arith.addi %mul3A_247, %add3A_248 : i32
      %add3A_250 = arith.constant 2 : i32
      %add3A_251 = arith.addi %add3A_249, %add3A_250 : i32
      %and3A_252 = arith.constant 15 : i32
      %and3A_253 = arith.andi %add3A_251, %and3A_252 : i32
      %broadcast_in_dim3A_254 = arith.constant 1 : i32
      %broadcast_in_dim3A_255 = vector.broadcast %broadcast_in_dim3A_254 : i32 to vector<16xi32>
      %broadcast_in_dim3A_256 = arith.constant 2 : i32
      %broadcast_in_dim3A_257 = vector.broadcast %broadcast_in_dim3A_256 : i32 to vector<16xi32>
      %broadcast_in_dim3A_258 = vector.broadcast %and3A_253 : i32 to vector<16xi32>
      %broadcast_in_dim3A_259 = vector.broadcast %add3A_251 : i32 to vector<16xi32>
      %scan3A_260 = arith.constant 0 : i32
      %scan3A_261 = arith.constant 0 : i32
      %scan3A_262 = arith.constant 21 : i32
      %scan3A_263 = arith.addi %scan3A_261, %scan3A_262 : i32
      %scan3A_264 = arith.constant 1 : i32
      %scan3A_265 = scf.for %scan3A_298 = %scan3A_261 to %scan3A_263 step %scan3A_264 iter_args(%scan3A_299 = %scan3A_260) -> (i32)  : i32 {
        %mul3A_300 = arith.constant 6 : i32
        %mul3A_301 = arith.muli %scan3A_298, %mul3A_300 : i32
        %add3A_302 = arith.constant 0 : i32
        %add3A_303 = arith.addi %mul3A_301, %add3A_302 : i32
        %mul3A_304 = arith.constant 32 : i32
        %mul3A_305 = arith.muli %add3A_303, %mul3A_304 : i32
        %add3A_306 = vector.broadcast %mul3A_305 : i32 to vector<16xi32>
        %add3A_307 = arith.addi %add3A_306, %mul3A_9 : vector<16xi32>
        %gather3A = tpu.vector_load_idx %arg11[%broadcast_in_dim3A_255, %broadcast_in_dim3A_257, %add3A_307] : memref<2x4x4032xi32, #tpu.memory_space<vmem>>[vector<16xi32>, vector<16xi32>, vector<16xi32>], vector<16xi32>,
        %add3A_308 = arith.constant 1 : i32
        %add3A_309 = vector.broadcast %add3A_308 : i32 to vector<16xi32>
        %add3A_310 = arith.addi %add3A_307, %add3A_309 : vector<16xi32>
        %gather3A_311 = tpu.vector_load_idx %arg11[%broadcast_in_dim3A_255, %broadcast_in_dim3A_257, %add3A_310] : memref<2x4x4032xi32, #tpu.memory_space<vmem>>[vector<16xi32>, vector<16xi32>, vector<16xi32>], vector<16xi32>,
        %gather3A_312 = tpu.vector_load_idx %arg10[%broadcast_in_dim3A_259, %gather3A] : memref<128x64xf32, #tpu.memory_space<vmem>>[vector<16xi32>, vector<16xi32>], vector<16xf32>,
        %gather3A_313 = tpu.vector_load_idx %arg10[%broadcast_in_dim3A_259, %gather3A_311] : memref<128x64xf32, #tpu.memory_space<vmem>>[vector<16xi32>, vector<16xi32>], vector<16xf32>,
        %mul3A_314 = arith.constant 2 : i32
        %mul3A_315 = arith.muli %mul3A_314, %add3A_303 : i32
        %add3A_316 = vector.broadcast %mul3A_315 : i32 to vector<16xi32>
        %add3A_317 = arith.addi %add3A_316, %shift_right_logical3A_11 : vector<16xi32>
        tpu.vector_store_idx %arg12[%add3A_317, %broadcast_in_dim3A_14, %and3A_13, %broadcast_in_dim3A_258], %gather3A_312 : memref<252x1x8x16xf32, #tpu.memory_space<vmem>>[vector<16xi32>, vector<16xi32>, vector<16xi32>, vector<16xi32>], vector<16xf32>,
        tpu.vector_store_idx %arg13[%add3A_317, %broadcast_in_dim3A_14, %and3A_13, %broadcast_in_dim3A_258], %gather3A_313 : memref<252x1x8x16xf32, #tpu.memory_space<vmem>>[vector<16xi32>, vector<16xi32>, vector<16xi32>, vector<16xi32>], vector<16xf32>,
        %mul3A_318 = arith.constant 6 : i32
        %mul3A_319 = arith.muli %scan3A_298, %mul3A_318 : i32
        %add3A_320 = arith.constant 1 : i32
        %add3A_321 = arith.addi %mul3A_319, %add3A_320 : i32
        %mul3A_322 = arith.constant 32 : i32
        %mul3A_323 = arith.muli %add3A_321, %mul3A_322 : i32
        %add3A_324 = vector.broadcast %mul3A_323 : i32 to vector<16xi32>
        %add3A_325 = arith.addi %add3A_324, %mul3A_9 : vector<16xi32>
        %gather3A_326 = tpu.vector_load_idx %arg11[%broadcast_in_dim3A_255, %broadcast_in_dim3A_257, %add3A_325] : memref<2x4x4032xi32, #tpu.memory_space<vmem>>[vector<16xi32>, vector<16xi32>, vector<16xi32>], vector<16xi32>,
        %add3A_327 = arith.constant 1 : i32
        %add3A_328 = vector.broadcast %add3A_327 : i32 to vector<16xi32>
        %add3A_329 = arith.addi %add3A_325, %add3A_328 : vector<16xi32>
        %gather3A_330 = tpu.vector_load_idx %arg11[%broadcast_in_dim3A_255, %broadcast_in_dim3A_257, %add3A_329] : memref<2x4x4032xi32, #tpu.memory_space<vmem>>[vector<16xi32>, vector<16xi32>, vector<16xi32>], vector<16xi32>,
        %gather3A_331 = tpu.vector_load_idx %arg10[%broadcast_in_dim3A_259, %gather3A_326] : memref<128x64xf32, #tpu.memory_space<vmem>>[vector<16xi32>, vector<16xi32>], vector<16xf32>,
        %gather3A_332 = tpu.vector_load_idx %arg10[%broadcast_in_dim3A_259, %gather3A_330] : memref<128x64xf32, #tpu.memory_space<vmem>>[vector<16xi32>, vector<16xi32>], vector<16xf32>,
        %mul3A_333 = arith.constant 2 : i32
        %mul3A_334 = arith.muli %mul3A_333, %add3A_321 : i32
        %add3A_335 = vector.broadcast %mul3A_334 : i32 to vector<16xi32>
        %add3A_336 = arith.addi %add3A_335, %shift_right_logical3A_11 : vector<16xi32>
        tpu.vector_store_idx %arg12[%add3A_336, %broadcast_in_dim3A_14, %and3A_13, %broadcast_in_dim3A_258], %gather3A_331 : memref<252x1x8x16xf32, #tpu.memory_space<vmem>>[vector<16xi32>, vector<16xi32>, vector<16xi32>, vector<16xi32>], vector<16xf32>,
        tpu.vector_store_idx %arg13[%add3A_336, %broadcast_in_dim3A_14, %and3A_13, %broadcast_in_dim3A_258], %gather3A_332 : memref<252x1x8x16xf32, #tpu.memory_space<vmem>>[vector<16xi32>, vector<16xi32>, vector<16xi32>, vector<16xi32>], vector<16xf32>,
        %mul3A_337 = arith.constant 6 : i32
        %mul3A_338 = arith.muli %scan3A_298, %mul3A_337 : i32
        %add3A_339 = arith.constant 2 : i32
        %add3A_340 = arith.addi %mul3A_338, %add3A_339 : i32
        %mul3A_341 = arith.constant 32 : i32
        %mul3A_342 = arith.muli %add3A_340, %mul3A_341 : i32
        %add3A_343 = vector.broadcast %mul3A_342 : i32 to vector<16xi32>
        %add3A_344 = arith.addi %add3A_343, %mul3A_9 : vector<16xi32>
        %gather3A_345 = tpu.vector_load_idx %arg11[%broadcast_in_dim3A_255, %broadcast_in_dim3A_257, %add3A_344] : memref<2x4x4032xi32, #tpu.memory_space<vmem>>[vector<16xi32>, vector<16xi32>, vector<16xi32>], vector<16xi32>,
        %add3A_346 = arith.constant 1 : i32
        %add3A_347 = vector.broadcast %add3A_346 : i32 to vector<16xi32>
        %add3A_348 = arith.addi %add3A_344, %add3A_347 : vector<16xi32>
        %gather3A_349 = tpu.vector_load_idx %arg11[%broadcast_in_dim3A_255, %broadcast_in_dim3A_257, %add3A_348] : memref<2x4x4032xi32, #tpu.memory_space<vmem>>[vector<16xi32>, vector<16xi32>, vector<16xi32>], vector<16xi32>,
        %gather3A_350 = tpu.vector_load_idx %arg10[%broadcast_in_dim3A_259, %gather3A_345] : memref<128x64xf32, #tpu.memory_space<vmem>>[vector<16xi32>, vector<16xi32>], vector<16xf32>,
        %gather3A_351 = tpu.vector_load_idx %arg10[%broadcast_in_dim3A_259, %gather3A_349] : memref<128x64xf32, #tpu.memory_space<vmem>>[vector<16xi32>, vector<16xi32>], vector<16xf32>,
        %mul3A_352 = arith.constant 2 : i32
        %mul3A_353 = arith.muli %mul3A_352, %add3A_340 : i32
        %add3A_354 = vector.broadcast %mul3A_353 : i32 to vector<16xi32>
        %add3A_355 = arith.addi %add3A_354, %shift_right_logical3A_11 : vector<16xi32>
        tpu.vector_store_idx %arg12[%add3A_355, %broadcast_in_dim3A_14, %and3A_13, %broadcast_in_dim3A_258], %gather3A_350 : memref<252x1x8x16xf32, #tpu.memory_space<vmem>>[vector<16xi32>, vector<16xi32>, vector<16xi32>, vector<16xi32>], vector<16xf32>,
        tpu.vector_store_idx %arg13[%add3A_355, %broadcast_in_dim3A_14, %and3A_13, %broadcast_in_dim3A_258], %gather3A_351 : memref<252x1x8x16xf32, #tpu.memory_space<vmem>>[vector<16xi32>, vector<16xi32>, vector<16xi32>, vector<16xi32>], vector<16xf32>,
        %mul3A_356 = arith.constant 6 : i32
        %mul3A_357 = arith.muli %scan3A_298, %mul3A_356 : i32
        %add3A_358 = arith.constant 3 : i32
        %add3A_359 = arith.addi %mul3A_357, %add3A_358 : i32
        %mul3A_360 = arith.constant 32 : i32
        %mul3A_361 = arith.muli %add3A_359, %mul3A_360 : i32
        %add3A_362 = vector.broadcast %mul3A_361 : i32 to vector<16xi32>
        %add3A_363 = arith.addi %add3A_362, %mul3A_9 : vector<16xi32>
        %gather3A_364 = tpu.vector_load_idx %arg11[%broadcast_in_dim3A_255, %broadcast_in_dim3A_257, %add3A_363] : memref<2x4x4032xi32, #tpu.memory_space<vmem>>[vector<16xi32>, vector<16xi32>, vector<16xi32>], vector<16xi32>,
        %add3A_365 = arith.constant 1 : i32
        %add3A_366 = vector.broadcast %add3A_365 : i32 to vector<16xi32>
        %add3A_367 = arith.addi %add3A_363, %add3A_366 : vector<16xi32>
        %gather3A_368 = tpu.vector_load_idx %arg11[%broadcast_in_dim3A_255, %broadcast_in_dim3A_257, %add3A_367] : memref<2x4x4032xi32, #tpu.memory_space<vmem>>[vector<16xi32>, vector<16xi32>, vector<16xi32>], vector<16xi32>,
        %gather3A_369 = tpu.vector_load_idx %arg10[%broadcast_in_dim3A_259, %gather3A_364] : memref<128x64xf32, #tpu.memory_space<vmem>>[vector<16xi32>, vector<16xi32>], vector<16xf32>,
        %gather3A_370 = tpu.vector_load_idx %arg10[%broadcast_in_dim3A_259, %gather3A_368] : memref<128x64xf32, #tpu.memory_space<vmem>>[vector<16xi32>, vector<16xi32>], vector<16xf32>,
        %mul3A_371 = arith.constant 2 : i32
        %mul3A_372 = arith.muli %mul3A_371, %add3A_359 : i32
        %add3A_373 = vector.broadcast %mul3A_372 : i32 to vector<16xi32>
        %add3A_374 = arith.addi %add3A_373, %shift_right_logical3A_11 : vector<16xi32>
        tpu.vector_store_idx %arg12[%add3A_374, %broadcast_in_dim3A_14, %and3A_13, %broadcast_in_dim3A_258], %gather3A_369 : memref<252x1x8x16xf32, #tpu.memory_space<vmem>>[vector<16xi32>, vector<16xi32>, vector<16xi32>, vector<16xi32>], vector<16xf32>,
        tpu.vector_store_idx %arg13[%add3A_374, %broadcast_in_dim3A_14, %and3A_13, %broadcast_in_dim3A_258], %gather3A_370 : memref<252x1x8x16xf32, #tpu.memory_space<vmem>>[vector<16xi32>, vector<16xi32>, vector<16xi32>, vector<16xi32>], vector<16xf32>,
        %mul3A_375 = arith.constant 6 : i32
        %mul3A_376 = arith.muli %scan3A_298, %mul3A_375 : i32
        %add3A_377 = arith.constant 4 : i32
        %add3A_378 = arith.addi %mul3A_376, %add3A_377 : i32
        %mul3A_379 = arith.constant 32 : i32
        %mul3A_380 = arith.muli %add3A_378, %mul3A_379 : i32
        %add3A_381 = vector.broadcast %mul3A_380 : i32 to vector<16xi32>
        %add3A_382 = arith.addi %add3A_381, %mul3A_9 : vector<16xi32>
        %gather3A_383 = tpu.vector_load_idx %arg11[%broadcast_in_dim3A_255, %broadcast_in_dim3A_257, %add3A_382] : memref<2x4x4032xi32, #tpu.memory_space<vmem>>[vector<16xi32>, vector<16xi32>, vector<16xi32>], vector<16xi32>,
        %add3A_384 = arith.constant 1 : i32
        %add3A_385 = vector.broadcast %add3A_384 : i32 to vector<16xi32>
        %add3A_386 = arith.addi %add3A_382, %add3A_385 : vector<16xi32>
        %gather3A_387 = tpu.vector_load_idx %arg11[%broadcast_in_dim3A_255, %broadcast_in_dim3A_257, %add3A_386] : memref<2x4x4032xi32, #tpu.memory_space<vmem>>[vector<16xi32>, vector<16xi32>, vector<16xi32>], vector<16xi32>,
        %gather3A_388 = tpu.vector_load_idx %arg10[%broadcast_in_dim3A_259, %gather3A_383] : memref<128x64xf32, #tpu.memory_space<vmem>>[vector<16xi32>, vector<16xi32>], vector<16xf32>,
        %gather3A_389 = tpu.vector_load_idx %arg10[%broadcast_in_dim3A_259, %gather3A_387] : memref<128x64xf32, #tpu.memory_space<vmem>>[vector<16xi32>, vector<16xi32>], vector<16xf32>,
        %mul3A_390 = arith.constant 2 : i32
        %mul3A_391 = arith.muli %mul3A_390, %add3A_378 : i32
        %add3A_392 = vector.broadcast %mul3A_391 : i32 to vector<16xi32>
        %add3A_393 = arith.addi %add3A_392, %shift_right_logical3A_11 : vector<16xi32>
        tpu.vector_store_idx %arg12[%add3A_393, %broadcast_in_dim3A_14, %and3A_13, %broadcast_in_dim3A_258], %gather3A_388 : memref<252x1x8x16xf32, #tpu.memory_space<vmem>>[vector<16xi32>, vector<16xi32>, vector<16xi32>, vector<16xi32>], vector<16xf32>,
        tpu.vector_store_idx %arg13[%add3A_393, %broadcast_in_dim3A_14, %and3A_13, %broadcast_in_dim3A_258], %gather3A_389 : memref<252x1x8x16xf32, #tpu.memory_space<vmem>>[vector<16xi32>, vector<16xi32>, vector<16xi32>, vector<16xi32>], vector<16xf32>,
        %mul3A_394 = arith.constant 6 : i32
        %mul3A_395 = arith.muli %scan3A_298, %mul3A_394 : i32
        %add3A_396 = arith.constant 5 : i32
        %add3A_397 = arith.addi %mul3A_395, %add3A_396 : i32
        %mul3A_398 = arith.constant 32 : i32
        %mul3A_399 = arith.muli %add3A_397, %mul3A_398 : i32
        %add3A_400 = vector.broadcast %mul3A_399 : i32 to vector<16xi32>
        %add3A_401 = arith.addi %add3A_400, %mul3A_9 : vector<16xi32>
        %gather3A_402 = tpu.vector_load_idx %arg11[%broadcast_in_dim3A_255, %broadcast_in_dim3A_257, %add3A_401] : memref<2x4x4032xi32, #tpu.memory_space<vmem>>[vector<16xi32>, vector<16xi32>, vector<16xi32>], vector<16xi32>,
        %add3A_403 = arith.constant 1 : i32
        %add3A_404 = vector.broadcast %add3A_403 : i32 to vector<16xi32>
        %add3A_405 = arith.addi %add3A_401, %add3A_404 : vector<16xi32>
        %gather3A_406 = tpu.vector_load_idx %arg11[%broadcast_in_dim3A_255, %broadcast_in_dim3A_257, %add3A_405] : memref<2x4x4032xi32, #tpu.memory_space<vmem>>[vector<16xi32>, vector<16xi32>, vector<16xi32>], vector<16xi32>,
        %gather3A_407 = tpu.vector_load_idx %arg10[%broadcast_in_dim3A_259, %gather3A_402] : memref<128x64xf32, #tpu.memory_space<vmem>>[vector<16xi32>, vector<16xi32>], vector<16xf32>,
        %gather3A_408 = tpu.vector_load_idx %arg10[%broadcast_in_dim3A_259, %gather3A_406] : memref<128x64xf32, #tpu.memory_space<vmem>>[vector<16xi32>, vector<16xi32>], vector<16xf32>,
        %mul3A_409 = arith.constant 2 : i32
        %mul3A_410 = arith.muli %mul3A_409, %add3A_397 : i32
        %add3A_411 = vector.broadcast %mul3A_410 : i32 to vector<16xi32>
        %add3A_412 = arith.addi %add3A_411, %shift_right_logical3A_11 : vector<16xi32>
        tpu.vector_store_idx %arg12[%add3A_412, %broadcast_in_dim3A_14, %and3A_13, %broadcast_in_dim3A_258], %gather3A_407 : memref<252x1x8x16xf32, #tpu.memory_space<vmem>>[vector<16xi32>, vector<16xi32>, vector<16xi32>, vector<16xi32>], vector<16xf32>,
        tpu.vector_store_idx %arg13[%add3A_412, %broadcast_in_dim3A_14, %and3A_13, %broadcast_in_dim3A_258], %gather3A_408 : memref<252x1x8x16xf32, #tpu.memory_space<vmem>>[vector<16xi32>, vector<16xi32>, vector<16xi32>, vector<16xi32>], vector<16xf32>,
        %scan3A_413 = arith.constant 0 : i32
        scf.yield %scan3A_413 : i32
      }
      %scan3A_266 = arith.constant 21 : i32
      %mul3A_267 = arith.constant 2 : i32
      %mul3A_268 = arith.muli %scan3A_51, %mul3A_267 : i32
      %mul3A_269 = arith.constant 4 : i32
      %mul3A_270 = arith.muli %mul3A_268, %mul3A_269 : i32
      %add3A_271 = arith.constant 4 : i32
      %add3A_272 = arith.addi %mul3A_270, %add3A_271 : i32
      %add3A_273 = arith.constant 3 : i32
      %add3A_274 = arith.addi %add3A_272, %add3A_273 : i32
      %and3A_275 = arith.constant 15 : i32
      %and3A_276 = arith.andi %add3A_274, %and3A_275 : i32
      %broadcast_in_dim3A_277 = arith.constant 1 : i32
      %broadcast_in_dim3A_278 = vector.broadcast %broadcast_in_dim3A_277 : i32 to vector<16xi32>
      %broadcast_in_dim3A_279 = arith.constant 3 : i32
      %broadcast_in_dim3A_280 = vector.broadcast %broadcast_in_dim3A_279 : i32 to vector<16xi32>
      %broadcast_in_dim3A_281 = vector.broadcast %and3A_276 : i32 to vector<16xi32>
      %broadcast_in_dim3A_282 = vector.broadcast %add3A_274 : i32 to vector<16xi32>
      %scan3A_283 = arith.constant 0 : i32
      %scan3A_284 = arith.constant 0 : i32
      %scan3A_285 = arith.constant 21 : i32
      %scan3A_286 = arith.addi %scan3A_284, %scan3A_285 : i32
      %scan3A_287 = arith.constant 1 : i32
      %scan3A_288 = scf.for %scan3A_298 = %scan3A_284 to %scan3A_286 step %scan3A_287 iter_args(%scan3A_299 = %scan3A_283) -> (i32)  : i32 {
        %mul3A_300 = arith.constant 6 : i32
        %mul3A_301 = arith.muli %scan3A_298, %mul3A_300 : i32
        %add3A_302 = arith.constant 0 : i32
        %add3A_303 = arith.addi %mul3A_301, %add3A_302 : i32
        %mul3A_304 = arith.constant 32 : i32
        %mul3A_305 = arith.muli %add3A_303, %mul3A_304 : i32
        %add3A_306 = vector.broadcast %mul3A_305 : i32 to vector<16xi32>
        %add3A_307 = arith.addi %add3A_306, %mul3A_9 : vector<16xi32>
        %gather3A = tpu.vector_load_idx %arg11[%broadcast_in_dim3A_278, %broadcast_in_dim3A_280, %add3A_307] : memref<2x4x4032xi32, #tpu.memory_space<vmem>>[vector<16xi32>, vector<16xi32>, vector<16xi32>], vector<16xi32>,
        %add3A_308 = arith.constant 1 : i32
        %add3A_309 = vector.broadcast %add3A_308 : i32 to vector<16xi32>
        %add3A_310 = arith.addi %add3A_307, %add3A_309 : vector<16xi32>
        %gather3A_311 = tpu.vector_load_idx %arg11[%broadcast_in_dim3A_278, %broadcast_in_dim3A_280, %add3A_310] : memref<2x4x4032xi32, #tpu.memory_space<vmem>>[vector<16xi32>, vector<16xi32>, vector<16xi32>], vector<16xi32>,
        %gather3A_312 = tpu.vector_load_idx %arg10[%broadcast_in_dim3A_282, %gather3A] : memref<128x64xf32, #tpu.memory_space<vmem>>[vector<16xi32>, vector<16xi32>], vector<16xf32>,
        %gather3A_313 = tpu.vector_load_idx %arg10[%broadcast_in_dim3A_282, %gather3A_311] : memref<128x64xf32, #tpu.memory_space<vmem>>[vector<16xi32>, vector<16xi32>], vector<16xf32>,
        %mul3A_314 = arith.constant 2 : i32
        %mul3A_315 = arith.muli %mul3A_314, %add3A_303 : i32
        %add3A_316 = vector.broadcast %mul3A_315 : i32 to vector<16xi32>
        %add3A_317 = arith.addi %add3A_316, %shift_right_logical3A_11 : vector<16xi32>
        tpu.vector_store_idx %arg12[%add3A_317, %broadcast_in_dim3A_14, %and3A_13, %broadcast_in_dim3A_281], %gather3A_312 : memref<252x1x8x16xf32, #tpu.memory_space<vmem>>[vector<16xi32>, vector<16xi32>, vector<16xi32>, vector<16xi32>], vector<16xf32>,
        tpu.vector_store_idx %arg13[%add3A_317, %broadcast_in_dim3A_14, %and3A_13, %broadcast_in_dim3A_281], %gather3A_313 : memref<252x1x8x16xf32, #tpu.memory_space<vmem>>[vector<16xi32>, vector<16xi32>, vector<16xi32>, vector<16xi32>], vector<16xf32>,
        %mul3A_318 = arith.constant 6 : i32
        %mul3A_319 = arith.muli %scan3A_298, %mul3A_318 : i32
        %add3A_320 = arith.constant 1 : i32
        %add3A_321 = arith.addi %mul3A_319, %add3A_320 : i32
        %mul3A_322 = arith.constant 32 : i32
        %mul3A_323 = arith.muli %add3A_321, %mul3A_322 : i32
        %add3A_324 = vector.broadcast %mul3A_323 : i32 to vector<16xi32>
        %add3A_325 = arith.addi %add3A_324, %mul3A_9 : vector<16xi32>
        %gather3A_326 = tpu.vector_load_idx %arg11[%broadcast_in_dim3A_278, %broadcast_in_dim3A_280, %add3A_325] : memref<2x4x4032xi32, #tpu.memory_space<vmem>>[vector<16xi32>, vector<16xi32>, vector<16xi32>], vector<16xi32>,
        %add3A_327 = arith.constant 1 : i32
        %add3A_328 = vector.broadcast %add3A_327 : i32 to vector<16xi32>
        %add3A_329 = arith.addi %add3A_325, %add3A_328 : vector<16xi32>
        %gather3A_330 = tpu.vector_load_idx %arg11[%broadcast_in_dim3A_278, %broadcast_in_dim3A_280, %add3A_329] : memref<2x4x4032xi32, #tpu.memory_space<vmem>>[vector<16xi32>, vector<16xi32>, vector<16xi32>], vector<16xi32>,
        %gather3A_331 = tpu.vector_load_idx %arg10[%broadcast_in_dim3A_282, %gather3A_326] : memref<128x64xf32, #tpu.memory_space<vmem>>[vector<16xi32>, vector<16xi32>], vector<16xf32>,
        %gather3A_332 = tpu.vector_load_idx %arg10[%broadcast_in_dim3A_282, %gather3A_330] : memref<128x64xf32, #tpu.memory_space<vmem>>[vector<16xi32>, vector<16xi32>], vector<16xf32>,
        %mul3A_333 = arith.constant 2 : i32
        %mul3A_334 = arith.muli %mul3A_333, %add3A_321 : i32
        %add3A_335 = vector.broadcast %mul3A_334 : i32 to vector<16xi32>
        %add3A_336 = arith.addi %add3A_335, %shift_right_logical3A_11 : vector<16xi32>
        tpu.vector_store_idx %arg12[%add3A_336, %broadcast_in_dim3A_14, %and3A_13, %broadcast_in_dim3A_281], %gather3A_331 : memref<252x1x8x16xf32, #tpu.memory_space<vmem>>[vector<16xi32>, vector<16xi32>, vector<16xi32>, vector<16xi32>], vector<16xf32>,
        tpu.vector_store_idx %arg13[%add3A_336, %broadcast_in_dim3A_14, %and3A_13, %broadcast_in_dim3A_281], %gather3A_332 : memref<252x1x8x16xf32, #tpu.memory_space<vmem>>[vector<16xi32>, vector<16xi32>, vector<16xi32>, vector<16xi32>], vector<16xf32>,
        %mul3A_337 = arith.constant 6 : i32
        %mul3A_338 = arith.muli %scan3A_298, %mul3A_337 : i32
        %add3A_339 = arith.constant 2 : i32
        %add3A_340 = arith.addi %mul3A_338, %add3A_339 : i32
        %mul3A_341 = arith.constant 32 : i32
        %mul3A_342 = arith.muli %add3A_340, %mul3A_341 : i32
        %add3A_343 = vector.broadcast %mul3A_342 : i32 to vector<16xi32>
        %add3A_344 = arith.addi %add3A_343, %mul3A_9 : vector<16xi32>
        %gather3A_345 = tpu.vector_load_idx %arg11[%broadcast_in_dim3A_278, %broadcast_in_dim3A_280, %add3A_344] : memref<2x4x4032xi32, #tpu.memory_space<vmem>>[vector<16xi32>, vector<16xi32>, vector<16xi32>], vector<16xi32>,
        %add3A_346 = arith.constant 1 : i32
        %add3A_347 = vector.broadcast %add3A_346 : i32 to vector<16xi32>
        %add3A_348 = arith.addi %add3A_344, %add3A_347 : vector<16xi32>
        %gather3A_349 = tpu.vector_load_idx %arg11[%broadcast_in_dim3A_278, %broadcast_in_dim3A_280, %add3A_348] : memref<2x4x4032xi32, #tpu.memory_space<vmem>>[vector<16xi32>, vector<16xi32>, vector<16xi32>], vector<16xi32>,
        %gather3A_350 = tpu.vector_load_idx %arg10[%broadcast_in_dim3A_282, %gather3A_345] : memref<128x64xf32, #tpu.memory_space<vmem>>[vector<16xi32>, vector<16xi32>], vector<16xf32>,
        %gather3A_351 = tpu.vector_load_idx %arg10[%broadcast_in_dim3A_282, %gather3A_349] : memref<128x64xf32, #tpu.memory_space<vmem>>[vector<16xi32>, vector<16xi32>], vector<16xf32>,
        %mul3A_352 = arith.constant 2 : i32
        %mul3A_353 = arith.muli %mul3A_352, %add3A_340 : i32
        %add3A_354 = vector.broadcast %mul3A_353 : i32 to vector<16xi32>
        %add3A_355 = arith.addi %add3A_354, %shift_right_logical3A_11 : vector<16xi32>
        tpu.vector_store_idx %arg12[%add3A_355, %broadcast_in_dim3A_14, %and3A_13, %broadcast_in_dim3A_281], %gather3A_350 : memref<252x1x8x16xf32, #tpu.memory_space<vmem>>[vector<16xi32>, vector<16xi32>, vector<16xi32>, vector<16xi32>], vector<16xf32>,
        tpu.vector_store_idx %arg13[%add3A_355, %broadcast_in_dim3A_14, %and3A_13, %broadcast_in_dim3A_281], %gather3A_351 : memref<252x1x8x16xf32, #tpu.memory_space<vmem>>[vector<16xi32>, vector<16xi32>, vector<16xi32>, vector<16xi32>], vector<16xf32>,
        %mul3A_356 = arith.constant 6 : i32
        %mul3A_357 = arith.muli %scan3A_298, %mul3A_356 : i32
        %add3A_358 = arith.constant 3 : i32
        %add3A_359 = arith.addi %mul3A_357, %add3A_358 : i32
        %mul3A_360 = arith.constant 32 : i32
        %mul3A_361 = arith.muli %add3A_359, %mul3A_360 : i32
        %add3A_362 = vector.broadcast %mul3A_361 : i32 to vector<16xi32>
        %add3A_363 = arith.addi %add3A_362, %mul3A_9 : vector<16xi32>
        %gather3A_364 = tpu.vector_load_idx %arg11[%broadcast_in_dim3A_278, %broadcast_in_dim3A_280, %add3A_363] : memref<2x4x4032xi32, #tpu.memory_space<vmem>>[vector<16xi32>, vector<16xi32>, vector<16xi32>], vector<16xi32>,
        %add3A_365 = arith.constant 1 : i32
        %add3A_366 = vector.broadcast %add3A_365 : i32 to vector<16xi32>
        %add3A_367 = arith.addi %add3A_363, %add3A_366 : vector<16xi32>
        %gather3A_368 = tpu.vector_load_idx %arg11[%broadcast_in_dim3A_278, %broadcast_in_dim3A_280, %add3A_367] : memref<2x4x4032xi32, #tpu.memory_space<vmem>>[vector<16xi32>, vector<16xi32>, vector<16xi32>], vector<16xi32>,
        %gather3A_369 = tpu.vector_load_idx %arg10[%broadcast_in_dim3A_282, %gather3A_364] : memref<128x64xf32, #tpu.memory_space<vmem>>[vector<16xi32>, vector<16xi32>], vector<16xf32>,
        %gather3A_370 = tpu.vector_load_idx %arg10[%broadcast_in_dim3A_282, %gather3A_368] : memref<128x64xf32, #tpu.memory_space<vmem>>[vector<16xi32>, vector<16xi32>], vector<16xf32>,
        %mul3A_371 = arith.constant 2 : i32
        %mul3A_372 = arith.muli %mul3A_371, %add3A_359 : i32
        %add3A_373 = vector.broadcast %mul3A_372 : i32 to vector<16xi32>
        %add3A_374 = arith.addi %add3A_373, %shift_right_logical3A_11 : vector<16xi32>
        tpu.vector_store_idx %arg12[%add3A_374, %broadcast_in_dim3A_14, %and3A_13, %broadcast_in_dim3A_281], %gather3A_369 : memref<252x1x8x16xf32, #tpu.memory_space<vmem>>[vector<16xi32>, vector<16xi32>, vector<16xi32>, vector<16xi32>], vector<16xf32>,
        tpu.vector_store_idx %arg13[%add3A_374, %broadcast_in_dim3A_14, %and3A_13, %broadcast_in_dim3A_281], %gather3A_370 : memref<252x1x8x16xf32, #tpu.memory_space<vmem>>[vector<16xi32>, vector<16xi32>, vector<16xi32>, vector<16xi32>], vector<16xf32>,
        %mul3A_375 = arith.constant 6 : i32
        %mul3A_376 = arith.muli %scan3A_298, %mul3A_375 : i32
        %add3A_377 = arith.constant 4 : i32
        %add3A_378 = arith.addi %mul3A_376, %add3A_377 : i32
        %mul3A_379 = arith.constant 32 : i32
        %mul3A_380 = arith.muli %add3A_378, %mul3A_379 : i32
        %add3A_381 = vector.broadcast %mul3A_380 : i32 to vector<16xi32>
        %add3A_382 = arith.addi %add3A_381, %mul3A_9 : vector<16xi32>
        %gather3A_383 = tpu.vector_load_idx %arg11[%broadcast_in_dim3A_278, %broadcast_in_dim3A_280, %add3A_382] : memref<2x4x4032xi32, #tpu.memory_space<vmem>>[vector<16xi32>, vector<16xi32>, vector<16xi32>], vector<16xi32>,
        %add3A_384 = arith.constant 1 : i32
        %add3A_385 = vector.broadcast %add3A_384 : i32 to vector<16xi32>
        %add3A_386 = arith.addi %add3A_382, %add3A_385 : vector<16xi32>
        %gather3A_387 = tpu.vector_load_idx %arg11[%broadcast_in_dim3A_278, %broadcast_in_dim3A_280, %add3A_386] : memref<2x4x4032xi32, #tpu.memory_space<vmem>>[vector<16xi32>, vector<16xi32>, vector<16xi32>], vector<16xi32>,
        %gather3A_388 = tpu.vector_load_idx %arg10[%broadcast_in_dim3A_282, %gather3A_383] : memref<128x64xf32, #tpu.memory_space<vmem>>[vector<16xi32>, vector<16xi32>], vector<16xf32>,
        %gather3A_389 = tpu.vector_load_idx %arg10[%broadcast_in_dim3A_282, %gather3A_387] : memref<128x64xf32, #tpu.memory_space<vmem>>[vector<16xi32>, vector<16xi32>], vector<16xf32>,
        %mul3A_390 = arith.constant 2 : i32
        %mul3A_391 = arith.muli %mul3A_390, %add3A_378 : i32
        %add3A_392 = vector.broadcast %mul3A_391 : i32 to vector<16xi32>
        %add3A_393 = arith.addi %add3A_392, %shift_right_logical3A_11 : vector<16xi32>
        tpu.vector_store_idx %arg12[%add3A_393, %broadcast_in_dim3A_14, %and3A_13, %broadcast_in_dim3A_281], %gather3A_388 : memref<252x1x8x16xf32, #tpu.memory_space<vmem>>[vector<16xi32>, vector<16xi32>, vector<16xi32>, vector<16xi32>], vector<16xf32>,
        tpu.vector_store_idx %arg13[%add3A_393, %broadcast_in_dim3A_14, %and3A_13, %broadcast_in_dim3A_281], %gather3A_389 : memref<252x1x8x16xf32, #tpu.memory_space<vmem>>[vector<16xi32>, vector<16xi32>, vector<16xi32>, vector<16xi32>], vector<16xf32>,
        %mul3A_394 = arith.constant 6 : i32
        %mul3A_395 = arith.muli %scan3A_298, %mul3A_394 : i32
        %add3A_396 = arith.constant 5 : i32
        %add3A_397 = arith.addi %mul3A_395, %add3A_396 : i32
        %mul3A_398 = arith.constant 32 : i32
        %mul3A_399 = arith.muli %add3A_397, %mul3A_398 : i32
        %add3A_400 = vector.broadcast %mul3A_399 : i32 to vector<16xi32>
        %add3A_401 = arith.addi %add3A_400, %mul3A_9 : vector<16xi32>
        %gather3A_402 = tpu.vector_load_idx %arg11[%broadcast_in_dim3A_278, %broadcast_in_dim3A_280, %add3A_401] : memref<2x4x4032xi32, #tpu.memory_space<vmem>>[vector<16xi32>, vector<16xi32>, vector<16xi32>], vector<16xi32>,
        %add3A_403 = arith.constant 1 : i32
        %add3A_404 = vector.broadcast %add3A_403 : i32 to vector<16xi32>
        %add3A_405 = arith.addi %add3A_401, %add3A_404 : vector<16xi32>
        %gather3A_406 = tpu.vector_load_idx %arg11[%broadcast_in_dim3A_278, %broadcast_in_dim3A_280, %add3A_405] : memref<2x4x4032xi32, #tpu.memory_space<vmem>>[vector<16xi32>, vector<16xi32>, vector<16xi32>], vector<16xi32>,
        %gather3A_407 = tpu.vector_load_idx %arg10[%broadcast_in_dim3A_282, %gather3A_402] : memref<128x64xf32, #tpu.memory_space<vmem>>[vector<16xi32>, vector<16xi32>], vector<16xf32>,
        %gather3A_408 = tpu.vector_load_idx %arg10[%broadcast_in_dim3A_282, %gather3A_406] : memref<128x64xf32, #tpu.memory_space<vmem>>[vector<16xi32>, vector<16xi32>], vector<16xf32>,
        %mul3A_409 = arith.constant 2 : i32
        %mul3A_410 = arith.muli %mul3A_409, %add3A_397 : i32
        %add3A_411 = vector.broadcast %mul3A_410 : i32 to vector<16xi32>
        %add3A_412 = arith.addi %add3A_411, %shift_right_logical3A_11 : vector<16xi32>
        tpu.vector_store_idx %arg12[%add3A_412, %broadcast_in_dim3A_14, %and3A_13, %broadcast_in_dim3A_281], %gather3A_407 : memref<252x1x8x16xf32, #tpu.memory_space<vmem>>[vector<16xi32>, vector<16xi32>, vector<16xi32>, vector<16xi32>], vector<16xf32>,
        tpu.vector_store_idx %arg13[%add3A_412, %broadcast_in_dim3A_14, %and3A_13, %broadcast_in_dim3A_281], %gather3A_408 : memref<252x1x8x16xf32, #tpu.memory_space<vmem>>[vector<16xi32>, vector<16xi32>, vector<16xi32>, vector<16xi32>], vector<16xf32>,
        %scan3A_413 = arith.constant 0 : i32
        scf.yield %scan3A_413 : i32
      }
      %scan3A_289 = arith.constant 21 : i32
      %and3A_290 = arith.constant 1 : i32
      %and3A_291 = arith.andi %scan3A_51, %and3A_290 : i32
      %eq3A_292 = arith.constant 1 : i32
      %eq3A_293 = arith.cmpi eq, %and3A_291, %eq3A_292 : i32
      %convert_element_type3A_294 = arith.extui %eq3A_293 : i1 to i32
      %cond3A_295 = arith.constant 0 : i32
      %cond3A_296 = arith.cmpi ne, %convert_element_type3A_294, %cond3A_295 : i32
      scf.if %cond3A_296 {
        %shift_right_logical3A_298 = arith.constant 1 : i32
        %shift_right_logical3A_299 = arith.shrui %scan3A_51, %shift_right_logical3A_298 : i32
        %mul3A_300 = arith.constant 16 : i32
        %mul3A_301 = arith.muli %shift_right_logical3A_299, %mul3A_300 : i32
        %dma_start3A_302 = arith.constant 0 : i32
        %dma_start3A_303 = arith.constant 0 : i32
        %dma_start3A_304 = tpu.memref_slice %arg6[%dma_start3A_302, %add3A, %dma_start3A_303, %mul3A_301] : memref<252x32x8x128xf32, #tpu.memory_space<hbm>> -> memref<252x1x8x16xf32, #tpu.memory_space<hbm>>
        %dma_start3A_305 = arith.constant 0 : i32
        %dma_start3A_306 = arith.constant 0 : i32
        %dma_start3A_307 = tpu.memref_slice %arg6[%dma_start3A_305, %add3A, %dma_start3A_306, %mul3A_301] : memref<252x32x8x128xf32, #tpu.memory_space<hbm>> -> memref<252x1x8x16xf32, #tpu.memory_space<hbm>>
        tpu.enqueue_dma source(%arg12 : memref<252x1x8x16xf32, #tpu.memory_space<vmem>>) target(%dma_start3A_307 : memref<252x1x8x16xf32, #tpu.memory_space<hbm>>) target_semaphore(%arg17 : memref<!tpu.dma_semaphore, #tpu.memory_space<semaphore_mem>>)
        %mul3A_308 = arith.constant 16 : i32
        %mul3A_309 = arith.muli %shift_right_logical3A_299, %mul3A_308 : i32
        %dma_start3A_310 = arith.constant 0 : i32
        %dma_start3A_311 = arith.constant 0 : i32
        %dma_start3A_312 = tpu.memref_slice %arg7[%dma_start3A_310, %add3A, %dma_start3A_311, %mul3A_309] : memref<252x32x8x128xf32, #tpu.memory_space<hbm>> -> memref<252x1x8x16xf32, #tpu.memory_space<hbm>>
        %dma_start3A_313 = arith.constant 0 : i32
        %dma_start3A_314 = arith.constant 0 : i32
        %dma_start3A_315 = tpu.memref_slice %arg7[%dma_start3A_313, %add3A, %dma_start3A_314, %mul3A_309] : memref<252x32x8x128xf32, #tpu.memory_space<hbm>> -> memref<252x1x8x16xf32, #tpu.memory_space<hbm>>
        tpu.enqueue_dma source(%arg13 : memref<252x1x8x16xf32, #tpu.memory_space<vmem>>) target(%dma_start3A_315 : memref<252x1x8x16xf32, #tpu.memory_space<hbm>>) target_semaphore(%arg17 : memref<!tpu.dma_semaphore, #tpu.memory_space<semaphore_mem>>)
      } else {
      }
      %scan3A_297 = arith.constant 0 : i32
      scf.yield %scan3A_297 : i32
    }
    %scan3A_34 = arith.constant 16 : i32
    %dma_wait3A_35 = arith.constant 0 : i32
    %dma_wait3A_36 = arith.constant 0 : i32
    %dma_wait3A_37 = arith.constant 0 : i32
    %dma_wait3A_38 = tpu.memref_slice %arg6[%dma_wait3A_35, %add3A, %dma_wait3A_36, %dma_wait3A_37] : memref<252x32x8x128xf32, #tpu.memory_space<hbm>> -> memref<252x1x8x16xf32, #tpu.memory_space<hbm>>
    %dma_wait3A_39 = arith.constant 0 : i32
    %dma_wait3A_40 = arith.constant 0 : i32
    %dma_wait3A_41 = arith.constant 0 : i32
    %dma_wait3A_42 = tpu.memref_slice %arg6[%dma_wait3A_39, %add3A, %dma_wait3A_40, %dma_wait3A_41] : memref<252x32x8x128xf32, #tpu.memory_space<hbm>> -> memref<252x1x8x16xf32, #tpu.memory_space<hbm>>
    tpu.wait_dma2 semaphore(%arg17 : memref<!tpu.dma_semaphore, #tpu.memory_space<semaphore_mem>>) src(%arg12 : memref<252x1x8x16xf32, #tpu.memory_space<vmem>>) dst(%dma_wait3A_42 : memref<252x1x8x16xf32, #tpu.memory_space<hbm>>)
    %dma_wait3A_43 = arith.constant 0 : i32
    %dma_wait3A_44 = arith.constant 0 : i32
    %dma_wait3A_45 = arith.constant 0 : i32
    %dma_wait3A_46 = tpu.memref_slice %arg6[%dma_wait3A_43, %add3A, %dma_wait3A_44, %dma_wait3A_45] : memref<252x32x8x128xf32, #tpu.memory_space<hbm>> -> memref<252x1x8x16xf32, #tpu.memory_space<hbm>>
    %dma_wait3A_47 = arith.constant 0 : i32
    %dma_wait3A_48 = arith.constant 0 : i32
    %dma_wait3A_49 = arith.constant 0 : i32
    %dma_wait3A_50 = tpu.memref_slice %arg6[%dma_wait3A_47, %add3A, %dma_wait3A_48, %dma_wait3A_49] : memref<252x32x8x128xf32, #tpu.memory_space<hbm>> -> memref<252x1x8x16xf32, #tpu.memory_space<hbm>>
    tpu.wait_dma2 semaphore(%arg17 : memref<!tpu.dma_semaphore, #tpu.memory_space<semaphore_mem>>) src(%arg13 : memref<252x1x8x16xf32, #tpu.memory_space<vmem>>) dst(%dma_wait3A_50 : memref<252x1x8x16xf32, #tpu.memory_space<hbm>>)
    return
  }
}

module attributes {stable_mosaic.version = 14 : i64} {
  func.func @_tc_clip(%arg0: memref<8192x64xf32, #tpu.memory_space<vmem>>, %arg1: memref<8192x64xf32, #tpu.memory_space<vmem>>) attributes {dimension_semantics = [], scalar_prefetch = 0 : i64, scratch_operands = 0 : i64, tpu.core_type = #tpu.core_type<tc>} {
    %get3A = arith.constant 0 : index
    %get3A_0 = arith.constant 0 : index
    %get3A_1 = vector.load %arg0[%get3A, %get3A_0] : memref<8192x64xf32, #tpu.memory_space<vmem>>, vector<8192x64xf32>
    %add3A = arith.constant 3.14159274 : f32
    %add3A_2 = vector.broadcast %add3A : f32 to vector<8192x64xf32>
    %add3A_3 = arith.addf %get3A_1, %add3A_2 : vector<8192x64xf32>
    %jit3A = arith.constant 6.28318548 : f32
    %rem3A = vector.broadcast %jit3A : f32 to vector<8192x64xf32>
    %rem3A_4 = arith.remf %add3A_3, %rem3A : vector<8192x64xf32>
    %ne3A = arith.constant 0.000000e+00 : f32
    %ne3A_5 = vector.broadcast %ne3A : f32 to vector<8192x64xf32>
    %ne3A_6 = arith.cmpf one, %rem3A_4, %ne3A_5 : vector<8192x64xf32>
    %lt3A = arith.constant 0.000000e+00 : f32
    %lt3A_7 = vector.broadcast %lt3A : f32 to vector<8192x64xf32>
    %lt3A_8 = arith.cmpf olt, %rem3A_4, %lt3A_7 : vector<8192x64xf32>
    %lt3A_9 = arith.constant 0.000000e+00 : f32
    %lt3A_10 = arith.cmpf olt, %jit3A, %lt3A_9 : f32
    %ne3A_11 = vector.broadcast %lt3A_10 : i1 to vector<8192x64xi1>
    %ne3A_12 = vector.broadcast %ne3A_11 : vector<8192x64xi1> to vector<8192x64xi1>
    %ne3A_13 = arith.xori %lt3A_8, %ne3A_12 : vector<8192x64xi1>
    %and3A = arith.andi %ne3A_13, %ne3A_6 : vector<8192x64xi1>
    %add3A_14 = vector.broadcast %jit3A : f32 to vector<8192x64xf32>
    %add3A_15 = arith.addf %rem3A_4, %add3A_14 : vector<8192x64xf32>
    %select_n3A = arith.select %and3A, %add3A_15, %rem3A_4 : vector<8192x64xi1>, vector<8192x64xf32>
    %sub3A = arith.constant 3.14159274 : f32
    %sub3A_16 = vector.broadcast %sub3A : f32 to vector<8192x64xf32>
    %sub3A_17 = arith.subf %select_n3A, %sub3A_16 : vector<8192x64xf32>
    %jit3A_18 = arith.constant -3.14159274 : f32
    %jit3A_19 = arith.constant 3.14159274 : f32
    %max3A = vector.broadcast %jit3A_18 : f32 to vector<8192x64xf32>
    %max3A_20 = arith.maximumf %max3A, %sub3A_17 : vector<8192x64xf32>
    %min3A = vector.broadcast %jit3A_19 : f32 to vector<8192x64xf32>
    %min3A_21 = arith.minimumf %min3A, %max3A_20 : vector<8192x64xf32>
    %swap3A = arith.constant 0 : index
    %swap3A_22 = arith.constant 0 : index
    %swap3A_23 = vector.load %arg1[%swap3A, %swap3A_22] : memref<8192x64xf32, #tpu.memory_space<vmem>>, vector<8192x64xf32>
    tpu.vector_store %arg1[%swap3A, %swap3A_22], %min3A_21 {strides = array<i32>} : memref<8192x64xf32, #tpu.memory_space<vmem>>, vector<8192x64xf32>,
    return
  }
}

</mosaic_0001>

<sc_bundles>
// kernel: kernel.4.cloned.1.call-start
scs
__scs_entry_jumppad:
0x0: {  	(pc) =	sbr.rel $0x88, $3  }
0x1: {  	(tag) =	ssettag $0x0;
	lr =	simm.s32 $0x1  }
0x2: {  	[smem:$0x3F9E] =	sst lr;
	_ =	strace $0xD0000000  }
0x3: {  	_ = 	snop  }
0x4: {  	_ = 	snop  }
0x5: {  	_ = 	snop  }
0x6: {  	_ = 	snop  }
0x7: {  	_ = 	snop  }
__scs_overlays_trampoline_lowered:
0x8: {  	[smem:$0x3FAD] =	sst s0  }
0x9: {  	[smem:$0x3FAE] =	sst s1  }
0xa: {  	[smem:$0x3FAF] =	sst s2  }
0xb: {  	[smem:$0x3FB0] =	sst s3  }
0xc: {  	[smem:$0x3FB1] =	sst s4  }
0xd: {  	[smem:$0x3FB2] =	sst s5  }
0xe: {  	[smem:$0x3FB3] =	sst s6  }
0xf: {  	[smem:$0x3FB4] =	sst s7  }
0x10: {  	[smem:$0x3FB5] =	sst s8  }
0x11: {  	[smem:$0x3FB6] =	sst s9;
	s0 =	simm.s32 @!p0 $0x0  }
0x12: {  	s1 =	sld [smem:$0x3F9C];
	s0 =	simm.s32 @p0 $0x1  }
0x13: {  	[smem:$0x3FB7] =	sst s0;
	s0 =	simm.s32 @!p1 $0x0  }
0x14: {  	s2 =	sld [smem:$0x3F9B];
	s0 =	simm.s32 @p1 $0x1  }
0x15: {  	[smem:$0x3FB8] =	sst s0;
	s0 =	simm.s32 @!p2 $0x0  }
0x16: {  	s3 =	sld [smem:$0x3FDB];
	s0 =	simm.s32 @p2 $0x1  }
0x17: {  	s4 =	simm.s32 $0x1BF5;
	[smem:$0x3FBA] =	sst s0  }
0x18: {  	s0 =	sld [smem:$0x3F9D];
	_ =	swait.ge [sflag:s4], $0x0  }
0x19: {  	s7 =	sld [smem:$0x3F9E]  }
0x1a: {  	s8 =	sadd.s32 $0xFFFFE003, lr  }
0x1b: {  	s9 =	sadd.s32 $0xFFFFFEF7, lr;
	s5 =	simm.s32 $0xFFFFFFFF;
	p2 =	slt.u32 s8, $0xFFFFF086  }
0x1c: {  	p1 =	slt.u32 s9, $0xF7A;
	s5 =	simm.s32 @!p2 $0x0  }
0x1d: {  	s5 =	simm.s32 @p1 $0x1;
	p0 =	seq.s32 s7, s2  }
0x1e: {  	s7 =	smul.u32 @!p0 $0xF7A, s2;
	p2 =	seq.s32 @!p0 s5, $0x0  }
0x1f: {  	s9 =	smul.u32 $0xF7A, s1;
	s8 =	simm.s32 @!p0 $0x1BF5;
	p2 =	por !p2, p0  }
0x20: {  	[sflag:s8] =	ssyncset.s32 @!p0 $0xFFFFF086;
	s6 =	sadd.s32 @!p0 s3, s7;
	s7 =	simm.s32 @!p0 $0x108  }
0x21: {  	s3 =	sadd.s32 s3, s9;
	s6 =	sadd.s32 @!p0 $0x88, s6;
	s7 =	simm.s32 @p2 $0x1082  }
0x22: {  	[simem:s7], [sflag:s8] =	dma.local @!p0 [hbm:s6], $0xF7A  }
0x23: {  	s9 =	sor.u32 $0xD0000000, s2;
	s6 =	simm.s32 $0x108;
	_ =	swait.ge @!p0 [sflag:s8], $0x0  }
0x24: {  	s3 =	sadd.s32 $0x88, s3;
	s6 =	simm.s32 @!p1 $0x1082;
	[sflag:s4] =	ssyncset.s32 $0xFFFFF086  }
0x25: {  	[simem:s6], [sflag:s4] =	dma.local [hbm:s3], $0xF7A  }
0x26: {  	[smem:$0x3F9E] =	sst s1;
	(tag) =	ssettag s2;
	_ =	strace s9  }
0x27: {  	s1 =	sld [smem:$0x3FAE]  }
0x28: {  	s2 =	sld [smem:$0x3FAF]  }
0x29: {  	s4 =	sld [smem:$0x3FB1]  }
0x2a: {  	p0 =	seq.s32 s5, $0x0;
	s5 =	sld [smem:$0x3FB2]  }
0x2b: {  	s6 =	sld [smem:$0x3FB3]  }
0x2c: {  	s7 =	sld [smem:$0x3FB4]  }
0x2d: {  	s3 =	simm.s32 $0x108;
	s8 =	sld [smem:$0x3FB5]  }
0x2e: {  	s3 =	simm.s32 @!p0 $0x1082;
	s9 =	sld [smem:$0x3FB6]  }
0x2f: {  	lr =	sadd.s32 s0, s3;
	s0 =	sld [smem:$0x3FAD]  }
0x30: {  	s3 =	sld [smem:$0x3FB0]  }
0x31: {  	[smem:$0x3FB9] =	sst s10  }
0x32: {  	s10 =	sld [smem:$0x3FB7];
	_ =	sdelay $0x3  }
0x33: {  	p0 =	seq.s32 s10, $0x1;
	s10 =	sld [smem:$0x3FB9];
	_ =	sdelay $0x3  }
0x34: {  	[smem:$0x3FB9] =	sst s10  }
0x35: {  	s10 =	sld [smem:$0x3FB8];
	_ =	sdelay $0x3  }
0x36: {  	p1 =	seq.s32 s10, $0x1;
	s10 =	sld [smem:$0x3FB9];
	_ =	sdelay $0x3  }
0x37: {  	[smem:$0x3FB9] =	sst s10  }
0x38: {  	s10 =	sld [smem:$0x3FBA]  }
0x39: {  	_ = 	snop;
	(pc) =	sbr.ind lr, $3  }
0x3a: {  	_ = 	snop  }
0x3b: {  	_ = 	snop  }
0x3c: {  	p2 =	seq.s32 s10, $0x1;
	s10 =	sld [smem:$0x3FB9]  }
0x3d: {  	_ =	shalt  }
0x3e: {  	_ =	shalt  }
0x3f: {  	_ =	shalt  }
0x40: {  	_ =	shalt  }
0x41: {  	_ =	shalt  }
0x42: {  	_ =	shalt  }
0x43: {  	_ =	shalt  }
0x44: {  	_ =	shalt  }
0x45: {  	_ =	shalt  }
0x46: {  	_ =	shalt  }
0x47: {  	_ =	shalt  }
0x48: {  	_ =	shalt  }
0x49: {  	_ =	shalt  }
0x4a: {  	_ =	shalt  }
0x4b: {  	_ =	shalt  }
0x4c: {  	_ =	shalt  }
0x4d: {  	_ =	shalt  }
0x4e: {  	_ =	shalt  }
0x4f: {  	_ =	shalt  }
0x50: {  	_ =	shalt  }
0x51: {  	_ =	shalt  }
0x52: {  	_ =	shalt  }
0x53: {  	_ =	shalt  }
0x54: {  	_ =	shalt  }
0x55: {  	_ =	shalt  }
0x56: {  	_ =	shalt  }
0x57: {  	_ =	shalt  }
0x58: {  	_ =	shalt  }
0x59: {  	_ =	shalt  }
0x5a: {  	_ =	shalt  }
0x5b: {  	_ =	shalt  }
0x5c: {  	_ =	shalt  }
0x5d: {  	_ =	shalt  }
0x5e: {  	_ =	shalt  }
0x5f: {  	_ =	shalt  }
0x60: {  	_ =	shalt  }
0x61: {  	_ =	shalt  }
0x62: {  	_ =	shalt  }
0x63: {  	_ =	shalt  }
0x64: {  	_ =	shalt  }
0x65: {  	_ =	shalt  }
0x66: {  	_ =	shalt  }
0x67: {  	_ =	shalt  }
0x68: {  	_ =	shalt  }
0x69: {  	_ =	shalt  }
0x6a: {  	_ =	shalt  }
0x6b: {  	_ =	shalt  }
0x6c: {  	_ =	shalt  }
0x6d: {  	_ =	shalt  }
0x6e: {  	_ =	shalt  }
0x6f: {  	_ =	shalt  }
0x70: {  	_ =	shalt  }
0x71: {  	_ =	shalt  }
0x72: {  	_ =	shalt  }
0x73: {  	_ =	shalt  }
0x74: {  	_ =	shalt  }
0x75: {  	_ =	shalt  }
0x76: {  	_ =	shalt  }
0x77: {  	_ =	shalt  }
0x78: {  	_ =	shalt  }
0x79: {  	_ =	shalt  }
0x7a: {  	_ =	shalt  }
0x7b: {  	_ =	shalt  }
0x7c: {  	_ =	shalt  }
0x7d: {  	_ =	shalt  }
0x7e: {  	_ =	shalt  }
0x7f: {  	_ =	shalt  }
0x80: {  	_ =	shalt  }
0x81: {  	_ =	shalt  }
0x82: {  	_ =	shalt  }
0x83: {  	_ =	shalt  }
0x84: {  	_ =	shalt  }
0x85: {  	_ =	shalt  }
0x86: {  	_ =	shalt  }
0x87: {  	_ =	shalt  }
.Lfunc_end0:
.L_simem_size_0:
called_computation.1_lowered:
.L_overlay_start_0:
0x88: {  	s2 =	sld [smem:$0x3FD9]  }
0x89: {  	s3 =	sld [smem:$0x3FFE];
	_ =	sdelay $0x1  }
0x8a: {  	s1 =	srdreg.scid  }
0x8b: {  	s0 =	sand.u32 $0x1, s1  }
0x8c: {  	s14 =	sshll.u32 s0, $0xA;
	s2 =	sadd.s32 s3, s2  }
0x8d: {  	s2 =	sadd.s32 s2, s14  }
0x8e: {  	[smem:$0x3FC5] =	sst s2  }
0x8f: {  	_ = 	snop  }
0x90: {  	s2 =	sld [smem:$0x3FD0];
	_ =	sdelay $0x2  }
0x91: {  	s4 =	simm.s32 $0xA;
	s5 =	simm.s32 $0x10;
	s15 =	sld [smem:$0x3FC8]  }
0x92: {  	[smem:s5], [sflag:s4] =	dma.local [hbm:s2], $0x1  }
0x93: {  	_ =	swait.eq [sflag:s4], $0x1  }
0x94: {  	[sflag:s4] =	ssyncset.done $0x0  }
0x95: {  	s16 =	sld [smem:$0x10];
	[sflag:s4] =	ssyncadd.s32 $0xFFFFFFFF  }
0x96: {  	s17 =	sld [smem:$0x11];
	(tm) =	ssettm $0x1  }
0x97: {  	s18 =	sld [smem:$0x3FFB];
	_ =	sdelay $0x3  }
0x98: {  	_ =	strace s18  }
0x99: {  	s5 =	sld [smem:$0x3FFC];
	_ =	sdelay $0x3  }
0x9a: {  	_ =	strace s5  }
0x9b: {  	s5 =	sld [smem:$0x3FFD];
	_ =	sdelay $0x3  }
0x9c: {  	_ =	strace s5  }
0x9d: {  	_ =	strace $0x8FFFFFFF  }
0x9e: {  	s19 =	sld [smem:$0x3FDB];
	_ =	sdelay $0x1  }
0x9f: {  	s6 =	simm.s32 $_scs_section_size  }
0xa0: {  	s7 =	simm.s32 $_size__tile_overlayer_lowered;
	s8 =	simm.s32 $_tile_overlayer_lowered  }
0xa1: {  	s22 =	simm.s32 $0x1BFF;
	s21 =	sshll.u32 s8, $0x1;
	s5 =	sadd.s32 s6, s19  }
0xa2: {  	s9 =	simm.s32 $0x0;
	s20 =	sshll.u32 s7, $0x1;
	s7 =	sadd.s32 s21, s5  }
0xa3: {  	[timem:s9], [sflag:s22] =	dma.local [hbm:s7], s20  }
0xa4: {  	_ =	swait.ge [sflag:s22], s20  }
0xa5: {  	s6 =	ssub.s32 $0x0, s20;
	[sflag:s22] =	ssyncset.done $0x0  }
0xa6: {  	[sflag:s22] =	ssyncadd.s32 s6;
	_ =	sdelay $0x1  }
0xa7: {  	s23 =	simm.s32 $0x1B8B  }
0xa8: {  	_ =	swait.ge [sflag:s23], $0x1  }
0xa9: {  	[sflag:s23] =	ssyncset.done $0x0  }
0xaa: {  	s25 =	simm.s32 $0x1B8E;
	s24 =	sld [smem:$0x3FFE];
	[sflag:s23] =	ssyncadd.s32 $0xFFFFFFFF  }
0xab: {  	s26 =	simm.s32 $execute0_lowered;
	[smem:$0x3FD2] =	sst s25  }
0xac: {  	s7 =	sshll.u32 s26, $0x1;
	_ =	strace $0x80000049;
	[dreg:$0x1] =	wrdreg $0xFFFFFFFF  }
0xad: {  	s28 =	simm.s32 $_size_execute0_lowered;
	s5 =	sadd.s32 s5, s7;
	[dreg:$0x0] =	wrdreg $0x0  }
0xae: {  	s7 =	sshll.u32 s28, $0x1;
	[dreg:$0x2] =	wrdreg s5  }
0xaf: {  	[dreg:$0x3] =	wrdreg s7  }
0xb0: {  	[dreg:$0x4] =	wrdreg $0xC0  }
0xb1: {  	_ =	task [dreg:s9], $0x5FFFF  }
0xb2: {  	[dreg:$0x1] =	wrdreg $0xFFFFFFFF  }
0xb3: {  	[dreg:$0x0] =	wrdreg $0x60  }
0xb4: {  	[dreg:$0x2] =	wrdreg s24  }
0xb5: {  	[dreg:$0x3] =	wrdreg s15  }
0xb6: {  	[dreg:$0x4] =	wrdreg s16  }
0xb7: {  	[dreg:$0x5] =	wrdreg s17  }
0xb8: {  	[dreg:$0x6] =	wrdreg $0x9  }
0xb9: {  	_ =	task.clear_ibuf [dreg:s9], $0x7FFFF;
	_ =	strace $0x90000049  }
0xba: {  	s29 =	simm.s32 $0x9;
	_ =	strace $0x8000004B  }
0xbb: {  	_ =	swait.ge [sflag:s29], $0x1  }
0xbc: {  	[sflag:s29] =	ssyncadd.s32 $0xFFFFFFFF  }
0xbd: {  	_ =	strace $0x9000004B  }
0xbe: {  	_ =	sfence  }
0xbf: {  	s30 =	sld [smem:$0x0];
	_ =	sdelay $0x2  }
0xc0: {  	s31 =	sshll.u32 s1, $0xD;
	s1 =	sshrl.u32 s1, $0x2  }
0xc1: {  	s3 =	sand.u32 $0x4000, s31;
	s1 =	sadd.s32 s1, s30  }
0xc2: {  	s0 =	sor.u32 s3, s0;
	s1 =	sshll.u32 s1, $0x11  }
0xc3: {  	s0 =	sor.u32 s1, s0  }
0xc4: {  	s0 =	sadd.s32 $0x8F2B, s0  }
0xc5: {  	[sflag:s0] =	ssyncadd.remote.s32 $0x1  }
0xc6: {  	_ =	sfence.sel $0xFFFF  }
0xc7: {  	[dreg:$0x0] =	wrdreg $0xFFFFFFFF;
	(pc) =	sbr.abs _section_cstart, $3  }
0xc8: {  	[dreg:$0x1] =	wrdreg $0xFFFFFFFF  }
0xc9: {  	_ =	task.clear_ibuf [dreg:s9], $0x2FFFF;
	_ =	strace $0x9FFFFFFF  }
0xca: {  	(tm) =	ssettm $0x7FFFFFFF  }
0xcb: {  	_ =	shalt  }
tec
execute0_lowered:
.L_overlay_start_1:
0x0: {  	(tag) =	ssettag $0x1  }
0x1: {  	s6 =	rddreg [dreg:$0x0]  }
0x2: {  	s7 =	rddreg [dreg:$0x1]  }
0x3: {  	s2 =	rddreg [dreg:$0x2]  }
0x4: {  	s3 =	rddreg [dreg:$0x3];
	s5 =	srdreg.scid  }
0x5: {  	s1 =	stileid.u32;
	s4 =	simm.s32 $0x0;
	s13 =	simm.s32 $0x180  }
0x6: {  	s14 =	simm.s32 $0x4;
	s15 =	simm.s32 $0x2180;
	s16 =	simm.s32 $0x1  }
0x7: {  	s17 =	simm.s32 $0x6080;
	s18 =	simm.s32 $0x2;
	s19 =	simm.s32 $0x9F80  }
0x8: {  	s20 =	simm.s32 $0x11D80;
	s21 =	simm.s32 $0x3;
	s22 =	simm.s32 $0x10  }
0x9: {  	v3 =	vlaneseq.u32;
	s23 =	simm.s32 $0x0;
	s8 =	sand.u32 $0x1, s5;
	s31 =	sshll.u32 s1, $0x1  }
0xa: {  	[smem:$0x7FF] =	sst s4;
	s5 =	sadd.s32 $0x1000, s6;
	v0 =	vand.u32 $0x3, v3;
	v1 =	vand.u32 $0x7, v3;
	s9 =	sor.u32 s8, s31  }
.Ltmp0:
0xb: {  	v4 =	vshrl.u32 v3, $0x3;
	_ =	strace $0x8000004A;
	s8 =	ssub.s32 $0x2, s8;
	v5 =	vmul.u32 $0x2, v0;
	v0 =	vmul.u32 $0x2, v3;
	(pc) =	sbr.rel .LBB2_1-.Ltmp0, $4  }
0xc: {  	v1 =	vmul.u32 $0x10, v1;
	v4 =	vmul.u32 $0x80, v4;
	s10 =	sshll.u32 s9, $0x5;
	s11 =	sshrl.u32 s8, $0x1;
	s12 =	sshll.u32 s9, $0x4  }
0xd: {  	s9 =	sshll.u32 s9, $0x7;
	s10 =	sadd.s32 s10, s6;
	s6 =	sadd.s32 $0x7F1000, s6;
	v2 =	vor.u32 $0xFFFFFFD8, v5;
	v3 =	vor.u32 $0x1, v0;
	v5 =	vor.u32 $0xFFFFFFF8, v5  }
0xe: {  	s11 =	ssub.s32 s8, s11;
	s7 =	sadd.s32 s7, s12;
	s12 =	simm.s32 $0x80;
	v6 =	vor.u32 $0x1, v1;
	v7 =	vor.u32 $0xFC0, v0;
	v8 =	vor.u32 $0xFC1, v0  }
0xf: {  	v9 =	vor.u32 $0x2, v1;
	v10 =	vor.u32 $0x1F80, v0;
	v11 =	vor.u32 $0x1F81, v0;
	s8 =	sadd.s32 $0x801000, s10;
	s10 =	smax.u32 s11, $0x1;
	s11 =	simm.s32 $0x5  }
.LBB2_24:
0x10: {  	s23 =	sadd.s32 $0x1, s23  }
0x11: {  	_ =	swait.ge [sflag:s14], $0x7E00;
	p0 =	sne.s32 s23, s10  }
.Ltmp1:
0x12: {  	[sflag:s14] =	ssyncset.done $0x0;
	(pc) =	sbr.rel @!p0 .LBB2_25-.Ltmp1, $4  }
0x13: {  	[sflag:s14] =	ssyncadd.s32 $0xFFFF8200  }
0x14: {  	_ =	swait.ge [sflag:s14], $0x7E00  }
0x15: {  	[sflag:s14] =	ssyncset.done $0x0  }
0x16: {  	[sflag:s14] =	ssyncadd.s32 $0xFFFF8200  }
.LBB2_1:
0x17: {  	[tilespmem:s4], [sflag:$0x5] =	stream.linear.gather [hbm4b:s7+s4], $0x80, $0x38;
	[tilespmem:$0x19B80] =	vst v63  }
0x18: {  	_ =	swait.ge [sflag:s11], $0x80  }
0x19: {  	[sflag:s11] =	ssyncset.done $0x0  }
0x1a: {  	[sflag:s11] =	ssyncadd.s32 $0xFFFFFF80  }
0x1b: {  	[tilespmem:s13], [sflag:$0x1] =	stream.indirect.gather [hbm4b:s6+s12], $0x40, s4, s12, $0xb8;
	[tilespmem:$0x19B80] =	vst v63  }
0x1c: {  	_ = 	snop  }
0x1d: {  	[tilespmem:s12], [sflag:$0x5] =	stream.linear.gather [hbm4b:s8+s4], $0x100, $0x38;
	[tilespmem:$0x19B80] =	vst v63  }
0x1e: {  	_ =	swait.ge [sflag:s11], $0x100  }
0x1f: {  	[sflag:s11] =	ssyncset.done $0x0  }
.Ltmp2:
0x20: {  	[sflag:s11] =	ssyncadd.s32 $0xFFFFFF00;
	(pc) =	sbr.rel .LBB2_2-.Ltmp2, $4  }
0x21: {  	[tilespmem:s15], [sflag:$0x2] =	stream.indirect.gather [hbm4b:s5+s14], $0xFC0, s12, s14, $0xb8;
	[tilespmem:$0x19B80] =	vst v63  }
0x22: {  	_ =	swait.ge [sflag:s16], $0x2000  }
0x23: {  	[sflag:s16] =	ssyncset.done $0x0  }
0x24: {  	s24 =	simm.s32 $0x0;
	[sflag:s16] =	ssyncadd.s32 $0xFFFFE000  }
.LBB2_23:
0x25: {  	s24 =	sadd.s32 $0x1, s24  }
0x26: {  	p0 =	sne.s32 s24, $0x10  }
.Ltmp3:
0x27: {  	_ = 	snop;
	(pc) =	sbr.rel @!p0 .LBB2_24-.Ltmp3, $1  }
0x28: {  	_ =	sdelay $0x3  }
.LBB2_2:
0x29: {  	s25 =	sshll.u32 s24, $0x4  }
0x2a: {  	s29 =	sand.u32 $0x3FFFFFF0, s25  }
0x2b: {  	s25 =	sadd.s32 $0x88, s29  }
0x2c: {  	[tilespmem:s17], [sflag:$0x3] =	stream.indirect.gather [hbm4b:s5+s14], $0xFC0, s25, s14, $0xb8;
	[tilespmem:$0x19B80] =	vst v63  }
0x2d: {  	p0 =	slt.u32 s24, $0x2;
	s25 =	sand.u32 $0x1, s24  }
0x2e: {  	_ =	swait.ge [sflag:s18], $0x3F00;
	p1 =	sne.s32 @!p0 s25, $0x0  }
0x2f: {  	s28 =	sshll.u32 s24, $0x3;
	[sflag:s18] =	ssyncset.done $0x0;
	p0 =	por p1, p0  }
0x30: {  	s26 =	sand.u32 $0x8, s28;
	[sflag:s18] =	ssyncadd.s32 $0xFFFFC100;
	s30 =	simm.s32 @!p0 $0x4  }
0x31: {  	v12 =	vmov s26;
	_ =	swait.ge @!p0 [sflag:s30], $0x7E00  }
0x32: {  	v12 =	vshrl.u32 v12, $0x3;
	[sflag:s30] =	ssyncset.done @!p0 $0x0  }
0x33: {  	v12 =	vshll.u32 v12, $0x3;
	[sflag:s30] =	ssyncadd.s32 @!p0 $0xFFFF8200  }
0x34: {  	v12 =	vbroadcast v12, $0x0;
	_ =	swait.ge @!p0 [sflag:s30], $0x7E00  }
0x35: {  	s31 =	sshll.u32 s24, $0x9;
	[sflag:s30] =	ssyncset.done @!p0 $0x0  }
0x36: {  	v13 =	vmov s31;
	s31 =	simm.s32 $0x0;
	v14 =	vor.u32 v1, v12;
	[sflag:s30] =	ssyncadd.s32 @!p0 $0xFFFF8200;
	s30 =	simm.s32 $0xA  }
.LBB2_3:
0x37: {  	v15 =	vor.u32 s31, v0  }
0x38: {  	v15 =	vand.u32 v2, v15  }
0x39: {  	v16 =	vor.u32 s31, v3;
	_ =	sdelay $0x3  }
0x3a: {  	v15 =	vld.idx.msk [tilespmem:v15+s15+$0x0], $0xffff  }
0x3b: {  	v16 =	vld.idx.msk [tilespmem:v16+s15+$0x0], $0xffff;
	_ =	sdelay $0x3  }
0x3c: {  	v17 =	vand.u32 $0xFFFFFFF8, v15  }
0x3d: {  	v18 =	vand.u32 $0xFFFFFFF8, v16;
	v15 =	vand.u32 $0x7, v15;
	v17 =	vadd.s32 v13, v17  }
0x3e: {  	v16 =	vand.u32 $0x7, v16;
	v33 =	vadd.s32 v13, v18;
	v15 =	vor.u32 v15, v17  }
0x3f: {  	s0 =	sadd.s32 $0xFFFFFFF6, s30;
	v16 =	vor.u32 v16, v33  }
0x40: {  	v34 =	vmov s0  }
0x41: {  	v17 =	vshll.u32 v34, $0x7  }
0x42: {  	v17 =	vor.u32 v4, v17  }
0x43: {  	s0 =	sadd.s32 $0x20, s31;
	v17 =	vor.u32 v14, v17;
	v15 =	vld.idx.msk [tilespmem:v15+s13+$0x0], $0xffff  }
0x44: {  	v35 =	vor.u32 s0, v0;
	v16 =	vld.idx.msk [tilespmem:v16+s13+$0x0], $0xffff  }
0x45: {  	v18 =	vand.u32 v5, v35  }
0x46: {  	v19 =	vor.u32 s0, v3;
	_ =	sdelay $0x1  }
0x47: {  	[tilespmem:v17+s19+$0x0] =	vst.idx.msk $0xffff, v15  }
0x48: {  	[tilespmem:v17+s20+$0x0] =	vst.idx.msk $0xffff, v16  }
0x49: {  	v15 =	vld.idx.msk [tilespmem:v18+s15+$0x0], $0xffff  }
0x4a: {  	v16 =	vld.idx.msk [tilespmem:v19+s15+$0x0], $0xffff;
	_ =	sdelay $0x3  }
0x4b: {  	v36 =	vand.u32 $0xFFFFFFF8, v15  }
0x4c: {  	v15 =	vand.u32 $0x7, v15;
	v37 =	vand.u32 $0xFFFFFFF8, v16;
	v17 =	vadd.s32 v13, v36  }
0x4d: {  	v16 =	vand.u32 $0x7, v16;
	v38 =	vadd.s32 v13, v37;
	v15 =	vor.u32 v15, v17  }
0x4e: {  	s0 =	sadd.s32 $0xFFFFFFF8, s30;
	v16 =	vor.u32 v16, v38  }
0x4f: {  	v39 =	vmov s0  }
0x50: {  	v17 =	vshll.u32 v39, $0x7  }
0x51: {  	v17 =	vor.u32 v4, v17  }
0x52: {  	s0 =	sadd.s32 $0x40, s31;
	v17 =	vor.u32 v14, v17;
	v15 =	vld.idx.msk [tilespmem:v15+s13+$0x0], $0xffff  }
0x53: {  	v40 =	vor.u32 s0, v0;
	v16 =	vld.idx.msk [tilespmem:v16+s13+$0x0], $0xffff  }
0x54: {  	v18 =	vand.u32 v2, v40  }
0x55: {  	v41 =	vor.u32 s0, v3;
	_ =	sdelay $0x1  }
0x56: {  	[tilespmem:v17+s19+$0x0] =	vst.idx.msk $0xffff, v15  }
0x57: {  	[tilespmem:v17+s20+$0x0] =	vst.idx.msk $0xffff, v16  }
0x58: {  	v15 =	vld.idx.msk [tilespmem:v18+s15+$0x0], $0xffff  }
0x59: {  	v16 =	vld.idx.msk [tilespmem:v41+s15+$0x0], $0xffff;
	_ =	sdelay $0x3  }
0x5a: {  	v42 =	vand.u32 $0xFFFFFFF8, v15  }
0x5b: {  	v15 =	vand.u32 $0x7, v15;
	v43 =	vand.u32 $0xFFFFFFF8, v16;
	v17 =	vadd.s32 v13, v42  }
0x5c: {  	v16 =	vand.u32 $0x7, v16;
	v44 =	vadd.s32 v13, v43;
	v15 =	vor.u32 v15, v17  }
0x5d: {  	s0 =	sadd.s32 $0xFFFFFFFA, s30;
	v16 =	vor.u32 v16, v44  }
0x5e: {  	v45 =	vmov s0  }
0x5f: {  	v17 =	vshll.u32 v45, $0x7  }
0x60: {  	v17 =	vor.u32 v4, v17  }
0x61: {  	s0 =	sadd.s32 $0x60, s31;
	v17 =	vor.u32 v14, v17;
	v15 =	vld.idx.msk [tilespmem:v15+s13+$0x0], $0xffff  }
0x62: {  	v46 =	vor.u32 s0, v0;
	v16 =	vld.idx.msk [tilespmem:v16+s13+$0x0], $0xffff  }
0x63: {  	v18 =	vand.u32 v5, v46  }
0x64: {  	v47 =	vor.u32 s0, v3;
	_ =	sdelay $0x1  }
0x65: {  	[tilespmem:v17+s19+$0x0] =	vst.idx.msk $0xffff, v15  }
0x66: {  	[tilespmem:v17+s20+$0x0] =	vst.idx.msk $0xffff, v16  }
0x67: {  	v15 =	vld.idx.msk [tilespmem:v18+s15+$0x0], $0xffff  }
0x68: {  	v16 =	vld.idx.msk [tilespmem:v47+s15+$0x0], $0xffff;
	_ =	sdelay $0x3  }
0x69: {  	v48 =	vand.u32 $0xFFFFFFF8, v15  }
0x6a: {  	v15 =	vand.u32 $0x7, v15;
	v49 =	vand.u32 $0xFFFFFFF8, v16;
	v17 =	vadd.s32 v13, v48  }
0x6b: {  	v16 =	vand.u32 $0x7, v16;
	v50 =	vadd.s32 v13, v49;
	v15 =	vor.u32 v15, v17  }
0x6c: {  	s0 =	sadd.s32 $0xFFFFFFFC, s30;
	v16 =	vor.u32 v16, v50  }
0x6d: {  	v51 =	vmov s0  }
0x6e: {  	v17 =	vshll.u32 v51, $0x7  }
0x6f: {  	v17 =	vor.u32 v4, v17  }
0x70: {  	s0 =	sadd.s32 $0x80, s31;
	v17 =	vor.u32 v14, v17;
	v15 =	vld.idx.msk [tilespmem:v15+s13+$0x0], $0xffff  }
0x71: {  	v52 =	vor.u32 s0, v0;
	v16 =	vld.idx.msk [tilespmem:v16+s13+$0x0], $0xffff  }
0x72: {  	v18 =	vand.u32 v2, v52  }
0x73: {  	v53 =	vor.u32 s0, v3;
	_ =	sdelay $0x1  }
0x74: {  	[tilespmem:v17+s19+$0x0] =	vst.idx.msk $0xffff, v15  }
0x75: {  	[tilespmem:v17+s20+$0x0] =	vst.idx.msk $0xffff, v16  }
0x76: {  	v15 =	vld.idx.msk [tilespmem:v18+s15+$0x0], $0xffff  }
0x77: {  	v16 =	vld.idx.msk [tilespmem:v53+s15+$0x0], $0xffff;
	_ =	sdelay $0x3  }
0x78: {  	v54 =	vand.u32 $0xFFFFFFF8, v15  }
0x79: {  	v15 =	vand.u32 $0x7, v15;
	v55 =	vand.u32 $0xFFFFFFF8, v16;
	v17 =	vadd.s32 v13, v54  }
0x7a: {  	v16 =	vand.u32 $0x7, v16;
	v56 =	vadd.s32 v13, v55;
	v15 =	vor.u32 v15, v17  }
0x7b: {  	s0 =	sadd.s32 $0xFFFFFFFE, s30;
	v16 =	vor.u32 v16, v56  }
0x7c: {  	v57 =	vmov s0  }
0x7d: {  	v17 =	vshll.u32 v57, $0x7  }
0x7e: {  	v17 =	vor.u32 v4, v17  }
0x7f: {  	s0 =	sadd.s32 $0xA0, s31;
	v17 =	vor.u32 v14, v17;
	v15 =	vld.idx.msk [tilespmem:v15+s13+$0x0], $0xffff  }
0x80: {  	v58 =	vor.u32 s0, v0;
	v16 =	vld.idx.msk [tilespmem:v16+s13+$0x0], $0xffff  }
0x81: {  	v18 =	vand.u32 v5, v58  }
0x82: {  	v59 =	vor.u32 s0, v3;
	_ =	sdelay $0x1  }
0x83: {  	[tilespmem:v17+s19+$0x0] =	vst.idx.msk $0xffff, v15  }
0x84: {  	[tilespmem:v17+s20+$0x0] =	vst.idx.msk $0xffff, v16  }
0x85: {  	v15 =	vld.idx.msk [tilespmem:v18+s15+$0x0], $0xffff  }
0x86: {  	v16 =	vld.idx.msk [tilespmem:v59+s15+$0x0], $0xffff;
	_ =	sdelay $0x3  }
0x87: {  	v60 =	vand.u32 $0xFFFFFFF8, v15  }
0x88: {  	v15 =	vand.u32 $0x7, v15;
	v61 =	vand.u32 $0xFFFFFFF8, v16;
	v17 =	vadd.s32 v13, v60  }
0x89: {  	v16 =	vand.u32 $0x7, v16;
	v62 =	vadd.s32 v13, v61;
	v15 =	vor.u32 v15, v17  }
0x8a: {  	v16 =	vor.u32 v16, v62  }
0x8b: {  	v63 =	vmov s30  }
0x8c: {  	v17 =	vshll.u32 v63, $0x7  }
0x8d: {  	v17 =	vor.u32 v4, v17  }
0x8e: {  	v17 =	vor.u32 v14, v17;
	v15 =	vld.idx.msk [tilespmem:v15+s13+$0x0], $0xffff  }
0x8f: {  	p0 =	sne.s32 s30, $0xFA;
	v16 =	vld.idx.msk [tilespmem:v16+s13+$0x0], $0xffff  }
.Ltmp4:
0x90: {  	_ = 	snop;
	(pc) =	sbr.rel @p0 .LBB2_3-.Ltmp4, $3  }
0x91: {  	_ =	sdelay $0x1  }
0x92: {  	[tilespmem:v17+s19+$0x0] =	vst.idx.msk $0xffff, v15  }
0x93: {  	s30 =	sadd.s32 $0xC, s30;
	s31 =	sadd.s32 $0xC0, s31;
	[tilespmem:v17+s20+$0x0] =	vst.idx.msk $0xffff, v16  }
0x94: {  	s28 =	sshll.u32 s28, $0x6  }
0x95: {  	s0 =	sor.u32 $0x40, s28  }
0x96: {  	v14 =	vor.u32 v6, v12;
	s30 =	simm.s32 $0xA;
	s31 =	simm.s32 $0x0;
	v13 =	vmov s0  }
.LBB2_5:
0x97: {  	v15 =	vadd.s32 s31, v7  }
0x98: {  	v16 =	vadd.s32 s31, v8;
	_ =	sdelay $0x3  }
0x99: {  	v15 =	vld.idx.msk [tilespmem:v15+s15+$0x0], $0xffff  }
0x9a: {  	v16 =	vld.idx.msk [tilespmem:v16+s15+$0x0], $0xffff;
	_ =	sdelay $0x3  }
0x9b: {  	v17 =	vand.u32 $0xFFFFFFF8, v15  }
0x9c: {  	v15 =	vand.u32 $0x7, v15;
	v18 =	vand.u32 $0xFFFFFFF8, v16;
	v17 =	vadd.s32 v13, v17  }
0x9d: {  	v16 =	vand.u32 $0x7, v16;
	v33 =	vadd.s32 v13, v18;
	v15 =	vor.u32 v15, v17  }
0x9e: {  	s0 =	sadd.s32 $0xFFFFFFF6, s30;
	v16 =	vor.u32 v16, v33  }
0x9f: {  	v34 =	vmov s0  }
0xa0: {  	v17 =	vshll.u32 v34, $0x7  }
0xa1: {  	v17 =	vor.u32 v4, v17  }
0xa2: {  	v17 =	vor.u32 v14, v17;
	v15 =	vld.idx.msk [tilespmem:v15+s13+$0x0], $0xffff  }
0xa3: {  	s0 =	sadd.s32 $0x20, s31;
	v16 =	vld.idx.msk [tilespmem:v16+s13+$0x0], $0xffff  }
0xa4: {  	v35 =	vadd.s32 s0, v7  }
0xa5: {  	v19 =	vadd.s32 s0, v8;
	_ =	sdelay $0x1  }
0xa6: {  	[tilespmem:v17+s19+$0x0] =	vst.idx.msk $0xffff, v15  }
0xa7: {  	[tilespmem:v17+s20+$0x0] =	vst.idx.msk $0xffff, v16  }
0xa8: {  	v15 =	vld.idx.msk [tilespmem:v35+s15+$0x0], $0xffff  }
0xa9: {  	v16 =	vld.idx.msk [tilespmem:v19+s15+$0x0], $0xffff;
	_ =	sdelay $0x3  }
0xaa: {  	v36 =	vand.u32 $0xFFFFFFF8, v15  }
0xab: {  	v15 =	vand.u32 $0x7, v15;
	v37 =	vand.u32 $0xFFFFFFF8, v16;
	v17 =	vadd.s32 v13, v36  }
0xac: {  	v16 =	vand.u32 $0x7, v16;
	v38 =	vadd.s32 v13, v37;
	v15 =	vor.u32 v15, v17  }
0xad: {  	s0 =	sadd.s32 $0xFFFFFFF8, s30;
	v16 =	vor.u32 v16, v38  }
0xae: {  	v39 =	vmov s0  }
0xaf: {  	v17 =	vshll.u32 v39, $0x7  }
0xb0: {  	v17 =	vor.u32 v4, v17  }
0xb1: {  	v17 =	vor.u32 v14, v17;
	v15 =	vld.idx.msk [tilespmem:v15+s13+$0x0], $0xffff  }
0xb2: {  	s0 =	sadd.s32 $0x40, s31;
	v16 =	vld.idx.msk [tilespmem:v16+s13+$0x0], $0xffff  }
0xb3: {  	v40 =	vadd.s32 s0, v7  }
0xb4: {  	v41 =	vadd.s32 s0, v8;
	_ =	sdelay $0x1  }
0xb5: {  	[tilespmem:v17+s19+$0x0] =	vst.idx.msk $0xffff, v15  }
0xb6: {  	[tilespmem:v17+s20+$0x0] =	vst.idx.msk $0xffff, v16  }
0xb7: {  	v15 =	vld.idx.msk [tilespmem:v40+s15+$0x0], $0xffff  }
0xb8: {  	v16 =	vld.idx.msk [tilespmem:v41+s15+$0x0], $0xffff;
	_ =	sdelay $0x3  }
0xb9: {  	v42 =	vand.u32 $0xFFFFFFF8, v15  }
0xba: {  	v15 =	vand.u32 $0x7, v15;
	v43 =	vand.u32 $0xFFFFFFF8, v16;
	v17 =	vadd.s32 v13, v42  }
0xbb: {  	v16 =	vand.u32 $0x7, v16;
	v44 =	vadd.s32 v13, v43;
	v15 =	vor.u32 v15, v17  }
0xbc: {  	s0 =	sadd.s32 $0xFFFFFFFA, s30;
	v16 =	vor.u32 v16, v44  }
0xbd: {  	v45 =	vmov s0  }
0xbe: {  	v17 =	vshll.u32 v45, $0x7  }
0xbf: {  	v17 =	vor.u32 v4, v17  }
0xc0: {  	v17 =	vor.u32 v14, v17;
	v15 =	vld.idx.msk [tilespmem:v15+s13+$0x0], $0xffff  }
0xc1: {  	s0 =	sadd.s32 $0x60, s31;
	v16 =	vld.idx.msk [tilespmem:v16+s13+$0x0], $0xffff  }
0xc2: {  	v46 =	vadd.s32 s0, v7  }
0xc3: {  	v47 =	vadd.s32 s0, v8;
	_ =	sdelay $0x1  }
0xc4: {  	[tilespmem:v17+s19+$0x0] =	vst.idx.msk $0xffff, v15  }
0xc5: {  	[tilespmem:v17+s20+$0x0] =	vst.idx.msk $0xffff, v16  }
0xc6: {  	v15 =	vld.idx.msk [tilespmem:v46+s15+$0x0], $0xffff  }
0xc7: {  	v16 =	vld.idx.msk [tilespmem:v47+s15+$0x0], $0xffff;
	_ =	sdelay $0x3  }
0xc8: {  	v48 =	vand.u32 $0xFFFFFFF8, v15  }
0xc9: {  	v15 =	vand.u32 $0x7, v15;
	v49 =	vand.u32 $0xFFFFFFF8, v16;
	v17 =	vadd.s32 v13, v48  }
0xca: {  	v16 =	vand.u32 $0x7, v16;
	v50 =	vadd.s32 v13, v49;
	v15 =	vor.u32 v15, v17  }
0xcb: {  	s0 =	sadd.s32 $0xFFFFFFFC, s30;
	v16 =	vor.u32 v16, v50  }
0xcc: {  	v51 =	vmov s0  }
0xcd: {  	v17 =	vshll.u32 v51, $0x7  }
0xce: {  	v17 =	vor.u32 v4, v17  }
0xcf: {  	v17 =	vor.u32 v14, v17;
	v15 =	vld.idx.msk [tilespmem:v15+s13+$0x0], $0xffff  }
0xd0: {  	s0 =	sadd.s32 $0x80, s31;
	v16 =	vld.idx.msk [tilespmem:v16+s13+$0x0], $0xffff  }
0xd1: {  	v52 =	vadd.s32 s0, v7  }
0xd2: {  	v53 =	vadd.s32 s0, v8;
	_ =	sdelay $0x1  }
0xd3: {  	[tilespmem:v17+s19+$0x0] =	vst.idx.msk $0xffff, v15  }
0xd4: {  	[tilespmem:v17+s20+$0x0] =	vst.idx.msk $0xffff, v16  }
0xd5: {  	v15 =	vld.idx.msk [tilespmem:v52+s15+$0x0], $0xffff  }
0xd6: {  	v16 =	vld.idx.msk [tilespmem:v53+s15+$0x0], $0xffff;
	_ =	sdelay $0x3  }
0xd7: {  	v54 =	vand.u32 $0xFFFFFFF8, v15  }
0xd8: {  	v15 =	vand.u32 $0x7, v15;
	v55 =	vand.u32 $0xFFFFFFF8, v16;
	v17 =	vadd.s32 v13, v54  }
0xd9: {  	v16 =	vand.u32 $0x7, v16;
	v56 =	vadd.s32 v13, v55;
	v15 =	vor.u32 v15, v17  }
0xda: {  	s0 =	sadd.s32 $0xFFFFFFFE, s30;
	v16 =	vor.u32 v16, v56  }
0xdb: {  	v57 =	vmov s0  }
0xdc: {  	v17 =	vshll.u32 v57, $0x7  }
0xdd: {  	v17 =	vor.u32 v4, v17  }
0xde: {  	v17 =	vor.u32 v14, v17;
	v15 =	vld.idx.msk [tilespmem:v15+s13+$0x0], $0xffff  }
0xdf: {  	s0 =	sadd.s32 $0xA0, s31;
	v16 =	vld.idx.msk [tilespmem:v16+s13+$0x0], $0xffff  }
0xe0: {  	v58 =	vadd.s32 s0, v7  }
0xe1: {  	v59 =	vadd.s32 s0, v8;
	_ =	sdelay $0x1  }
0xe2: {  	[tilespmem:v17+s19+$0x0] =	vst.idx.msk $0xffff, v15  }
0xe3: {  	[tilespmem:v17+s20+$0x0] =	vst.idx.msk $0xffff, v16  }
0xe4: {  	v15 =	vld.idx.msk [tilespmem:v58+s15+$0x0], $0xffff  }
0xe5: {  	v16 =	vld.idx.msk [tilespmem:v59+s15+$0x0], $0xffff;
	_ =	sdelay $0x3  }
0xe6: {  	v60 =	vand.u32 $0xFFFFFFF8, v15  }
0xe7: {  	v15 =	vand.u32 $0x7, v15;
	v61 =	vand.u32 $0xFFFFFFF8, v16;
	v17 =	vadd.s32 v13, v60  }
0xe8: {  	v16 =	vand.u32 $0x7, v16;
	v62 =	vadd.s32 v13, v61;
	v15 =	vor.u32 v15, v17  }
0xe9: {  	v16 =	vor.u32 v16, v62  }
0xea: {  	v63 =	vmov s30  }
0xeb: {  	v17 =	vshll.u32 v63, $0x7  }
0xec: {  	v17 =	vor.u32 v4, v17  }
0xed: {  	v17 =	vor.u32 v14, v17;
	v15 =	vld.idx.msk [tilespmem:v15+s13+$0x0], $0xffff  }
0xee: {  	p0 =	sne.s32 s30, $0xFA;
	v16 =	vld.idx.msk [tilespmem:v16+s13+$0x0], $0xffff  }
.Ltmp5:
0xef: {  	_ = 	snop;
	(pc) =	sbr.rel @p0 .LBB2_5-.Ltmp5, $3  }
0xf0: {  	_ =	sdelay $0x1  }
0xf1: {  	[tilespmem:v17+s19+$0x0] =	vst.idx.msk $0xffff, v15  }
0xf2: {  	s30 =	sadd.s32 $0xC, s30;
	s31 =	sadd.s32 $0xC0, s31;
	[tilespmem:v17+s20+$0x0] =	vst.idx.msk $0xffff, v16  }
0xf3: {  	s0 =	sor.u32 $0x80, s28  }
0xf4: {  	v14 =	vor.u32 v9, v12;
	s30 =	simm.s32 $0xA;
	s31 =	simm.s32 $0x0;
	v13 =	vmov s0  }
.LBB2_7:
0xf5: {  	v15 =	vadd.s32 s31, v10  }
0xf6: {  	v16 =	vadd.s32 s31, v11;
	_ =	sdelay $0x3  }
0xf7: {  	v15 =	vld.idx.msk [tilespmem:v15+s15+$0x0], $0xffff  }
0xf8: {  	v16 =	vld.idx.msk [tilespmem:v16+s15+$0x0], $0xffff;
	_ =	sdelay $0x3  }
0xf9: {  	v17 =	vand.u32 $0xFFFFFFF8, v15  }
0xfa: {  	v15 =	vand.u32 $0x7, v15;
	v18 =	vand.u32 $0xFFFFFFF8, v16;
	v17 =	vadd.s32 v13, v17  }
0xfb: {  	v16 =	vand.u32 $0x7, v16;
	v33 =	vadd.s32 v13, v18;
	v15 =	vor.u32 v15, v17  }
0xfc: {  	s0 =	sadd.s32 $0xFFFFFFF6, s30;
	v16 =	vor.u32 v16, v33  }
0xfd: {  	v34 =	vmov s0  }
0xfe: {  	v17 =	vshll.u32 v34, $0x7  }
0xff: {  	v17 =	vor.u32 v4, v17  }
0x100: {  	v17 =	vor.u32 v14, v17;
	v15 =	vld.idx.msk [tilespmem:v15+s13+$0x0], $0xffff  }
0x101: {  	s0 =	sadd.s32 $0x20, s31;
	v16 =	vld.idx.msk [tilespmem:v16+s13+$0x0], $0xffff  }
0x102: {  	v35 =	vadd.s32 s0, v10  }
0x103: {  	v19 =	vadd.s32 s0, v11;
	_ =	sdelay $0x1  }
0x104: {  	[tilespmem:v17+s19+$0x0] =	vst.idx.msk $0xffff, v15  }
0x105: {  	[tilespmem:v17+s20+$0x0] =	vst.idx.msk $0xffff, v16  }
0x106: {  	v15 =	vld.idx.msk [tilespmem:v35+s15+$0x0], $0xffff  }
0x107: {  	v16 =	vld.idx.msk [tilespmem:v19+s15+$0x0], $0xffff;
	_ =	sdelay $0x3  }
0x108: {  	v36 =	vand.u32 $0xFFFFFFF8, v15  }
0x109: {  	v15 =	vand.u32 $0x7, v15;
	v37 =	vand.u32 $0xFFFFFFF8, v16;
	v17 =	vadd.s32 v13, v36  }
0x10a: {  	v16 =	vand.u32 $0x7, v16;
	v38 =	vadd.s32 v13, v37;
	v15 =	vor.u32 v15, v17  }
0x10b: {  	s0 =	sadd.s32 $0xFFFFFFF8, s30;
	v16 =	vor.u32 v16, v38  }
0x10c: {  	v39 =	vmov s0  }
0x10d: {  	v17 =	vshll.u32 v39, $0x7  }
0x10e: {  	v17 =	vor.u32 v4, v17  }
0x10f: {  	v17 =	vor.u32 v14, v17;
	v15 =	vld.idx.msk [tilespmem:v15+s13+$0x0], $0xffff  }
0x110: {  	s0 =	sadd.s32 $0x40, s31;
	v16 =	vld.idx.msk [tilespmem:v16+s13+$0x0], $0xffff  }
0x111: {  	v40 =	vadd.s32 s0, v10  }
0x112: {  	v41 =	vadd.s32 s0, v11;
	_ =	sdelay $0x1  }
0x113: {  	[tilespmem:v17+s19+$0x0] =	vst.idx.msk $0xffff, v15  }
0x114: {  	[tilespmem:v17+s20+$0x0] =	vst.idx.msk $0xffff, v16  }
0x115: {  	v15 =	vld.idx.msk [tilespmem:v40+s15+$0x0], $0xffff  }
0x116: {  	v16 =	vld.idx.msk [tilespmem:v41+s15+$0x0], $0xffff;
	_ =	sdelay $0x3  }
0x117: {  	v42 =	vand.u32 $0xFFFFFFF8, v15  }
0x118: {  	v15 =	vand.u32 $0x7, v15;
	v43 =	vand.u32 $0xFFFFFFF8, v16;
	v17 =	vadd.s32 v13, v42  }
0x119: {  	v16 =	vand.u32 $0x7, v16;
	v44 =	vadd.s32 v13, v43;
	v15 =	vor.u32 v15, v17  }
0x11a: {  	s0 =	sadd.s32 $0xFFFFFFFA, s30;
	v16 =	vor.u32 v16, v44  }
0x11b: {  	v45 =	vmov s0  }
0x11c: {  	v17 =	vshll.u32 v45, $0x7  }
0x11d: {  	v17 =	vor.u32 v4, v17  }
0x11e: {  	v17 =	vor.u32 v14, v17;
	v15 =	vld.idx.msk [tilespmem:v15+s13+$0x0], $0xffff  }
0x11f: {  	s0 =	sadd.s32 $0x60, s31;
	v16 =	vld.idx.msk [tilespmem:v16+s13+$0x0], $0xffff  }
0x120: {  	v46 =	vadd.s32 s0, v10  }
0x121: {  	v47 =	vadd.s32 s0, v11;
	_ =	sdelay $0x1  }
0x122: {  	[tilespmem:v17+s19+$0x0] =	vst.idx.msk $0xffff, v15  }
0x123: {  	[tilespmem:v17+s20+$0x0] =	vst.idx.msk $0xffff, v16  }
0x124: {  	v15 =	vld.idx.msk [tilespmem:v46+s15+$0x0], $0xffff  }
0x125: {  	v16 =	vld.idx.msk [tilespmem:v47+s15+$0x0], $0xffff;
	_ =	sdelay $0x3  }
0x126: {  	v48 =	vand.u32 $0xFFFFFFF8, v15  }
0x127: {  	v15 =	vand.u32 $0x7, v15;
	v49 =	vand.u32 $0xFFFFFFF8, v16;
	v17 =	vadd.s32 v13, v48  }
0x128: {  	v16 =	vand.u32 $0x7, v16;
	v50 =	vadd.s32 v13, v49;
	v15 =	vor.u32 v15, v17  }
0x129: {  	s0 =	sadd.s32 $0xFFFFFFFC, s30;
	v16 =	vor.u32 v16, v50  }
0x12a: {  	v51 =	vmov s0  }
0x12b: {  	v17 =	vshll.u32 v51, $0x7  }
0x12c: {  	v17 =	vor.u32 v4, v17  }
0x12d: {  	v17 =	vor.u32 v14, v17;
	v15 =	vld.idx.msk [tilespmem:v15+s13+$0x0], $0xffff  }
0x12e: {  	s0 =	sadd.s32 $0x80, s31;
	v16 =	vld.idx.msk [tilespmem:v16+s13+$0x0], $0xffff  }
0x12f: {  	v52 =	vadd.s32 s0, v10  }
0x130: {  	v53 =	vadd.s32 s0, v11;
	_ =	sdelay $0x1  }
0x131: {  	[tilespmem:v17+s19+$0x0] =	vst.idx.msk $0xffff, v15  }
0x132: {  	[tilespmem:v17+s20+$0x0] =	vst.idx.msk $0xffff, v16  }
0x133: {  	v15 =	vld.idx.msk [tilespmem:v52+s15+$0x0], $0xffff  }
0x134: {  	v16 =	vld.idx.msk [tilespmem:v53+s15+$0x0], $0xffff;
	_ =	sdelay $0x3  }
0x135: {  	v54 =	vand.u32 $0xFFFFFFF8, v15  }
0x136: {  	v15 =	vand.u32 $0x7, v15;
	v55 =	vand.u32 $0xFFFFFFF8, v16;
	v17 =	vadd.s32 v13, v54  }
0x137: {  	v16 =	vand.u32 $0x7, v16;
	v56 =	vadd.s32 v13, v55;
	v15 =	vor.u32 v15, v17  }
0x138: {  	s0 =	sadd.s32 $0xFFFFFFFE, s30;
	v16 =	vor.u32 v16, v56  }
0x139: {  	v57 =	vmov s0  }
0x13a: {  	v17 =	vshll.u32 v57, $0x7  }
0x13b: {  	v17 =	vor.u32 v4, v17  }
0x13c: {  	v17 =	vor.u32 v14, v17;
	v15 =	vld.idx.msk [tilespmem:v15+s13+$0x0], $0xffff  }
0x13d: {  	s0 =	sadd.s32 $0xA0, s31;
	v16 =	vld.idx.msk [tilespmem:v16+s13+$0x0], $0xffff  }
0x13e: {  	v58 =	vadd.s32 s0, v10  }
0x13f: {  	v59 =	vadd.s32 s0, v11;
	_ =	sdelay $0x1  }
0x140: {  	[tilespmem:v17+s19+$0x0] =	vst.idx.msk $0xffff, v15  }
0x141: {  	[tilespmem:v17+s20+$0x0] =	vst.idx.msk $0xffff, v16  }
0x142: {  	v15 =	vld.idx.msk [tilespmem:v58+s15+$0x0], $0xffff  }
0x143: {  	v16 =	vld.idx.msk [tilespmem:v59+s15+$0x0], $0xffff;
	_ =	sdelay $0x3  }
0x144: {  	v60 =	vand.u32 $0xFFFFFFF8, v15  }
0x145: {  	v15 =	vand.u32 $0x7, v15;
	v61 =	vand.u32 $0xFFFFFFF8, v16;
	v17 =	vadd.s32 v13, v60  }
0x146: {  	v16 =	vand.u32 $0x7, v16;
	v62 =	vadd.s32 v13, v61;
	v15 =	vor.u32 v15, v17  }
0x147: {  	v16 =	vor.u32 v16, v62  }
0x148: {  	v63 =	vmov s30  }
0x149: {  	v17 =	vshll.u32 v63, $0x7  }
0x14a: {  	v17 =	vor.u32 v4, v17  }
0x14b: {  	v17 =	vor.u32 v14, v17;
	v15 =	vld.idx.msk [tilespmem:v15+s13+$0x0], $0xffff  }
0x14c: {  	p0 =	sne.s32 s30, $0xFA;
	v16 =	vld.idx.msk [tilespmem:v16+s13+$0x0], $0xffff  }
.Ltmp6:
0x14d: {  	_ = 	snop;
	(pc) =	sbr.rel @p0 .LBB2_7-.Ltmp6, $3  }
0x14e: {  	_ =	sdelay $0x1  }
0x14f: {  	[tilespmem:v17+s19+$0x0] =	vst.idx.msk $0xffff, v15  }
0x150: {  	s30 =	sadd.s32 $0xC, s30;
	s31 =	sadd.s32 $0xC0, s31;
	[tilespmem:v17+s20+$0x0] =	vst.idx.msk $0xffff, v16  }
0x151: {  	s0 =	sor.u32 $0xC0, s28;
	v14 =	vor.u32 $0x3, v1  }
0x152: {  	s30 =	simm.s32 $0xA;
	s31 =	simm.s32 $0x0;
	v13 =	vmov s0;
	v14 =	vor.u32 v14, v12  }
.LBB2_9:
0x153: {  	v15 =	vor.u32 $0x2F40, v0  }
0x154: {  	v17 =	vor.u32 $0x2F41, v0;
	v16 =	vadd.s32 s31, v15  }
0x155: {  	v18 =	vadd.s32 s31, v17;
	_ =	sdelay $0x3  }
0x156: {  	v16 =	vld.idx.msk [tilespmem:v16+s15+$0x0], $0xffff  }
0x157: {  	v18 =	vld.idx.msk [tilespmem:v18+s15+$0x0], $0xffff;
	_ =	sdelay $0x3  }
0x158: {  	v19 =	vand.u32 $0xFFFFFFF8, v16  }
0x159: {  	v16 =	vand.u32 $0x7, v16;
	v20 =	vand.u32 $0xFFFFFFF8, v18;
	v19 =	vadd.s32 v13, v19  }
0x15a: {  	v18 =	vand.u32 $0x7, v18;
	v35 =	vadd.s32 v13, v20;
	v16 =	vor.u32 v16, v19  }
0x15b: {  	s0 =	sadd.s32 $0xFFFFFFF6, s30;
	v18 =	vor.u32 v18, v35  }
0x15c: {  	v36 =	vmov s0  }
0x15d: {  	v19 =	vshll.u32 v36, $0x7  }
0x15e: {  	v19 =	vor.u32 v4, v19  }
0x15f: {  	v19 =	vor.u32 v14, v19;
	v16 =	vld.idx.msk [tilespmem:v16+s13+$0x0], $0xffff  }
0x160: {  	s0 =	sadd.s32 $0x20, s31;
	v18 =	vld.idx.msk [tilespmem:v18+s13+$0x0], $0xffff  }
0x161: {  	v37 =	vadd.s32 s0, v15  }
0x162: {  	v21 =	vadd.s32 s0, v17;
	_ =	sdelay $0x1  }
0x163: {  	[tilespmem:v19+s19+$0x0] =	vst.idx.msk $0xffff, v16  }
0x164: {  	[tilespmem:v19+s20+$0x0] =	vst.idx.msk $0xffff, v18  }
0x165: {  	v16 =	vld.idx.msk [tilespmem:v37+s15+$0x0], $0xffff  }
0x166: {  	v18 =	vld.idx.msk [tilespmem:v21+s15+$0x0], $0xffff;
	_ =	sdelay $0x3  }
0x167: {  	v38 =	vand.u32 $0xFFFFFFF8, v16  }
0x168: {  	v16 =	vand.u32 $0x7, v16;
	v39 =	vand.u32 $0xFFFFFFF8, v18;
	v19 =	vadd.s32 v13, v38  }
0x169: {  	v18 =	vand.u32 $0x7, v18;
	v40 =	vadd.s32 v13, v39;
	v16 =	vor.u32 v16, v19  }
0x16a: {  	s0 =	sadd.s32 $0xFFFFFFF8, s30;
	v18 =	vor.u32 v18, v40  }
0x16b: {  	v41 =	vmov s0  }
0x16c: {  	v19 =	vshll.u32 v41, $0x7  }
0x16d: {  	v19 =	vor.u32 v4, v19  }
0x16e: {  	v19 =	vor.u32 v14, v19;
	v16 =	vld.idx.msk [tilespmem:v16+s13+$0x0], $0xffff  }
0x16f: {  	s0 =	sadd.s32 $0x40, s31;
	v18 =	vld.idx.msk [tilespmem:v18+s13+$0x0], $0xffff  }
0x170: {  	v42 =	vadd.s32 s0, v15  }
0x171: {  	v43 =	vadd.s32 s0, v17;
	_ =	sdelay $0x1  }
0x172: {  	[tilespmem:v19+s19+$0x0] =	vst.idx.msk $0xffff, v16  }
0x173: {  	[tilespmem:v19+s20+$0x0] =	vst.idx.msk $0xffff, v18  }
0x174: {  	v16 =	vld.idx.msk [tilespmem:v42+s15+$0x0], $0xffff  }
0x175: {  	v18 =	vld.idx.msk [tilespmem:v43+s15+$0x0], $0xffff;
	_ =	sdelay $0x3  }
0x176: {  	v44 =	vand.u32 $0xFFFFFFF8, v16  }
0x177: {  	v16 =	vand.u32 $0x7, v16;
	v45 =	vand.u32 $0xFFFFFFF8, v18;
	v19 =	vadd.s32 v13, v44  }
0x178: {  	v18 =	vand.u32 $0x7, v18;
	v46 =	vadd.s32 v13, v45;
	v16 =	vor.u32 v16, v19  }
0x179: {  	s0 =	sadd.s32 $0xFFFFFFFA, s30;
	v18 =	vor.u32 v18, v46  }
0x17a: {  	v47 =	vmov s0  }
0x17b: {  	v19 =	vshll.u32 v47, $0x7  }
0x17c: {  	v19 =	vor.u32 v4, v19  }
0x17d: {  	v19 =	vor.u32 v14, v19;
	v16 =	vld.idx.msk [tilespmem:v16+s13+$0x0], $0xffff  }
0x17e: {  	s0 =	sadd.s32 $0x60, s31;
	v18 =	vld.idx.msk [tilespmem:v18+s13+$0x0], $0xffff  }
0x17f: {  	v48 =	vadd.s32 s0, v15  }
0x180: {  	v49 =	vadd.s32 s0, v17;
	_ =	sdelay $0x1  }
0x181: {  	[tilespmem:v19+s19+$0x0] =	vst.idx.msk $0xffff, v16  }
0x182: {  	[tilespmem:v19+s20+$0x0] =	vst.idx.msk $0xffff, v18  }
0x183: {  	v16 =	vld.idx.msk [tilespmem:v48+s15+$0x0], $0xffff  }
0x184: {  	v18 =	vld.idx.msk [tilespmem:v49+s15+$0x0], $0xffff;
	_ =	sdelay $0x3  }
0x185: {  	v50 =	vand.u32 $0xFFFFFFF8, v16  }
0x186: {  	v16 =	vand.u32 $0x7, v16;
	v51 =	vand.u32 $0xFFFFFFF8, v18;
	v19 =	vadd.s32 v13, v50  }
0x187: {  	v18 =	vand.u32 $0x7, v18;
	v52 =	vadd.s32 v13, v51;
	v16 =	vor.u32 v16, v19  }
0x188: {  	s0 =	sadd.s32 $0xFFFFFFFC, s30;
	v18 =	vor.u32 v18, v52  }
0x189: {  	v53 =	vmov s0  }
0x18a: {  	v19 =	vshll.u32 v53, $0x7  }
0x18b: {  	v19 =	vor.u32 v4, v19  }
0x18c: {  	v19 =	vor.u32 v14, v19;
	v16 =	vld.idx.msk [tilespmem:v16+s13+$0x0], $0xffff  }
0x18d: {  	s0 =	sadd.s32 $0x80, s31;
	v18 =	vld.idx.msk [tilespmem:v18+s13+$0x0], $0xffff  }
0x18e: {  	v54 =	vadd.s32 s0, v15  }
0x18f: {  	v55 =	vadd.s32 s0, v17;
	_ =	sdelay $0x1  }
0x190: {  	[tilespmem:v19+s19+$0x0] =	vst.idx.msk $0xffff, v16  }
0x191: {  	[tilespmem:v19+s20+$0x0] =	vst.idx.msk $0xffff, v18  }
0x192: {  	v16 =	vld.idx.msk [tilespmem:v54+s15+$0x0], $0xffff  }
0x193: {  	v18 =	vld.idx.msk [tilespmem:v55+s15+$0x0], $0xffff;
	_ =	sdelay $0x3  }
0x194: {  	v56 =	vand.u32 $0xFFFFFFF8, v16  }
0x195: {  	v16 =	vand.u32 $0x7, v16;
	v57 =	vand.u32 $0xFFFFFFF8, v18;
	v19 =	vadd.s32 v13, v56  }
0x196: {  	v18 =	vand.u32 $0x7, v18;
	v58 =	vadd.s32 v13, v57;
	v16 =	vor.u32 v16, v19  }
0x197: {  	s0 =	sadd.s32 $0xFFFFFFFE, s30;
	v18 =	vor.u32 v18, v58  }
0x198: {  	v59 =	vmov s0  }
0x199: {  	v19 =	vshll.u32 v59, $0x7  }
0x19a: {  	v19 =	vor.u32 v4, v19  }
0x19b: {  	v19 =	vor.u32 v14, v19;
	v16 =	vld.idx.msk [tilespmem:v16+s13+$0x0], $0xffff  }
0x19c: {  	s0 =	sadd.s32 $0xA0, s31;
	v18 =	vld.idx.msk [tilespmem:v18+s13+$0x0], $0xffff  }
0x19d: {  	v15 =	vadd.s32 s0, v15  }
0x19e: {  	v17 =	vadd.s32 s0, v17;
	_ =	sdelay $0x1  }
0x19f: {  	[tilespmem:v19+s19+$0x0] =	vst.idx.msk $0xffff, v16  }
0x1a0: {  	[tilespmem:v19+s20+$0x0] =	vst.idx.msk $0xffff, v18  }
0x1a1: {  	v15 =	vld.idx.msk [tilespmem:v15+s15+$0x0], $0xffff  }
0x1a2: {  	v16 =	vld.idx.msk [tilespmem:v17+s15+$0x0], $0xffff;
	_ =	sdelay $0x3  }
0x1a3: {  	v60 =	vand.u32 $0xFFFFFFF8, v15  }
0x1a4: {  	v15 =	vand.u32 $0x7, v15;
	v61 =	vand.u32 $0xFFFFFFF8, v16;
	v17 =	vadd.s32 v13, v60  }
0x1a5: {  	v16 =	vand.u32 $0x7, v16;
	v62 =	vadd.s32 v13, v61;
	v15 =	vor.u32 v15, v17  }
0x1a6: {  	v16 =	vor.u32 v16, v62  }
0x1a7: {  	v63 =	vmov s30  }
0x1a8: {  	v17 =	vshll.u32 v63, $0x7  }
0x1a9: {  	v17 =	vor.u32 v4, v17  }
0x1aa: {  	v17 =	vor.u32 v14, v17;
	v15 =	vld.idx.msk [tilespmem:v15+s13+$0x0], $0xffff  }
0x1ab: {  	p0 =	sne.s32 s30, $0xFA;
	v16 =	vld.idx.msk [tilespmem:v16+s13+$0x0], $0xffff  }
.Ltmp7:
0x1ac: {  	_ = 	snop;
	(pc) =	sbr.rel @p0 .LBB2_9-.Ltmp7, $3  }
0x1ad: {  	_ =	sdelay $0x1  }
0x1ae: {  	[tilespmem:v17+s19+$0x0] =	vst.idx.msk $0xffff, v15  }
0x1af: {  	s30 =	sadd.s32 $0xC, s30;
	s31 =	sadd.s32 $0xC0, s31;
	[tilespmem:v17+s20+$0x0] =	vst.idx.msk $0xffff, v16  }
0x1b0: {  	p0 =	seq.s32 s24, $0xF  }
0x1b1: {  	s0 =	sadd.s32 @!p0 $0x90, s29;
	s29 =	simm.s32 @!p0 $0x4;
	s30 =	simm.s32 @!p0 $0x2180  }
0x1b2: {  	[tilespmem:s30], [sflag:$0x2] =	stream.indirect.gather @!p0 [hbm4b:s5+s29], $0xFC0, s0, s29, $0xb8;
	[tilespmem:$0x19B80] =	vst v63  }
0x1b3: {  	_ =	swait.ge [sflag:s21], $0x3F00  }
0x1b4: {  	s31 =	sor.u32 $0x100, s28;
	v14 =	vor.u32 $0x4, v1;
	[sflag:s21] =	ssyncset.done $0x0  }
0x1b5: {  	v13 =	vmov s31;
	v14 =	vor.u32 v14, v12;
	s29 =	simm.s32 $0xA;
	s30 =	simm.s32 $0x0;
	[sflag:s21] =	ssyncadd.s32 $0xFFFFC100  }
.LBB2_11:
0x1b6: {  	v15 =	vor.u32 $0x3F00, v0  }
0x1b7: {  	v17 =	vor.u32 $0x3F01, v0;
	v16 =	vadd.s32 s30, v15  }
0x1b8: {  	v18 =	vadd.s32 s30, v17;
	_ =	sdelay $0x3  }
0x1b9: {  	v16 =	vld.idx.msk [tilespmem:v16+s15+$0x0], $0xffff  }
0x1ba: {  	v18 =	vld.idx.msk [tilespmem:v18+s15+$0x0], $0xffff;
	_ =	sdelay $0x3  }
0x1bb: {  	v19 =	vand.u32 $0xFFFFFFF8, v16  }
0x1bc: {  	v16 =	vand.u32 $0x7, v16;
	v20 =	vand.u32 $0xFFFFFFF8, v18;
	v19 =	vadd.s32 v13, v19  }
0x1bd: {  	v18 =	vand.u32 $0x7, v18;
	v35 =	vadd.s32 v13, v20;
	v16 =	vor.u32 v16, v19  }
0x1be: {  	s0 =	sadd.s32 $0xFFFFFFF6, s29;
	v18 =	vor.u32 v18, v35  }
0x1bf: {  	v36 =	vmov s0  }
0x1c0: {  	v19 =	vshll.u32 v36, $0x7  }
0x1c1: {  	v19 =	vor.u32 v4, v19  }
0x1c2: {  	v19 =	vor.u32 v14, v19;
	v16 =	vld.idx.msk [tilespmem:v16+s13+$0x0], $0xffff  }
0x1c3: {  	s31 =	sadd.s32 $0x20, s30;
	v18 =	vld.idx.msk [tilespmem:v18+s13+$0x0], $0xffff  }
0x1c4: {  	v37 =	vadd.s32 s31, v15  }
0x1c5: {  	v21 =	vadd.s32 s31, v17;
	_ =	sdelay $0x1  }
0x1c6: {  	[tilespmem:v19+s19+$0x0] =	vst.idx.msk $0xffff, v16  }
0x1c7: {  	[tilespmem:v19+s20+$0x0] =	vst.idx.msk $0xffff, v18  }
0x1c8: {  	v16 =	vld.idx.msk [tilespmem:v37+s15+$0x0], $0xffff  }
0x1c9: {  	v18 =	vld.idx.msk [tilespmem:v21+s15+$0x0], $0xffff;
	_ =	sdelay $0x3  }
0x1ca: {  	v38 =	vand.u32 $0xFFFFFFF8, v16  }
0x1cb: {  	v16 =	vand.u32 $0x7, v16;
	v39 =	vand.u32 $0xFFFFFFF8, v18;
	v19 =	vadd.s32 v13, v38  }
0x1cc: {  	v18 =	vand.u32 $0x7, v18;
	v40 =	vadd.s32 v13, v39;
	v16 =	vor.u32 v16, v19  }
0x1cd: {  	s31 =	sadd.s32 $0xFFFFFFF8, s29;
	v18 =	vor.u32 v18, v40  }
0x1ce: {  	v41 =	vmov s31  }
0x1cf: {  	v19 =	vshll.u32 v41, $0x7  }
0x1d0: {  	v19 =	vor.u32 v4, v19  }
0x1d1: {  	v19 =	vor.u32 v14, v19;
	v16 =	vld.idx.msk [tilespmem:v16+s13+$0x0], $0xffff  }
0x1d2: {  	s31 =	sadd.s32 $0x40, s30;
	v18 =	vld.idx.msk [tilespmem:v18+s13+$0x0], $0xffff  }
0x1d3: {  	v42 =	vadd.s32 s31, v15  }
0x1d4: {  	v43 =	vadd.s32 s31, v17;
	_ =	sdelay $0x1  }
0x1d5: {  	[tilespmem:v19+s19+$0x0] =	vst.idx.msk $0xffff, v16  }
0x1d6: {  	[tilespmem:v19+s20+$0x0] =	vst.idx.msk $0xffff, v18  }
0x1d7: {  	v16 =	vld.idx.msk [tilespmem:v42+s15+$0x0], $0xffff  }
0x1d8: {  	v18 =	vld.idx.msk [tilespmem:v43+s15+$0x0], $0xffff;
	_ =	sdelay $0x3  }
0x1d9: {  	v44 =	vand.u32 $0xFFFFFFF8, v16  }
0x1da: {  	v16 =	vand.u32 $0x7, v16;
	v45 =	vand.u32 $0xFFFFFFF8, v18;
	v19 =	vadd.s32 v13, v44  }
0x1db: {  	v18 =	vand.u32 $0x7, v18;
	v46 =	vadd.s32 v13, v45;
	v16 =	vor.u32 v16, v19  }
0x1dc: {  	s31 =	sadd.s32 $0xFFFFFFFA, s29;
	v18 =	vor.u32 v18, v46  }
0x1dd: {  	v47 =	vmov s31  }
0x1de: {  	v19 =	vshll.u32 v47, $0x7  }
0x1df: {  	v19 =	vor.u32 v4, v19  }
0x1e0: {  	v19 =	vor.u32 v14, v19;
	v16 =	vld.idx.msk [tilespmem:v16+s13+$0x0], $0xffff  }
0x1e1: {  	s31 =	sadd.s32 $0x60, s30;
	v18 =	vld.idx.msk [tilespmem:v18+s13+$0x0], $0xffff  }
0x1e2: {  	v48 =	vadd.s32 s31, v15  }
0x1e3: {  	v49 =	vadd.s32 s31, v17;
	_ =	sdelay $0x1  }
0x1e4: {  	[tilespmem:v19+s19+$0x0] =	vst.idx.msk $0xffff, v16  }
0x1e5: {  	[tilespmem:v19+s20+$0x0] =	vst.idx.msk $0xffff, v18  }
0x1e6: {  	v16 =	vld.idx.msk [tilespmem:v48+s15+$0x0], $0xffff  }
0x1e7: {  	v18 =	vld.idx.msk [tilespmem:v49+s15+$0x0], $0xffff;
	_ =	sdelay $0x3  }
0x1e8: {  	v50 =	vand.u32 $0xFFFFFFF8, v16  }
0x1e9: {  	v16 =	vand.u32 $0x7, v16;
	v51 =	vand.u32 $0xFFFFFFF8, v18;
	v19 =	vadd.s32 v13, v50  }
0x1ea: {  	v18 =	vand.u32 $0x7, v18;
	v52 =	vadd.s32 v13, v51;
	v16 =	vor.u32 v16, v19  }
0x1eb: {  	s31 =	sadd.s32 $0xFFFFFFFC, s29;
	v18 =	vor.u32 v18, v52  }
0x1ec: {  	v53 =	vmov s31  }
0x1ed: {  	v19 =	vshll.u32 v53, $0x7  }
0x1ee: {  	v19 =	vor.u32 v4, v19  }
0x1ef: {  	v19 =	vor.u32 v14, v19;
	v16 =	vld.idx.msk [tilespmem:v16+s13+$0x0], $0xffff  }
0x1f0: {  	s31 =	sadd.s32 $0x80, s30;
	v18 =	vld.idx.msk [tilespmem:v18+s13+$0x0], $0xffff  }
0x1f1: {  	v54 =	vadd.s32 s31, v15  }
0x1f2: {  	v55 =	vadd.s32 s31, v17;
	_ =	sdelay $0x1  }
0x1f3: {  	[tilespmem:v19+s19+$0x0] =	vst.idx.msk $0xffff, v16  }
0x1f4: {  	[tilespmem:v19+s20+$0x0] =	vst.idx.msk $0xffff, v18  }
0x1f5: {  	v16 =	vld.idx.msk [tilespmem:v54+s15+$0x0], $0xffff  }
0x1f6: {  	v18 =	vld.idx.msk [tilespmem:v55+s15+$0x0], $0xffff;
	_ =	sdelay $0x3  }
0x1f7: {  	v56 =	vand.u32 $0xFFFFFFF8, v16  }
0x1f8: {  	v16 =	vand.u32 $0x7, v16;
	v57 =	vand.u32 $0xFFFFFFF8, v18;
	v19 =	vadd.s32 v13, v56  }
0x1f9: {  	v18 =	vand.u32 $0x7, v18;
	v58 =	vadd.s32 v13, v57;
	v16 =	vor.u32 v16, v19  }
0x1fa: {  	s31 =	sadd.s32 $0xFFFFFFFE, s29;
	v18 =	vor.u32 v18, v58  }
0x1fb: {  	v59 =	vmov s31  }
0x1fc: {  	v19 =	vshll.u32 v59, $0x7  }
0x1fd: {  	v19 =	vor.u32 v4, v19  }
0x1fe: {  	v19 =	vor.u32 v14, v19;
	v16 =	vld.idx.msk [tilespmem:v16+s13+$0x0], $0xffff  }
0x1ff: {  	s31 =	sadd.s32 $0xA0, s30;
	v18 =	vld.idx.msk [tilespmem:v18+s13+$0x0], $0xffff  }
0x200: {  	v15 =	vadd.s32 s31, v15  }
0x201: {  	v17 =	vadd.s32 s31, v17;
	_ =	sdelay $0x1  }
0x202: {  	[tilespmem:v19+s19+$0x0] =	vst.idx.msk $0xffff, v16  }
0x203: {  	[tilespmem:v19+s20+$0x0] =	vst.idx.msk $0xffff, v18  }
0x204: {  	v15 =	vld.idx.msk [tilespmem:v15+s15+$0x0], $0xffff  }
0x205: {  	v16 =	vld.idx.msk [tilespmem:v17+s15+$0x0], $0xffff;
	_ =	sdelay $0x3  }
0x206: {  	v60 =	vand.u32 $0xFFFFFFF8, v15  }
0x207: {  	v15 =	vand.u32 $0x7, v15;
	v61 =	vand.u32 $0xFFFFFFF8, v16;
	v17 =	vadd.s32 v13, v60  }
0x208: {  	v16 =	vand.u32 $0x7, v16;
	v62 =	vadd.s32 v13, v61;
	v15 =	vor.u32 v15, v17  }
0x209: {  	v16 =	vor.u32 v16, v62  }
0x20a: {  	v63 =	vmov s29  }
0x20b: {  	v17 =	vshll.u32 v63, $0x7  }
0x20c: {  	v17 =	vor.u32 v4, v17  }
0x20d: {  	v17 =	vor.u32 v14, v17;
	v15 =	vld.idx.msk [tilespmem:v15+s13+$0x0], $0xffff  }
0x20e: {  	p0 =	sne.s32 s29, $0xFA;
	v16 =	vld.idx.msk [tilespmem:v16+s13+$0x0], $0xffff  }
.Ltmp8:
0x20f: {  	_ = 	snop;
	(pc) =	sbr.rel @p0 .LBB2_11-.Ltmp8, $3  }
0x210: {  	_ =	sdelay $0x1  }
0x211: {  	[tilespmem:v17+s19+$0x0] =	vst.idx.msk $0xffff, v15  }
0x212: {  	s29 =	sadd.s32 $0xC, s29;
	s30 =	sadd.s32 $0xC0, s30;
	[tilespmem:v17+s20+$0x0] =	vst.idx.msk $0xffff, v16  }
0x213: {  	s0 =	sor.u32 $0x140, s28;
	v14 =	vor.u32 $0x5, v1  }
0x214: {  	s29 =	simm.s32 $0xA;
	s30 =	simm.s32 $0x0;
	v13 =	vmov s0;
	v14 =	vor.u32 v14, v12  }
.LBB2_13:
0x215: {  	v15 =	vor.u32 $0x4EC0, v0  }
0x216: {  	v17 =	vor.u32 $0x4EC1, v0;
	v16 =	vadd.s32 s30, v15  }
0x217: {  	v18 =	vadd.s32 s30, v17;
	_ =	sdelay $0x3  }
0x218: {  	v16 =	vld.idx.msk [tilespmem:v16+s15+$0x0], $0xffff  }
0x219: {  	v18 =	vld.idx.msk [tilespmem:v18+s15+$0x0], $0xffff;
	_ =	sdelay $0x3  }
0x21a: {  	v19 =	vand.u32 $0xFFFFFFF8, v16  }
0x21b: {  	v16 =	vand.u32 $0x7, v16;
	v20 =	vand.u32 $0xFFFFFFF8, v18;
	v19 =	vadd.s32 v13, v19  }
0x21c: {  	v18 =	vand.u32 $0x7, v18;
	v35 =	vadd.s32 v13, v20;
	v16 =	vor.u32 v16, v19  }
0x21d: {  	s0 =	sadd.s32 $0xFFFFFFF6, s29;
	v18 =	vor.u32 v18, v35  }
0x21e: {  	v36 =	vmov s0  }
0x21f: {  	v19 =	vshll.u32 v36, $0x7  }
0x220: {  	v19 =	vor.u32 v4, v19  }
0x221: {  	v19 =	vor.u32 v14, v19;
	v16 =	vld.idx.msk [tilespmem:v16+s13+$0x0], $0xffff  }
0x222: {  	s31 =	sadd.s32 $0x20, s30;
	v18 =	vld.idx.msk [tilespmem:v18+s13+$0x0], $0xffff  }
0x223: {  	v37 =	vadd.s32 s31, v15  }
0x224: {  	v21 =	vadd.s32 s31, v17;
	_ =	sdelay $0x1  }
0x225: {  	[tilespmem:v19+s19+$0x0] =	vst.idx.msk $0xffff, v16  }
0x226: {  	[tilespmem:v19+s20+$0x0] =	vst.idx.msk $0xffff, v18  }
0x227: {  	v16 =	vld.idx.msk [tilespmem:v37+s15+$0x0], $0xffff  }
0x228: {  	v18 =	vld.idx.msk [tilespmem:v21+s15+$0x0], $0xffff;
	_ =	sdelay $0x3  }
0x229: {  	v38 =	vand.u32 $0xFFFFFFF8, v16  }
0x22a: {  	v16 =	vand.u32 $0x7, v16;
	v39 =	vand.u32 $0xFFFFFFF8, v18;
	v19 =	vadd.s32 v13, v38  }
0x22b: {  	v18 =	vand.u32 $0x7, v18;
	v40 =	vadd.s32 v13, v39;
	v16 =	vor.u32 v16, v19  }
0x22c: {  	s31 =	sadd.s32 $0xFFFFFFF8, s29;
	v18 =	vor.u32 v18, v40  }
0x22d: {  	v41 =	vmov s31  }
0x22e: {  	v19 =	vshll.u32 v41, $0x7  }
0x22f: {  	v19 =	vor.u32 v4, v19  }
0x230: {  	v19 =	vor.u32 v14, v19;
	v16 =	vld.idx.msk [tilespmem:v16+s13+$0x0], $0xffff  }
0x231: {  	s31 =	sadd.s32 $0x40, s30;
	v18 =	vld.idx.msk [tilespmem:v18+s13+$0x0], $0xffff  }
0x232: {  	v42 =	vadd.s32 s31, v15  }
0x233: {  	v43 =	vadd.s32 s31, v17;
	_ =	sdelay $0x1  }
0x234: {  	[tilespmem:v19+s19+$0x0] =	vst.idx.msk $0xffff, v16  }
0x235: {  	[tilespmem:v19+s20+$0x0] =	vst.idx.msk $0xffff, v18  }
0x236: {  	v16 =	vld.idx.msk [tilespmem:v42+s15+$0x0], $0xffff  }
0x237: {  	v18 =	vld.idx.msk [tilespmem:v43+s15+$0x0], $0xffff;
	_ =	sdelay $0x3  }
0x238: {  	v44 =	vand.u32 $0xFFFFFFF8, v16  }
0x239: {  	v16 =	vand.u32 $0x7, v16;
	v45 =	vand.u32 $0xFFFFFFF8, v18;
	v19 =	vadd.s32 v13, v44  }
0x23a: {  	v18 =	vand.u32 $0x7, v18;
	v46 =	vadd.s32 v13, v45;
	v16 =	vor.u32 v16, v19  }
0x23b: {  	s31 =	sadd.s32 $0xFFFFFFFA, s29;
	v18 =	vor.u32 v18, v46  }
0x23c: {  	v47 =	vmov s31  }
0x23d: {  	v19 =	vshll.u32 v47, $0x7  }
0x23e: {  	v19 =	vor.u32 v4, v19  }
0x23f: {  	v19 =	vor.u32 v14, v19;
	v16 =	vld.idx.msk [tilespmem:v16+s13+$0x0], $0xffff  }
0x240: {  	s31 =	sadd.s32 $0x60, s30;
	v18 =	vld.idx.msk [tilespmem:v18+s13+$0x0], $0xffff  }
0x241: {  	v48 =	vadd.s32 s31, v15  }
0x242: {  	v49 =	vadd.s32 s31, v17;
	_ =	sdelay $0x1  }
0x243: {  	[tilespmem:v19+s19+$0x0] =	vst.idx.msk $0xffff, v16  }
0x244: {  	[tilespmem:v19+s20+$0x0] =	vst.idx.msk $0xffff, v18  }
0x245: {  	v16 =	vld.idx.msk [tilespmem:v48+s15+$0x0], $0xffff  }
0x246: {  	v18 =	vld.idx.msk [tilespmem:v49+s15+$0x0], $0xffff;
	_ =	sdelay $0x3  }
0x247: {  	v50 =	vand.u32 $0xFFFFFFF8, v16  }
0x248: {  	v16 =	vand.u32 $0x7, v16;
	v51 =	vand.u32 $0xFFFFFFF8, v18;
	v19 =	vadd.s32 v13, v50  }
0x249: {  	v18 =	vand.u32 $0x7, v18;
	v52 =	vadd.s32 v13, v51;
	v16 =	vor.u32 v16, v19  }
0x24a: {  	s31 =	sadd.s32 $0xFFFFFFFC, s29;
	v18 =	vor.u32 v18, v52  }
0x24b: {  	v53 =	vmov s31  }
0x24c: {  	v19 =	vshll.u32 v53, $0x7  }
0x24d: {  	v19 =	vor.u32 v4, v19  }
0x24e: {  	v19 =	vor.u32 v14, v19;
	v16 =	vld.idx.msk [tilespmem:v16+s13+$0x0], $0xffff  }
0x24f: {  	s31 =	sadd.s32 $0x80, s30;
	v18 =	vld.idx.msk [tilespmem:v18+s13+$0x0], $0xffff  }
0x250: {  	v54 =	vadd.s32 s31, v15  }
0x251: {  	v55 =	vadd.s32 s31, v17;
	_ =	sdelay $0x1  }
0x252: {  	[tilespmem:v19+s19+$0x0] =	vst.idx.msk $0xffff, v16  }
0x253: {  	[tilespmem:v19+s20+$0x0] =	vst.idx.msk $0xffff, v18  }
0x254: {  	v16 =	vld.idx.msk [tilespmem:v54+s15+$0x0], $0xffff  }
0x255: {  	v18 =	vld.idx.msk [tilespmem:v55+s15+$0x0], $0xffff;
	_ =	sdelay $0x3  }
0x256: {  	v56 =	vand.u32 $0xFFFFFFF8, v16  }
0x257: {  	v16 =	vand.u32 $0x7, v16;
	v57 =	vand.u32 $0xFFFFFFF8, v18;
	v19 =	vadd.s32 v13, v56  }
0x258: {  	v18 =	vand.u32 $0x7, v18;
	v58 =	vadd.s32 v13, v57;
	v16 =	vor.u32 v16, v19  }
0x259: {  	s31 =	sadd.s32 $0xFFFFFFFE, s29;
	v18 =	vor.u32 v18, v58  }
0x25a: {  	v59 =	vmov s31  }
0x25b: {  	v19 =	vshll.u32 v59, $0x7  }
0x25c: {  	v19 =	vor.u32 v4, v19  }
0x25d: {  	v19 =	vor.u32 v14, v19;
	v16 =	vld.idx.msk [tilespmem:v16+s13+$0x0], $0xffff  }
0x25e: {  	s31 =	sadd.s32 $0xA0, s30;
	v18 =	vld.idx.msk [tilespmem:v18+s13+$0x0], $0xffff  }
0x25f: {  	v15 =	vadd.s32 s31, v15  }
0x260: {  	v17 =	vadd.s32 s31, v17;
	_ =	sdelay $0x1  }
0x261: {  	[tilespmem:v19+s19+$0x0] =	vst.idx.msk $0xffff, v16  }
0x262: {  	[tilespmem:v19+s20+$0x0] =	vst.idx.msk $0xffff, v18  }
0x263: {  	v15 =	vld.idx.msk [tilespmem:v15+s15+$0x0], $0xffff  }
0x264: {  	v16 =	vld.idx.msk [tilespmem:v17+s15+$0x0], $0xffff;
	_ =	sdelay $0x3  }
0x265: {  	v60 =	vand.u32 $0xFFFFFFF8, v15  }
0x266: {  	v15 =	vand.u32 $0x7, v15;
	v61 =	vand.u32 $0xFFFFFFF8, v16;
	v17 =	vadd.s32 v13, v60  }
0x267: {  	v16 =	vand.u32 $0x7, v16;
	v62 =	vadd.s32 v13, v61;
	v15 =	vor.u32 v15, v17  }
0x268: {  	v16 =	vor.u32 v16, v62  }
0x269: {  	v63 =	vmov s29  }
0x26a: {  	v17 =	vshll.u32 v63, $0x7  }
0x26b: {  	v17 =	vor.u32 v4, v17  }
0x26c: {  	v17 =	vor.u32 v14, v17;
	v15 =	vld.idx.msk [tilespmem:v15+s13+$0x0], $0xffff  }
0x26d: {  	p0 =	sne.s32 s29, $0xFA;
	v16 =	vld.idx.msk [tilespmem:v16+s13+$0x0], $0xffff  }
.Ltmp9:
0x26e: {  	_ = 	snop;
	(pc) =	sbr.rel @p0 .LBB2_13-.Ltmp9, $3  }
0x26f: {  	_ =	sdelay $0x1  }
0x270: {  	[tilespmem:v17+s19+$0x0] =	vst.idx.msk $0xffff, v15  }
0x271: {  	s29 =	sadd.s32 $0xC, s29;
	s30 =	sadd.s32 $0xC0, s30;
	[tilespmem:v17+s20+$0x0] =	vst.idx.msk $0xffff, v16  }
0x272: {  	s0 =	sor.u32 $0x180, s28;
	v14 =	vor.u32 $0x6, v1  }
0x273: {  	s29 =	simm.s32 $0xA;
	s30 =	simm.s32 $0x0;
	v13 =	vmov s0;
	v12 =	vor.u32 v14, v12  }
.LBB2_15:
0x274: {  	v14 =	vor.u32 $0x5E80, v0  }
0x275: {  	v16 =	vor.u32 $0x5E81, v0;
	v15 =	vadd.s32 s30, v14  }
0x276: {  	v17 =	vadd.s32 s30, v16;
	_ =	sdelay $0x3  }
0x277: {  	v15 =	vld.idx.msk [tilespmem:v15+s15+$0x0], $0xffff  }
0x278: {  	v17 =	vld.idx.msk [tilespmem:v17+s15+$0x0], $0xffff;
	_ =	sdelay $0x3  }
0x279: {  	v18 =	vand.u32 $0xFFFFFFF8, v15  }
0x27a: {  	v15 =	vand.u32 $0x7, v15;
	v19 =	vand.u32 $0xFFFFFFF8, v17;
	v18 =	vadd.s32 v13, v18  }
0x27b: {  	v17 =	vand.u32 $0x7, v17;
	v35 =	vadd.s32 v13, v19;
	v15 =	vor.u32 v15, v18  }
0x27c: {  	s0 =	sadd.s32 $0xFFFFFFF6, s29;
	v17 =	vor.u32 v17, v35  }
0x27d: {  	v36 =	vmov s0  }
0x27e: {  	v18 =	vshll.u32 v36, $0x7  }
0x27f: {  	v18 =	vor.u32 v4, v18  }
0x280: {  	v18 =	vor.u32 v12, v18;
	v15 =	vld.idx.msk [tilespmem:v15+s13+$0x0], $0xffff  }
0x281: {  	s31 =	sadd.s32 $0x20, s30;
	v17 =	vld.idx.msk [tilespmem:v17+s13+$0x0], $0xffff  }
0x282: {  	v37 =	vadd.s32 s31, v14  }
0x283: {  	v20 =	vadd.s32 s31, v16;
	_ =	sdelay $0x1  }
0x284: {  	[tilespmem:v18+s19+$0x0] =	vst.idx.msk $0xffff, v15  }
0x285: {  	[tilespmem:v18+s20+$0x0] =	vst.idx.msk $0xffff, v17  }
0x286: {  	v15 =	vld.idx.msk [tilespmem:v37+s15+$0x0], $0xffff  }
0x287: {  	v17 =	vld.idx.msk [tilespmem:v20+s15+$0x0], $0xffff;
	_ =	sdelay $0x3  }
0x288: {  	v38 =	vand.u32 $0xFFFFFFF8, v15  }
0x289: {  	v15 =	vand.u32 $0x7, v15;
	v39 =	vand.u32 $0xFFFFFFF8, v17;
	v18 =	vadd.s32 v13, v38  }
0x28a: {  	v17 =	vand.u32 $0x7, v17;
	v40 =	vadd.s32 v13, v39;
	v15 =	vor.u32 v15, v18  }
0x28b: {  	s31 =	sadd.s32 $0xFFFFFFF8, s29;
	v17 =	vor.u32 v17, v40  }
0x28c: {  	v41 =	vmov s31  }
0x28d: {  	v18 =	vshll.u32 v41, $0x7  }
0x28e: {  	v18 =	vor.u32 v4, v18  }
0x28f: {  	v18 =	vor.u32 v12, v18;
	v15 =	vld.idx.msk [tilespmem:v15+s13+$0x0], $0xffff  }
0x290: {  	s31 =	sadd.s32 $0x40, s30;
	v17 =	vld.idx.msk [tilespmem:v17+s13+$0x0], $0xffff  }
0x291: {  	v42 =	vadd.s32 s31, v14  }
0x292: {  	v43 =	vadd.s32 s31, v16;
	_ =	sdelay $0x1  }
0x293: {  	[tilespmem:v18+s19+$0x0] =	vst.idx.msk $0xffff, v15  }
0x294: {  	[tilespmem:v18+s20+$0x0] =	vst.idx.msk $0xffff, v17  }
0x295: {  	v15 =	vld.idx.msk [tilespmem:v42+s15+$0x0], $0xffff  }
0x296: {  	v17 =	vld.idx.msk [tilespmem:v43+s15+$0x0], $0xffff;
	_ =	sdelay $0x3  }
0x297: {  	v44 =	vand.u32 $0xFFFFFFF8, v15  }
0x298: {  	v15 =	vand.u32 $0x7, v15;
	v45 =	vand.u32 $0xFFFFFFF8, v17;
	v18 =	vadd.s32 v13, v44  }
0x299: {  	v17 =	vand.u32 $0x7, v17;
	v46 =	vadd.s32 v13, v45;
	v15 =	vor.u32 v15, v18  }
0x29a: {  	s31 =	sadd.s32 $0xFFFFFFFA, s29;
	v17 =	vor.u32 v17, v46  }
0x29b: {  	v47 =	vmov s31  }
0x29c: {  	v18 =	vshll.u32 v47, $0x7  }
0x29d: {  	v18 =	vor.u32 v4, v18  }
0x29e: {  	v18 =	vor.u32 v12, v18;
	v15 =	vld.idx.msk [tilespmem:v15+s13+$0x0], $0xffff  }
0x29f: {  	s31 =	sadd.s32 $0x60, s30;
	v17 =	vld.idx.msk [tilespmem:v17+s13+$0x0], $0xffff  }
0x2a0: {  	v48 =	vadd.s32 s31, v14  }
0x2a1: {  	v49 =	vadd.s32 s31, v16;
	_ =	sdelay $0x1  }
0x2a2: {  	[tilespmem:v18+s19+$0x0] =	vst.idx.msk $0xffff, v15  }
0x2a3: {  	[tilespmem:v18+s20+$0x0] =	vst.idx.msk $0xffff, v17  }
0x2a4: {  	v15 =	vld.idx.msk [tilespmem:v48+s15+$0x0], $0xffff  }
0x2a5: {  	v17 =	vld.idx.msk [tilespmem:v49+s15+$0x0], $0xffff;
	_ =	sdelay $0x3  }
0x2a6: {  	v50 =	vand.u32 $0xFFFFFFF8, v15  }
0x2a7: {  	v15 =	vand.u32 $0x7, v15;
	v51 =	vand.u32 $0xFFFFFFF8, v17;
	v18 =	vadd.s32 v13, v50  }
0x2a8: {  	v17 =	vand.u32 $0x7, v17;
	v52 =	vadd.s32 v13, v51;
	v15 =	vor.u32 v15, v18  }
0x2a9: {  	s31 =	sadd.s32 $0xFFFFFFFC, s29;
	v17 =	vor.u32 v17, v52  }
0x2aa: {  	v53 =	vmov s31  }
0x2ab: {  	v18 =	vshll.u32 v53, $0x7  }
0x2ac: {  	v18 =	vor.u32 v4, v18  }
0x2ad: {  	v18 =	vor.u32 v12, v18;
	v15 =	vld.idx.msk [tilespmem:v15+s13+$0x0], $0xffff  }
0x2ae: {  	s31 =	sadd.s32 $0x80, s30;
	v17 =	vld.idx.msk [tilespmem:v17+s13+$0x0], $0xffff  }
0x2af: {  	v54 =	vadd.s32 s31, v14  }
0x2b0: {  	v55 =	vadd.s32 s31, v16;
	_ =	sdelay $0x1  }
0x2b1: {  	[tilespmem:v18+s19+$0x0] =	vst.idx.msk $0xffff, v15  }
0x2b2: {  	[tilespmem:v18+s20+$0x0] =	vst.idx.msk $0xffff, v17  }
0x2b3: {  	v15 =	vld.idx.msk [tilespmem:v54+s15+$0x0], $0xffff  }
0x2b4: {  	v17 =	vld.idx.msk [tilespmem:v55+s15+$0x0], $0xffff;
	_ =	sdelay $0x3  }
0x2b5: {  	v56 =	vand.u32 $0xFFFFFFF8, v15  }
0x2b6: {  	v15 =	vand.u32 $0x7, v15;
	v57 =	vand.u32 $0xFFFFFFF8, v17;
	v18 =	vadd.s32 v13, v56  }
0x2b7: {  	v17 =	vand.u32 $0x7, v17;
	v58 =	vadd.s32 v13, v57;
	v15 =	vor.u32 v15, v18  }
0x2b8: {  	s31 =	sadd.s32 $0xFFFFFFFE, s29;
	v17 =	vor.u32 v17, v58  }
0x2b9: {  	v59 =	vmov s31  }
0x2ba: {  	v18 =	vshll.u32 v59, $0x7  }
0x2bb: {  	v18 =	vor.u32 v4, v18  }
0x2bc: {  	v18 =	vor.u32 v12, v18;
	v15 =	vld.idx.msk [tilespmem:v15+s13+$0x0], $0xffff  }
0x2bd: {  	s31 =	sadd.s32 $0xA0, s30;
	v17 =	vld.idx.msk [tilespmem:v17+s13+$0x0], $0xffff  }
0x2be: {  	v14 =	vadd.s32 s31, v14  }
0x2bf: {  	v16 =	vadd.s32 s31, v16;
	_ =	sdelay $0x1  }
0x2c0: {  	[tilespmem:v18+s19+$0x0] =	vst.idx.msk $0xffff, v15  }
0x2c1: {  	[tilespmem:v18+s20+$0x0] =	vst.idx.msk $0xffff, v17  }
0x2c2: {  	v14 =	vld.idx.msk [tilespmem:v14+s15+$0x0], $0xffff  }
0x2c3: {  	v15 =	vld.idx.msk [tilespmem:v16+s15+$0x0], $0xffff;
	_ =	sdelay $0x3  }
0x2c4: {  	v60 =	vand.u32 $0xFFFFFFF8, v14  }
0x2c5: {  	v14 =	vand.u32 $0x7, v14;
	v61 =	vand.u32 $0xFFFFFFF8, v15;
	v16 =	vadd.s32 v13, v60  }
0x2c6: {  	v15 =	vand.u32 $0x7, v15;
	v62 =	vadd.s32 v13, v61;
	v14 =	vor.u32 v14, v16  }
0x2c7: {  	v15 =	vor.u32 v15, v62  }
0x2c8: {  	v63 =	vmov s29  }
0x2c9: {  	v16 =	vshll.u32 v63, $0x7  }
0x2ca: {  	v16 =	vor.u32 v4, v16  }
0x2cb: {  	v16 =	vor.u32 v12, v16;
	v14 =	vld.idx.msk [tilespmem:v14+s13+$0x0], $0xffff  }
0x2cc: {  	p0 =	sne.s32 s29, $0xFA;
	v15 =	vld.idx.msk [tilespmem:v15+s13+$0x0], $0xffff  }
.Ltmp10:
0x2cd: {  	_ = 	snop;
	(pc) =	sbr.rel @p0 .LBB2_15-.Ltmp10, $3  }
0x2ce: {  	_ =	sdelay $0x1  }
0x2cf: {  	[tilespmem:v16+s19+$0x0] =	vst.idx.msk $0xffff, v14  }
0x2d0: {  	s29 =	sadd.s32 $0xC, s29;
	s30 =	sadd.s32 $0xC0, s30;
	[tilespmem:v16+s20+$0x0] =	vst.idx.msk $0xffff, v15  }
0x2d1: {  	s0 =	sor.u32 $0x1C0, s28;
	v13 =	vor.u32 $0x7, v1  }
0x2d2: {  	s28 =	simm.s32 $0x0;
	v12 =	vmov s0;
	v13 =	vor.u32 s26, v13;
	s26 =	simm.s32 $0xA  }
.LBB2_17:
0x2d3: {  	v14 =	vor.u32 $0x6E40, v0  }
0x2d4: {  	v16 =	vor.u32 $0x6E41, v0;
	v15 =	vadd.s32 s28, v14  }
0x2d5: {  	v17 =	vadd.s32 s28, v16;
	_ =	sdelay $0x3  }
0x2d6: {  	v15 =	vld.idx.msk [tilespmem:v15+s15+$0x0], $0xffff  }
0x2d7: {  	v17 =	vld.idx.msk [tilespmem:v17+s15+$0x0], $0xffff;
	_ =	sdelay $0x3  }
0x2d8: {  	v18 =	vand.u32 $0xFFFFFFF8, v15  }
0x2d9: {  	v15 =	vand.u32 $0x7, v15;
	v19 =	vand.u32 $0xFFFFFFF8, v17;
	v18 =	vadd.s32 v12, v18  }
0x2da: {  	v17 =	vand.u32 $0x7, v17;
	v35 =	vadd.s32 v12, v19;
	v15 =	vor.u32 v15, v18  }
0x2db: {  	s0 =	sadd.s32 $0xFFFFFFF6, s26;
	v17 =	vor.u32 v17, v35  }
0x2dc: {  	v36 =	vmov s0  }
0x2dd: {  	v18 =	vshll.u32 v36, $0x7  }
0x2de: {  	v18 =	vor.u32 v4, v18  }
0x2df: {  	v18 =	vor.u32 v13, v18;
	v15 =	vld.idx.msk [tilespmem:v15+s13+$0x0], $0xffff  }
0x2e0: {  	s29 =	sadd.s32 $0x20, s28;
	v17 =	vld.idx.msk [tilespmem:v17+s13+$0x0], $0xffff  }
0x2e1: {  	v37 =	vadd.s32 s29, v14  }
0x2e2: {  	v20 =	vadd.s32 s29, v16;
	_ =	sdelay $0x1  }
0x2e3: {  	[tilespmem:v18+s19+$0x0] =	vst.idx.msk $0xffff, v15  }
0x2e4: {  	[tilespmem:v18+s20+$0x0] =	vst.idx.msk $0xffff, v17  }
0x2e5: {  	v15 =	vld.idx.msk [tilespmem:v37+s15+$0x0], $0xffff  }
0x2e6: {  	v17 =	vld.idx.msk [tilespmem:v20+s15+$0x0], $0xffff;
	_ =	sdelay $0x3  }
0x2e7: {  	v38 =	vand.u32 $0xFFFFFFF8, v15  }
0x2e8: {  	v15 =	vand.u32 $0x7, v15;
	v39 =	vand.u32 $0xFFFFFFF8, v17;
	v18 =	vadd.s32 v12, v38  }
0x2e9: {  	v17 =	vand.u32 $0x7, v17;
	v40 =	vadd.s32 v12, v39;
	v15 =	vor.u32 v15, v18  }
0x2ea: {  	s30 =	sadd.s32 $0xFFFFFFF8, s26;
	v17 =	vor.u32 v17, v40  }
0x2eb: {  	v41 =	vmov s30  }
0x2ec: {  	v18 =	vshll.u32 v41, $0x7  }
0x2ed: {  	v18 =	vor.u32 v4, v18  }
0x2ee: {  	v18 =	vor.u32 v13, v18;
	v15 =	vld.idx.msk [tilespmem:v15+s13+$0x0], $0xffff  }
0x2ef: {  	s31 =	sadd.s32 $0x40, s28;
	v17 =	vld.idx.msk [tilespmem:v17+s13+$0x0], $0xffff  }
0x2f0: {  	v42 =	vadd.s32 s31, v14  }
0x2f1: {  	v43 =	vadd.s32 s31, v16;
	_ =	sdelay $0x1  }
0x2f2: {  	[tilespmem:v18+s19+$0x0] =	vst.idx.msk $0xffff, v15  }
0x2f3: {  	[tilespmem:v18+s20+$0x0] =	vst.idx.msk $0xffff, v17  }
0x2f4: {  	v15 =	vld.idx.msk [tilespmem:v42+s15+$0x0], $0xffff  }
0x2f5: {  	v17 =	vld.idx.msk [tilespmem:v43+s15+$0x0], $0xffff;
	_ =	sdelay $0x3  }
0x2f6: {  	v44 =	vand.u32 $0xFFFFFFF8, v15  }
0x2f7: {  	v15 =	vand.u32 $0x7, v15;
	v45 =	vand.u32 $0xFFFFFFF8, v17;
	v18 =	vadd.s32 v12, v44  }
0x2f8: {  	v17 =	vand.u32 $0x7, v17;
	v46 =	vadd.s32 v12, v45;
	v15 =	vor.u32 v15, v18  }
0x2f9: {  	s29 =	sadd.s32 $0xFFFFFFFA, s26;
	v17 =	vor.u32 v17, v46  }
0x2fa: {  	v47 =	vmov s29  }
0x2fb: {  	v18 =	vshll.u32 v47, $0x7  }
0x2fc: {  	v18 =	vor.u32 v4, v18  }
0x2fd: {  	v18 =	vor.u32 v13, v18;
	v15 =	vld.idx.msk [tilespmem:v15+s13+$0x0], $0xffff  }
0x2fe: {  	s30 =	sadd.s32 $0x60, s28;
	v17 =	vld.idx.msk [tilespmem:v17+s13+$0x0], $0xffff  }
0x2ff: {  	v48 =	vadd.s32 s30, v14  }
0x300: {  	v49 =	vadd.s32 s30, v16;
	_ =	sdelay $0x1  }
0x301: {  	[tilespmem:v18+s19+$0x0] =	vst.idx.msk $0xffff, v15  }
0x302: {  	[tilespmem:v18+s20+$0x0] =	vst.idx.msk $0xffff, v17  }
0x303: {  	v15 =	vld.idx.msk [tilespmem:v48+s15+$0x0], $0xffff  }
0x304: {  	v17 =	vld.idx.msk [tilespmem:v49+s15+$0x0], $0xffff;
	_ =	sdelay $0x3  }
0x305: {  	v50 =	vand.u32 $0xFFFFFFF8, v15  }
0x306: {  	v15 =	vand.u32 $0x7, v15;
	v51 =	vand.u32 $0xFFFFFFF8, v17;
	v18 =	vadd.s32 v12, v50  }
0x307: {  	v17 =	vand.u32 $0x7, v17;
	v52 =	vadd.s32 v12, v51;
	v15 =	vor.u32 v15, v18  }
0x308: {  	s31 =	sadd.s32 $0xFFFFFFFC, s26;
	v17 =	vor.u32 v17, v52  }
0x309: {  	v53 =	vmov s31  }
0x30a: {  	v18 =	vshll.u32 v53, $0x7  }
0x30b: {  	v18 =	vor.u32 v4, v18  }
0x30c: {  	v18 =	vor.u32 v13, v18;
	v15 =	vld.idx.msk [tilespmem:v15+s13+$0x0], $0xffff  }
0x30d: {  	s29 =	sadd.s32 $0x80, s28;
	v17 =	vld.idx.msk [tilespmem:v17+s13+$0x0], $0xffff  }
0x30e: {  	v54 =	vadd.s32 s29, v14  }
0x30f: {  	v55 =	vadd.s32 s29, v16;
	_ =	sdelay $0x1  }
0x310: {  	[tilespmem:v18+s19+$0x0] =	vst.idx.msk $0xffff, v15  }
0x311: {  	[tilespmem:v18+s20+$0x0] =	vst.idx.msk $0xffff, v17  }
0x312: {  	v15 =	vld.idx.msk [tilespmem:v54+s15+$0x0], $0xffff  }
0x313: {  	v17 =	vld.idx.msk [tilespmem:v55+s15+$0x0], $0xffff;
	_ =	sdelay $0x3  }
0x314: {  	v56 =	vand.u32 $0xFFFFFFF8, v15  }
0x315: {  	v15 =	vand.u32 $0x7, v15;
	v57 =	vand.u32 $0xFFFFFFF8, v17;
	v18 =	vadd.s32 v12, v56  }
0x316: {  	v17 =	vand.u32 $0x7, v17;
	v58 =	vadd.s32 v12, v57;
	v15 =	vor.u32 v15, v18  }
0x317: {  	s30 =	sadd.s32 $0xFFFFFFFE, s26;
	v17 =	vor.u32 v17, v58  }
0x318: {  	v59 =	vmov s30  }
0x319: {  	v18 =	vshll.u32 v59, $0x7  }
0x31a: {  	v18 =	vor.u32 v4, v18  }
0x31b: {  	v18 =	vor.u32 v13, v18;
	v15 =	vld.idx.msk [tilespmem:v15+s13+$0x0], $0xffff  }
0x31c: {  	s31 =	sadd.s32 $0xA0, s28;
	v17 =	vld.idx.msk [tilespmem:v17+s13+$0x0], $0xffff  }
0x31d: {  	v14 =	vadd.s32 s31, v14  }
0x31e: {  	v16 =	vadd.s32 s31, v16;
	_ =	sdelay $0x1  }
0x31f: {  	[tilespmem:v18+s19+$0x0] =	vst.idx.msk $0xffff, v15  }
0x320: {  	[tilespmem:v18+s20+$0x0] =	vst.idx.msk $0xffff, v17  }
0x321: {  	v14 =	vld.idx.msk [tilespmem:v14+s15+$0x0], $0xffff  }
0x322: {  	v15 =	vld.idx.msk [tilespmem:v16+s15+$0x0], $0xffff;
	_ =	sdelay $0x3  }
0x323: {  	v60 =	vand.u32 $0xFFFFFFF8, v14  }
0x324: {  	v14 =	vand.u32 $0x7, v14;
	v61 =	vand.u32 $0xFFFFFFF8, v15;
	v16 =	vadd.s32 v12, v60  }
0x325: {  	v15 =	vand.u32 $0x7, v15;
	v62 =	vadd.s32 v12, v61;
	v14 =	vor.u32 v14, v16  }
0x326: {  	v15 =	vor.u32 v15, v62  }
0x327: {  	v63 =	vmov s26  }
0x328: {  	v16 =	vshll.u32 v63, $0x7  }
0x329: {  	v16 =	vor.u32 v4, v16  }
0x32a: {  	v16 =	vor.u32 v13, v16;
	v14 =	vld.idx.msk [tilespmem:v14+s13+$0x0], $0xffff  }
0x32b: {  	p0 =	sne.s32 s26, $0xFA;
	v15 =	vld.idx.msk [tilespmem:v15+s13+$0x0], $0xffff  }
.Ltmp11:
0x32c: {  	_ = 	snop;
	(pc) =	sbr.rel @p0 .LBB2_17-.Ltmp11, $3  }
0x32d: {  	_ =	sdelay $0x1  }
0x32e: {  	[tilespmem:v16+s19+$0x0] =	vst.idx.msk $0xffff, v14  }
0x32f: {  	s28 =	sadd.s32 $0xC0, s28;
	s26 =	sadd.s32 $0xC, s26;
	[tilespmem:v16+s20+$0x0] =	vst.idx.msk $0xffff, v15  }
0x330: {  	p0 =	seq.s32 s25, $0x0  }
.Ltmp12:
0x331: {  	_ = 	snop;
	(pc) =	sbr.rel @p0 .LBB2_23-.Ltmp12, $1  }
0x332: {  	_ =	sdelay $0x3  }
0x333: {  	s0 =	sand.u32 $0xE, s24  }
0x334: {  	s25 =	sor.u32 s9, s0  }
0x335: {  	s31 =	simm.s32 $0x9F80;
	s28 =	simm.s32 $0x200;
	s26 =	sadd.s32 s2, s25  }
0x336: {  	[hbm4b:s26+s22] =	stream.strided.scatter [tilespmem:s31], [sflag:$0x4], $0x80, s12, s22, $0x38;
	[tilespmem:$0x19B80] =	vst v63  }
.LBB2_20:
0x337: {  	p0 =	sne.s32 s28, $0x1F600  }
.Ltmp13:
0x338: {  	_ = 	snop;
	(pc) =	sbr.rel @p0 .LBB2_20-.Ltmp13, $4  }
0x339: {  	_ = 	snop  }
0x33a: {  	s0 =	sshra.s32 s28, $0x2;
	s28 =	sadd.s32 $0x200, s28  }
0x33b: {  	s26 =	sadd.s32 $0x1000, s26;
	s0 =	sadd.s32 $0x9F80, s0  }
0x33c: {  	[hbm4b:s26+s22] =	stream.strided.scatter [tilespmem:s0], [sflag:$0x4], $0x80, s12, s22, $0x38;
	[tilespmem:$0x19B80] =	vst v63  }
0x33d: {  	s25 =	sadd.s32 s3, s25;
	s0 =	simm.s32 $0x11D80;
	s26 =	simm.s32 $0x200  }
0x33e: {  	[hbm4b:s25+s22] =	stream.strided.scatter [tilespmem:s0], [sflag:$0x4], $0x80, s12, s22, $0x38;
	[tilespmem:$0x19B80] =	vst v63  }
.LBB2_22:
0x33f: {  	p0 =	sne.s32 s26, $0x1F600  }
.Ltmp14:
0x340: {  	_ = 	snop;
	(pc) =	sbr.rel @p0 .LBB2_22-.Ltmp14, $4  }
0x341: {  	_ = 	snop  }
0x342: {  	s0 =	sshra.s32 s26, $0x2;
	s26 =	sadd.s32 $0x200, s26  }
0x343: {  	s25 =	sadd.s32 $0x1000, s25;
	s0 =	sadd.s32 $0x11D80, s0  }
0x344: {  	[hbm4b:s25+s22] =	stream.strided.scatter [tilespmem:s0], [sflag:$0x4], $0x80, s12, s22, $0x38;
	[tilespmem:$0x19B80] =	vst v63  }
.Ltmp15:
0x345: {  	_ = 	snop;
	(pc) =	sbr.rel .LBB2_23-.Ltmp15, $1  }
0x346: {  	_ =	sdelay $0x3  }
.LBB2_25:
0x347: {  	_ =	sfence.sel $0x180000  }
0x348: {  	[bflag:$0x0] =	sbarrier.arrive $0xFFFF  }
0x349: {  	_ =	strace $0x9000004A  }
0x34a: {  	[bflag:$0x2] =	sbarrier.arrive $0xFFFF  }
0x34b: {  	p0 =	sne.s32 s1, $0x0;
	s0 =	rddreg [dreg:$0x4]  }
0x34c: {  	s0 =	sadd.s32 @!p0 $0x100000, s0  }
0x34d: {  	[sflag:s0] =	ssyncadd.tile.s32 @!p0 $0x1;
	_ =	shalt  }
.Lfunc_end2:
_tile_overlayer_lowered:
.L_overlay_start_2:
0x34e: {  	(tag) =	ssettag $0x2  }
0x34f: {  	s0 =	rddreg [dreg:$0x0];
	s2 =	stileid.u32  }
0x350: {  	s1 =	rddreg [dreg:$0x1];
	p0 =	sne.s32 s2, $0x0  }
0x351: {  	s3 =	rddreg [dreg:$0x2];
	[bflag:$0x3] =	sbarrier.arrive $0xFFFF;
	s2 =	simm.s32 @!p0 $0x1C05  }
0x352: {  	[timem:s3], [sflag:s2] =	dma.local @!p0 [hbm:s0], s1  }
0x353: {  	s0 =	simm.s32 @!p0 $0x5  }
0x354: {  	_ =	swait.ge @!p0 [sflag:s0], s1  }
0x355: {  	s1 =	ssub.s32 @!p0 $0x0, s1;
	[sflag:s0] =	ssyncset.done @!p0 $0x0  }
0x356: {  	[sflag:s0] =	ssyncadd.s32 @!p0 s1  }
0x357: {  	[bflag:$0x3] =	sbarrier.arrive $0xFFFF  }
0x358: {  	_ =	shalt  }

// kernel: sparse-core-data-format-call.cloned.1.call-start
scs
called_computation_lowered:
.L_overlay_start_0:
0x0: {  	s1 =	sld [smem:$0x3FD9]  }
0x1: {  	s2 =	sld [smem:$0x3FFE];
	_ =	sdelay $0x1  }
0x2: {  	s3 =	srdreg.scid  }
0x3: {  	s0 =	sand.u32 $0x1, s3  }
0x4: {  	s17 =	sshll.u32 s0, $0xA;
	s1 =	sadd.s32 s2, s1  }
0x5: {  	s1 =	sadd.s32 s1, s17  }
0x6: {  	[smem:$0x3FC5] =	sst s1  }
0x7: {  	_ = 	snop  }
0x8: {  	(tm) =	ssettm $0x1  }
0x9: {  	s18 =	sld [smem:$0x3FFB];
	_ =	sdelay $0x3  }
0xa: {  	_ =	strace s18  }
0xb: {  	s1 =	sld [smem:$0x3FFC];
	_ =	sdelay $0x3  }
0xc: {  	_ =	strace s1  }
0xd: {  	s1 =	sld [smem:$0x3FFD];
	_ =	sdelay $0x3  }
0xe: {  	_ =	strace s1  }
0xf: {  	_ =	strace $0x8FFFFFFF  }
0x10: {  	s19 =	sld [smem:$0x3FDB];
	_ =	sdelay $0x1  }
0x11: {  	s20 =	simm.s32 $_scs_section_size  }
0x12: {  	s4 =	simm.s32 $_size__tile_overlayer_lowered;
	s5 =	simm.s32 $_tile_overlayer_lowered  }
0x13: {  	s23 =	simm.s32 $0x1BFF;
	s22 =	sshll.u32 s5, $0x1;
	s1 =	sadd.s32 s20, s19  }
0x14: {  	s6 =	simm.s32 $0x0;
	s21 =	sshll.u32 s4, $0x1;
	s4 =	sadd.s32 s22, s1  }
0x15: {  	[timem:s6], [sflag:s23] =	dma.local [hbm:s4], s21  }
0x16: {  	_ =	swait.ge [sflag:s23], s21  }
0x17: {  	s2 =	ssub.s32 $0x0, s21;
	[sflag:s23] =	ssyncset.done $0x0  }
0x18: {  	[sflag:s23] =	ssyncadd.s32 s2;
	_ =	sdelay $0x1  }
0x19: {  	s24 =	simm.s32 $0x1B8B  }
0x1a: {  	_ =	swait.ge [sflag:s24], $0x1  }
0x1b: {  	[sflag:s24] =	ssyncset.done $0x0  }
0x1c: {  	s26 =	simm.s32 $0x1B8E;
	s25 =	sld [smem:$0x3FFE];
	[sflag:s24] =	ssyncadd.s32 $0xFFFFFFFF  }
0x1d: {  	s27 =	simm.s32 $execute0_lowered;
	[smem:$0x3FD2] =	sst s26  }
0x1e: {  	s4 =	sshll.u32 s27, $0x1;
	_ =	strace $0x80000046;
	[dreg:$0x1] =	wrdreg $0xFFFFFFFF  }
0x1f: {  	s28 =	simm.s32 $_size_execute0_lowered;
	s1 =	sadd.s32 s1, s4;
	[dreg:$0x0] =	wrdreg $0x0  }
0x20: {  	s4 =	sshll.u32 s28, $0x1;
	[dreg:$0x2] =	wrdreg s1  }
0x21: {  	[dreg:$0x3] =	wrdreg s4  }
0x22: {  	[dreg:$0x4] =	wrdreg $0xC0  }
0x23: {  	_ =	task [dreg:s6], $0x5FFFF  }
0x24: {  	[dreg:$0x1] =	wrdreg $0xFFFFFFFF  }
0x25: {  	[dreg:$0x0] =	wrdreg $0x60  }
0x26: {  	[dreg:$0x2] =	wrdreg s25  }
0x27: {  	[dreg:$0x3] =	wrdreg $0x9  }
0x28: {  	_ =	task.clear_ibuf [dreg:s6], $0x4FFFF;
	_ =	strace $0x90000046  }
0x29: {  	s29 =	simm.s32 $0x9;
	_ =	strace $0x80000048  }
0x2a: {  	_ =	swait.ge [sflag:s29], $0x1  }
0x2b: {  	[sflag:s29] =	ssyncadd.s32 $0xFFFFFFFF  }
0x2c: {  	_ =	strace $0x90000048  }
0x2d: {  	_ =	sfence  }
0x2e: {  	s30 =	sld [smem:$0x0];
	_ =	sdelay $0x2  }
0x2f: {  	s31 =	sshll.u32 s3, $0xD;
	s3 =	sshrl.u32 s3, $0x2  }
0x30: {  	s2 =	sand.u32 $0x4000, s31;
	s1 =	sadd.s32 s3, s30  }
0x31: {  	s0 =	sor.u32 s2, s0;
	s1 =	sshll.u32 s1, $0x11  }
0x32: {  	s0 =	sor.u32 s1, s0  }
0x33: {  	s0 =	sadd.s32 $0x8F2B, s0  }
0x34: {  	[sflag:s0] =	ssyncadd.remote.s32 $0x1  }
0x35: {  	_ =	sfence.sel $0xFFFF  }
0x36: {  	[dreg:$0x0] =	wrdreg $0xFFFFFFFF;
	(pc) =	sbr.abs _section_cstart, $3  }
0x37: {  	[dreg:$0x1] =	wrdreg $0xFFFFFFFF  }
0x38: {  	_ =	task.clear_ibuf [dreg:s6], $0x2FFFF;
	_ =	strace $0x9FFFFFFF  }
0x39: {  	(tm) =	ssettm $0x7FFFFFFF  }
tec
execute0_lowered:
.L_overlay_start_1:
0x0: {  	(tag) =	ssettag $0x1  }
0x1: {  	s4 =	rddreg [dreg:$0x0]  }
0x2: {  	s0 =	rddreg [dreg:$0x1]  }
0x3: {  	s1 =	srdreg.scid;
	_ =	strace $0x80000047;
	s6 =	simm.s32 $0x2  }
0x4: {  	s11 =	simm.s32 $0x0;
	p0 =	por $0x0, $0x0;
	s10 =	simm.s32 $0x0  }
.Ltmp0:
0x5: {  	s8 =	simm.s32 $0x0;
	s3 =	sshll.u32 s1, $0x4;
	(pc) =	sbr.rel .LBB1_1-.Ltmp0, $4  }
0x6: {  	s7 =	simm.s32 $0x0;
	s1 =	stileid.u32;
	s5 =	sand.u32 $0x10, s3  }
0x7: {  	s2 =	sadd.s32 $0x1000, s4;
	s3 =	simm.s32 $0x1;
	s5 =	sor.u32 s1, s5  }
0x8: {  	s4 =	sadd.s32 $0x3F1000, s4;
	[sflag:s3] =	ssyncpa.u1 $0x0;
	s5 =	sshll.u32 s5, $0x7  }
0x9: {  	[sflag:s6] =	ssyncpa.u1 $0x0;
	s6 =	simm.s32 $0x8000;
	s9 =	smov.u32 s5  }
.LBB1_5:
0xa: {  	s12 =	sadd.s32 $0x80, s8  }
0xb: {  	s10 =	sadd.s32 $0x1000, s9;
	s14 =	smov.u32 s9;
	p2 =	sgt.s32 s12, $0x1FFF  }
0xc: {  	p1 =	slt.u32 s7, $0x2;
	s14 =	smov.u32 @p2 s10  }
0xd: {  	s7 =	sadd.s32 $0x1, s7;
	s12 =	simm.s32 @p2 $0x0;
	p2 =	sgt.s32 s14, $0xFBF  }
0xe: {  	s14 =	smov.u32 @p2 s5;
	p2 =	sne.s32 s7, $0x42  }
.Ltmp1:
0xf: {  	_ = 	snop;
	(pc) =	sbr.rel @!p2 .LBB1_6-.Ltmp1, $4  }
0x10: {  	s13 =	simm.s32 @!p1 $0x2  }
0x11: {  	s11 =	smov.u32 s8;
	_ =	swait.ge @!p1 [sflag:s13], $0x4000  }
0x12: {  	p0 =	por !p0, !p0;
	s10 =	smov.u32 s9;
	[sflag:s13] =	ssyncset.done @!p1 $0x0  }
0x13: {  	s8 =	smov.u32 s12;
	[sflag:s13] =	ssyncadd.s32 @!p1 $0xFFFFC000;
	s9 =	smov.u32 s14  }
.LBB1_1:
0x14: {  	p1 =	sgt.u32 s7, $0x3F;
	s15 =	smov.u32 s9  }
0x15: {  	s12 =	sshll.u32 @!p1 s9, $0xD;
	s13 =	sand.u32 @!p1 $0x78, s8;
	p2 =	sgt.s32 @!p1 s9, $0xF40  }
0x16: {  	s14 =	sshll.u32 @!p1 s8, $0x3;
	s16 =	sshra.s32 @!p1 s9, $0x1F;
	s18 =	sshra.s32 @!p1 s8, $0x1F  }
0x17: {  	s12 =	sand.u32 @!p1 $0xFFFF0000, s12;
	p2 =	por !p2, p1;
	s16 =	sand.u32 @!p1 s16, s9  }
0x18: {  	s18 =	sand.u32 @!p1 s18, s8;
	s15 =	simm.s32 @p2 $0xF40;
	p2 =	sgt.s32 @!p1 s8, $0x1F80  }
0x19: {  	s12 =	sadd.s32 @!p1 s12, s14;
	s14 =	sand.u32 @!p1 $0x1C00, s14;
	s15 =	ssub.s32 @!p1 s15, s16  }
0x1a: {  	p2 =	por !p2, p1;
	s16 =	smov.u32 s8;
	s12 =	sshrl.u32 @!p1 s12, $0xD  }
0x1b: {  	s17 =	sadd.s32 @!p1 $0xFFFFF0C0, s15;
	s16 =	simm.s32 @p2 $0x1F80;
	s15 =	ssub.s32 @!p1 $0xFC0, s15  }
0x1c: {  	p2 =	sgt.s32 @!p1 s17, $0x7F;
	s17 =	sshll.u32 @!p1 s9, $0x7;
	s16 =	ssub.s32 @!p1 s16, s18  }
0x1d: {  	s17 =	sand.u32 @!p1 $0x380, s17;
	p2 =	por !p2, p1;
	s18 =	sadd.s32 @!p1 $0xFFFFE080, s16  }
0x1e: {  	s15 =	simm.s32 @!p2 $0x0;
	p2 =	sgt.s32 @!p1 s18, $0x7F;
	s18 =	smulhi.u32 @!p1 $0x104105, s12  }
0x1f: {  	s16 =	ssub.s32 @!p1 $0x2000, s16;
	s13 =	sor.u32 @!p1 s17, s13;
	p2 =	por !p2, p1  }
0x20: {  	s13 =	sor.u32 @!p1 s14, s13;
	s18 =	smul.u32 @!p1 $0xFC0, s18;
	s16 =	simm.s32 @!p2 $0x0  }
0x21: {  	s17 =	sxor.u32 @!p1 $0xFFFFFFFF, s7;
	s13 =	sshrl.u32 @!p1 s13, $0x3;
	s15 =	smul.u32 @!p1 s15, s16  }
0x22: {  	s16 =	sshll.u32 @!p1 s17, $0xE;
	s13 =	sadd.s32 @!p1 s2, s13  }
0x23: {  	s12 =	ssub.s32 @!p1 s12, s18;
	s14 =	sand.u32 @!p1 $0x3FFFFFFF, s15;
	s15 =	sand.u32 @!p1 $0x7, s8  }
0x24: {  	s16 =	sand.u32 @!p1 $0x4000, s16;
	s12 =	sshll.u32 @!p1 s12, $0xA;
	s15 =	sshll.u32 @!p1 s15, $0x12  }
0x25: {  	s12 =	sadd.s32 @!p1 s12, s13;
	s13 =	sor.u32 @!p1 $0x400, s15;
	s15 =	simm.s32 @!p1 $0x10000  }
0x26: {  	[tilespmem:s16], [sflag:$0x1] =	stream.strided.gather @!p1 [hbm4b:s12+s13], s14, s15, s13, $0x38;
	[tilespmem:$0x10100] =	vst v63  }
0x27: {  	p1 =	seq.s32 s7, $0x0  }
0x28: {  	p2 =	seq.s32 @!p1 s7, $0x41  }
0x29: {  	p1 =	por p1, p2  }
.Ltmp2:
0x2a: {  	_ = 	snop;
	(pc) =	sbr.rel @p1 .LBB1_5-.Ltmp2, $1  }
0x2b: {  	_ =	sdelay $0x3  }
0x2c: {  	p1 =	sgt.s32 s10, $0xF40  }
0x2d: {  	s12 =	smov.u32 s10;
	s13 =	sshra.s32 s10, $0x1F;
	s14 =	smov.u32 s11  }
0x2e: {  	s15 =	sshra.s32 s11, $0x1F;
	s12 =	simm.s32 @!p1 $0xF40;
	p1 =	sgt.s32 s11, $0x1F80  }
0x2f: {  	s13 =	sand.u32 s13, s10;
	s27 =	sand.u32 s15, s11;
	s14 =	simm.s32 @!p1 $0x1F80  }
0x30: {  	s12 =	ssub.s32 s12, s13;
	s13 =	ssub.s32 s14, s27  }
0x31: {  	s28 =	sadd.s32 $0xFFFFF0C0, s12;
	s12 =	ssub.s32 $0xFC0, s12;
	s14 =	sadd.s32 $0xFFFFE080, s13  }
0x32: {  	p1 =	sgt.s32 s28, $0x7F;
	s13 =	ssub.s32 $0x2000, s13;
	p2 =	sgt.s32 s14, $0x7F  }
0x33: {  	s12 =	simm.s32 @p1 $0x0;
	s13 =	simm.s32 @p2 $0x0  }
0x34: {  	s12 =	smul.u32 s12, s13;
	_ =	sdelay $0x1  }
0x35: {  	s13 =	simm.s32 $0x1;
	s12 =	sand.u32 $0x3FFFFFFF, s12  }
0x36: {  	s13 =	simm.s32 @!p0 $0x0;
	_ =	swait.ge [sflag:s3], s12  }
0x37: {  	s29 =	sshll.u32 s13, $0xE;
	s12 =	ssub.s32 $0x0, s12;
	[sflag:s3] =	ssyncset.done $0x0  }
0x38: {  	s14 =	sor.u32 $0x40, s29;
	[sflag:s3] =	ssyncadd.s32 s12  }
0x39: {  	s30 =	smul.u32 $0x10200, s13;
	v0 =	vld [tilespmem:s14+$0x30]  }
0x3a: {  	v3 =	vld [tilespmem:s14+$0xFFFFFFD0]  }
0x3b: {  	s12 =	sshrl.u32 s30, $0x2;
	v4 =	vld [tilespmem:s14+$0xFFFFFFE0]  }
0x3c: {  	s13 =	sor.u32 $0x8000, s12;
	v5 =	vld [tilespmem:s14+$0xFFFFFFF0]  }
0x3d: {  	s31 =	sand.u32 $0x1, s7;
	v1 =	vld [tilespmem:s14+$0x0];
	s15 =	sadd.s32 $0x0, s13  }
0x3e: {  	s12 =	smul.u32 $0x10200, s31;
	v2 =	vld [tilespmem:s14+$0x10];
	[tilespmem:s15+$0x3870 ss:$0x81] =	vst.msk $0xffff, v0  }
0x3f: {  	[tilespmem:s15+$0x810 ss:$0x81] =	vst.msk $0xffff, v3;
	v3 =	vld [tilespmem:s14+$0x20]  }
0x40: {  	s12 =	sshrl.u32 s12, $0x2;
	v0 =	vld [tilespmem:s14+$0xFFFFFFC0];
	[tilespmem:s15+$0x1020 ss:$0x81] =	vst.msk $0xffff, v4;
	s14 =	sadd.s32 $0x80, s14  }
0x41: {  	s16 =	simm.s32 $0x4;
	s17 =	simm.s32 $0x8;
	s12 =	sor.u32 $0x8000, s12;
	[tilespmem:s15+$0x1830 ss:$0x81] =	vst.msk $0xffff, v5;
	v4 =	vld [tilespmem:s14+$0x30]  }
.LBB1_3:
0x42: {  	p1 =	sne.s32 s17, $0x1FC;
	v5 =	vld [tilespmem:s14+$0xFFFFFFD0];
	[tilespmem:s15+$0x2040 ss:$0x81] =	vst.msk $0xffff, v1  }
0x43: {  	v6 =	vld [tilespmem:s14+$0xFFFFFFE0];
	[tilespmem:s15+$0x2850 ss:$0x81] =	vst.msk $0xffff, v2  }
0x44: {  	s18 =	sshra.s32 s16, $0x2;
	s16 =	smov.u32 s17;
	v7 =	vld [tilespmem:s14+$0xFFFFFFF0];
	[tilespmem:s15+$0x3060 ss:$0x81] =	vst.msk $0xffff, v3  }
.Ltmp3:
0x45: {  	v1 =	vld [tilespmem:s14+$0x0];
	[tilespmem:s15+$0x0 ss:$0x81] =	vst.msk $0xffff, v0;
	s15 =	sadd.s32 s18, s13;
	(pc) =	sbr.rel @p1 .LBB1_3-.Ltmp3, $4  }
0x46: {  	v2 =	vld [tilespmem:s14+$0x10];
	[tilespmem:s15+$0x3870 ss:$0x81] =	vst.msk $0xffff, v4  }
0x47: {  	[tilespmem:s15+$0x810 ss:$0x81] =	vst.msk $0xffff, v5;
	v3 =	vld [tilespmem:s14+$0x20]  }
0x48: {  	v0 =	vld [tilespmem:s14+$0xFFFFFFC0];
	[tilespmem:s15+$0x1020 ss:$0x81] =	vst.msk $0xffff, v6;
	s14 =	sadd.s32 $0x80, s14  }
0x49: {  	s17 =	sadd.s32 $0x4, s17;
	v4 =	vld [tilespmem:s14+$0x30];
	[tilespmem:s15+$0x1830 ss:$0x81] =	vst.msk $0xffff, v7  }
0x4a: {  	v5 =	vld [tilespmem:s14+$0xFFFFFFD0]  }
0x4b: {  	[tilespmem:s15+$0x2040 ss:$0x81] =	vst.msk $0xffff, v1;
	v58 =	vld [tilespmem:s14+$0xFFFFFFE0]  }
0x4c: {  	v59 =	vld [tilespmem:s14+$0xFFFFFFF0];
	[tilespmem:s15+$0x2850 ss:$0x81] =	vst.msk $0xffff, v2  }
0x4d: {  	s16 =	sshra.s32 s16, $0x2;
	v60 =	vld [tilespmem:s14+$0x0];
	[tilespmem:s15+$0x3060 ss:$0x81] =	vst.msk $0xffff, v3  }
0x4e: {  	v61 =	vld [tilespmem:s14+$0x10];
	s13 =	sadd.s32 s16, s13;
	[tilespmem:s15+$0x0 ss:$0x81] =	vst.msk $0xffff, v0  }
0x4f: {  	s26 =	sshll.u32 s11, $0xC;
	v62 =	vld [tilespmem:s14+$0x20];
	[tilespmem:s13+$0x3870 ss:$0x81] =	vst.msk $0xffff, v4  }
0x50: {  	s27 =	sand.u32 $0x78, s10;
	s17 =	sshll.u32 s10, $0x3;
	v63 =	vld [tilespmem:s14+$0xFFFFFFC0];
	s29 =	sshll.u32 s11, $0x7;
	[tilespmem:s13+$0x810 ss:$0x81] =	vst.msk $0xffff, v5  }
0x51: {  	s28 =	sand.u32 $0x1FFFC00, s17;
	s17 =	sand.u32 $0xC00, s17;
	s15 =	sand.u32 $0x1FF8000, s26;
	[tilespmem:s13+$0x1020 ss:$0x81] =	vst.msk $0xffff, v58  }
0x52: {  	s11 =	sand.u32 $0x380, s29;
	s30 =	sor.u32 s27, s17;
	s14 =	sadd.s32 s28, s15;
	[tilespmem:s13+$0x1830 ss:$0x81] =	vst.msk $0xffff, v59  }
.Ltmp4:
0x53: {  	s11 =	sor.u32 s11, s30;
	[tilespmem:s13+$0x2040 ss:$0x81] =	vst.msk $0xffff, v60;
	s14 =	sand.u32 $0x1FFF000, s14;
	(pc) =	sbr.rel .LBB1_5-.Ltmp4, $4  }
0x54: {  	s31 =	sand.u32 $0x7, s10;
	[tilespmem:s13+$0x2850 ss:$0x81] =	vst.msk $0xffff, v61;
	s11 =	sor.u32 s14, s11  }
0x55: {  	s10 =	sshll.u32 s31, $0x12;
	[tilespmem:s13+$0x3060 ss:$0x81] =	vst.msk $0xffff, v62;
	s11 =	sshrl.u32 s11, $0x3  }
0x56: {  	s10 =	sor.u32 $0x400, s10;
	[tilespmem:s13+$0x0 ss:$0x81] =	vst.msk $0xffff, v63;
	s11 =	sadd.s32 s4, s11  }
0x57: {  	[hbm4b:s11+s10] =	stream.strided.scatter [tilespmem:s12], [sflag:$0x2], $0x4000, s6, s10, $0x20;
	[tilespmem:$0x10100] =	vst v63  }
.LBB1_6:
0x58: {  	_ =	sfence.sel $0x180000  }
0x59: {  	s2 =	simm.s32 $0x1;
	[bflag:$0x0] =	sbarrier.arrive $0xFFFF  }
0x5a: {  	s31 =	simm.s32 $0x2;
	[sflag:s2] =	ssyncpa.u1 $0x1  }
0x5b: {  	[sflag:s31] =	ssyncpa.u1 $0x1  }
0x5c: {  	p0 =	sne.s32 s1, $0x0;
	_ =	strace $0x90000047  }
0x5d: {  	s0 =	sadd.s32 @!p0 $0x100000, s0;
	[bflag:$0x2] =	sbarrier.arrive $0xFFFF  }
0x5e: {  	[sflag:s0] =	ssyncadd.tile.s32 @!p0 $0x1;
	_ =	shalt  }
.Lfunc_end1:
_tile_overlayer_lowered:
.L_overlay_start_2:
0x5f: {  	(tag) =	ssettag $0x2  }
0x60: {  	s0 =	rddreg [dreg:$0x0];
	s2 =	stileid.u32  }
0x61: {  	s1 =	rddreg [dreg:$0x1];
	p0 =	sne.s32 s2, $0x0  }
0x62: {  	s3 =	rddreg [dreg:$0x2];
	[bflag:$0x3] =	sbarrier.arrive $0xFFFF;
	s2 =	simm.s32 @!p0 $0x1C01  }
0x63: {  	[timem:s3], [sflag:s2] =	dma.local @!p0 [hbm:s0], s1  }
0x64: {  	s0 =	simm.s32 @!p0 $0x1  }
0x65: {  	_ =	swait.ge @!p0 [sflag:s0], s1  }
0x66: {  	s1 =	ssub.s32 @!p0 $0x0, s1;
	[sflag:s0] =	ssyncset.done @!p0 $0x0  }
0x67: {  	[sflag:s0] =	ssyncadd.s32 @!p0 s1  }
0x68: {  	[bflag:$0x3] =	sbarrier.arrive $0xFFFF  }
0x69: {  	_ =	shalt  }

</sc_bundles>
